<compile_context>
chip_gen: v7x
topology: tpu7x:2x2x1
jax: 0.10.2.dev20260603
libtpu: 0.0.44.dev20260713+nightly
codegen_flags: <defaults>
</compile_context>

<pallas_src>
import functools

import jax
import jax.numpy as jnp
from jax import lax
from jax.experimental import pallas as pl
from jax.experimental.pallas import tpu as pltpu
from jax.experimental.pallas import tpu_sc as plsc

_D = 64
_DP = 128
_NC = 2
_NS = 16
_NW = _NC * _NS
_CH = 128
_NB = 6
_L = 16


@functools.lru_cache(maxsize=None)
def _make_emb(B: int, V: int):
    n_ch_total = B // _CH
    n_ch = n_ch_total // _NW
    assert n_ch * _NW * _CH == B

    mesh = plsc.VectorSubcoreMesh(
        core_axis_name="c", subcore_axis_name="s",
        num_cores=_NC, num_subcores=_NS,
    )

    @functools.partial(
        pl.kernel,
        mesh=mesh,
        compiler_params=pltpu.CompilerParams(use_tc_tiling_on_sc=False),
        out_type=jax.ShapeDtypeStruct((B, _DP), jnp.float32),
        scratch_types=[
            pltpu.VMEM((n_ch, _CH), jnp.int32),
            pltpu.VMEM((n_ch, _CH), jnp.int32),
            pltpu.VMEM((_NB, _CH, _D), jnp.float32),
            pltpu.SemaphoreType.DMA,
            pltpu.SemaphoreType.DMA,
        ],
    )
    def emb(idx_hbm, table_hbm, out_hbm, idx_v, idx2_v, rows_v, g_sem, o_sem):
        wid = lax.axis_index("s") * _NC + lax.axis_index("c")
        first = wid * n_ch
        base = first * _CH
        pltpu.sync_copy(idx_hbm.at[pl.ds(first, n_ch)], idx_v)
        for j in range(n_ch):
            for k in range(_CH // _L):
                idx2_v[j, pl.ds(k * _L, _L)] = idx_v[j, pl.ds(k * _L, _L)] * 2

        def gather(j):
            return pltpu.async_copy(
                table_hbm.at[idx2_v.at[j]], rows_v.at[j % _NB], g_sem)

        def out_copy(j):
            return pltpu.async_copy(
                rows_v.at[j % _NB],
                out_hbm.at[pl.ds(base + j * _CH, _CH), pl.ds(0, _D)], o_sem)

        gathers = [gather(j) for j in range(min(_NB, n_ch))]
        o_copies = [None] * n_ch
        for j in range(n_ch):
            gathers[j].wait()
            o_copies[j] = out_copy(j)
            if j + _NB < n_ch:
                o_copies[j].wait()
                gathers.append(gather(j + _NB))
        for j in range(max(0, n_ch - _NB), n_ch):
            o_copies[j].wait()

    return emb


def kernel(tokens, table):
    orig_shape = tokens.shape
    B = 1
    for s in orig_shape:
        B *= s
    V = table.shape[0]
    idx = tokens.reshape(B // _CH, _CH).astype(jnp.int32)
    tab128 = jnp.pad(table, ((0, 0), (0, _DP - _D)))
    tab2 = tab128.reshape(2 * V, _D)
    out = _make_emb(B, V)(idx, tab2)
    return out[:, :_D].reshape(*orig_shape, _D)

# --- scband reference (transcript-rebuilt; emitter-appended) ---
"""Pipeline reference for scband-token-embedding-20083267076906 (READ-ONLY COPY).

The authoritative reference and input builder live on the scoring server;
editing this copy changes nothing except your own understanding.
"""

import jax, jax.numpy as jnp
import numpy as np

VOCAB = 100000
EMBED_DIM = 64

def setup_inputs(seed: int = 0) -> dict:
    key = jax.random.key(seed)
    k_tok, k_tab = jax.random.split(key)
    tokens = jax.random.randint(k_tok, (16, 16, 16, 16), 0, VOCAB, dtype=jnp.int64 if jax.config.jax_enable_x64 else jnp.int32)
    table = jax.random.normal(k_tab, (VOCAB, EMBED_DIM), dtype=jnp.float32)
    return {"tokens": tokens, "table": table}

def reference(tokens, table):
    # nn.Embedding lookup: (B, T, Hp, Wp) -> (B, T, Hp, Wp, embedding_dim)
    return jnp.take(table, tokens, axis=0)

if __name__ == "__main__":
    import jax
    _d = setup_inputs()
    print(jax.jit(kernel)(*tuple(_d.values())))

</pallas_src>

<mosaic_0001>
#map = affine_map<(d0, d1) -> (0, 0)>
module attributes {stable_mosaic.version = 14 : i64} {
  func.func @emb(%arg0: i32, %arg1: i32, %arg2: memref<512x128xi32, #tpu.memory_space<hbm>>, %arg3: memref<200000x64xf32, #tpu.memory_space<hbm>>, %arg4: memref<65536x128xf32, #tpu.memory_space<hbm>>, %arg5: memref<16x128xi32, #tpu.memory_space<vmem>>, %arg6: memref<16x128xi32, #tpu.memory_space<vmem>>, %arg7: memref<6x128x64xf32, #tpu.memory_space<vmem>>, %arg8: memref<!tpu.dma_semaphore, #tpu.memory_space<semaphore_mem>>, %arg9: memref<!tpu.dma_semaphore, #tpu.memory_space<semaphore_mem>>) attributes {dimension_semantics = [#tpu.dimension_semantics<core_parallel>, #tpu.dimension_semantics<subcore_parallel>], iteration_bounds = array<i64: 2, 16>, scalar_prefetch = 0 : i64, scratch_operands = 5 : i64, tpu.core_type = #tpu.core_type<sc_vector_subcore>, window_params = [{transform_indices = #map}, {transform_indices = #map}, {transform_indices = #map}]} {
    %mul3A = arith.constant 2 : i32
    %mul3A_0 = arith.muli %arg1, %mul3A : i32
    %add3A = arith.addi %mul3A_0, %arg0 : i32
    %mul3A_1 = arith.constant 16 : i32
    %mul3A_2 = arith.muli %add3A, %mul3A_1 : i32
    %mul3A_3 = arith.constant 128 : i32
    %mul3A_4 = arith.muli %mul3A_2, %mul3A_3 : i32
    "tpu.region"() ({
      %run_scoped3A = tpu.sem_alloc : memref<!tpu.dma_semaphore, #tpu.memory_space<semaphore_mem>>
      %dma_start3A_2625 = arith.constant 0 : i32
      %dma_start3A_2626 = tpu.memref_slice %arg2[%mul3A_2, %dma_start3A_2625] : memref<512x128xi32, #tpu.memory_space<hbm>> -> memref<16x128xi32, #tpu.memory_space<hbm>>
      %dma_start3A_2627 = arith.constant 0 : i32
      %dma_start3A_2628 = tpu.memref_slice %arg2[%mul3A_2, %dma_start3A_2627] : memref<512x128xi32, #tpu.memory_space<hbm>> -> memref<16x128xi32, #tpu.memory_space<hbm>>
      tpu.enqueue_dma source(%dma_start3A_2628 : memref<16x128xi32, #tpu.memory_space<hbm>>) target(%arg5 : memref<16x128xi32, #tpu.memory_space<vmem>>) target_semaphore(%run_scoped3A : memref<!tpu.dma_semaphore, #tpu.memory_space<semaphore_mem>>)
      %dma_wait3A_2629 = arith.constant 0 : i32
      %dma_wait3A_2630 = tpu.memref_slice %arg2[%mul3A_2, %dma_wait3A_2629] : memref<512x128xi32, #tpu.memory_space<hbm>> -> memref<16x128xi32, #tpu.memory_space<hbm>>
      %dma_wait3A_2631 = arith.constant 0 : i32
      %dma_wait3A_2632 = tpu.memref_slice %arg2[%mul3A_2, %dma_wait3A_2631] : memref<512x128xi32, #tpu.memory_space<hbm>> -> memref<16x128xi32, #tpu.memory_space<hbm>>
      tpu.wait_dma2 semaphore(%run_scoped3A : memref<!tpu.dma_semaphore, #tpu.memory_space<semaphore_mem>>) src(%dma_wait3A_2632 : memref<16x128xi32, #tpu.memory_space<hbm>>) dst(%arg5 : memref<16x128xi32, #tpu.memory_space<vmem>>)
      tpu.yield
    }) : () -> ()
    %get3A = arith.constant 0 : i32
    %get3A_5 = arith.index_cast %get3A : i32 to index
    %get3A_6 = arith.constant 0 : index
    %get3A_7 = tpu.vector_load %arg5[%get3A_5, %get3A_6] {strides = array<i32>} : memref<16x128xi32, #tpu.memory_space<vmem>>, vector<1x16xi32>,
    %get3A_8 = vector.shape_cast %get3A_7 : vector<1x16xi32> to vector<16xi32>
    %mul3A_9 = arith.constant 2 : i32
    %mul3A_10 = vector.broadcast %mul3A_9 : i32 to vector<16xi32>
    %mul3A_11 = arith.muli %get3A_8, %mul3A_10 : vector<16xi32>
    %swap3A = arith.constant 0 : i32
    %swap3A_12 = arith.index_cast %swap3A : i32 to index
    %swap3A_13 = arith.constant 0 : index
    %swap3A_14 = tpu.vector_load %arg6[%swap3A_12, %swap3A_13] {strides = array<i32>} : memref<16x128xi32, #tpu.memory_space<vmem>>, vector<1x16xi32>,
    %swap3A_15 = vector.shape_cast %swap3A_14 : vector<1x16xi32> to vector<16xi32>
    %swap3A_16 = vector.shape_cast %mul3A_11 : vector<16xi32> to vector<1x16xi32>
    tpu.vector_store %arg6[%swap3A_12, %swap3A_13], %swap3A_16 {strides = array<i32>} : memref<16x128xi32, #tpu.memory_space<vmem>>, vector<1x16xi32>,
    %get3A_17 = arith.constant 0 : i32
    %get3A_18 = arith.index_cast %get3A_17 : i32 to index
    %get3A_19 = arith.constant 16 : index
    %get3A_20 = tpu.vector_load %arg5[%get3A_18, %get3A_19] {strides = array<i32>} : memref<16x128xi32, #tpu.memory_space<vmem>>, vector<1x16xi32>,
    %get3A_21 = vector.shape_cast %get3A_20 : vector<1x16xi32> to vector<16xi32>
    %mul3A_22 = arith.constant 2 : i32
    %mul3A_23 = vector.broadcast %mul3A_22 : i32 to vector<16xi32>
    %mul3A_24 = arith.muli %get3A_21, %mul3A_23 : vector<16xi32>
    %swap3A_25 = arith.constant 0 : i32
    %swap3A_26 = arith.index_cast %swap3A_25 : i32 to index
    %swap3A_27 = arith.constant 16 : index
    %swap3A_28 = tpu.vector_load %arg6[%swap3A_26, %swap3A_27] {strides = array<i32>} : memref<16x128xi32, #tpu.memory_space<vmem>>, vector<1x16xi32>,
    %swap3A_29 = vector.shape_cast %swap3A_28 : vector<1x16xi32> to vector<16xi32>
    %swap3A_30 = vector.shape_cast %mul3A_24 : vector<16xi32> to vector<1x16xi32>
    tpu.vector_store %arg6[%swap3A_26, %swap3A_27], %swap3A_30 {strides = array<i32>} : memref<16x128xi32, #tpu.memory_space<vmem>>, vector<1x16xi32>,
    %get3A_31 = arith.constant 0 : i32
    %get3A_32 = arith.index_cast %get3A_31 : i32 to index
    %get3A_33 = arith.constant 32 : index
    %get3A_34 = tpu.vector_load %arg5[%get3A_32, %get3A_33] {strides = array<i32>} : memref<16x128xi32, #tpu.memory_space<vmem>>, vector<1x16xi32>,
    %get3A_35 = vector.shape_cast %get3A_34 : vector<1x16xi32> to vector<16xi32>
    %mul3A_36 = arith.constant 2 : i32
    %mul3A_37 = vector.broadcast %mul3A_36 : i32 to vector<16xi32>
    %mul3A_38 = arith.muli %get3A_35, %mul3A_37 : vector<16xi32>
    %swap3A_39 = arith.constant 0 : i32
    %swap3A_40 = arith.index_cast %swap3A_39 : i32 to index
    %swap3A_41 = arith.constant 32 : index
    %swap3A_42 = tpu.vector_load %arg6[%swap3A_40, %swap3A_41] {strides = array<i32>} : memref<16x128xi32, #tpu.memory_space<vmem>>, vector<1x16xi32>,
    %swap3A_43 = vector.shape_cast %swap3A_42 : vector<1x16xi32> to vector<16xi32>
    %swap3A_44 = vector.shape_cast %mul3A_38 : vector<16xi32> to vector<1x16xi32>
    tpu.vector_store %arg6[%swap3A_40, %swap3A_41], %swap3A_44 {strides = array<i32>} : memref<16x128xi32, #tpu.memory_space<vmem>>, vector<1x16xi32>,
    %get3A_45 = arith.constant 0 : i32
    %get3A_46 = arith.index_cast %get3A_45 : i32 to index
    %get3A_47 = arith.constant 48 : index
    %get3A_48 = tpu.vector_load %arg5[%get3A_46, %get3A_47] {strides = array<i32>} : memref<16x128xi32, #tpu.memory_space<vmem>>, vector<1x16xi32>,
    %get3A_49 = vector.shape_cast %get3A_48 : vector<1x16xi32> to vector<16xi32>
    %mul3A_50 = arith.constant 2 : i32
    %mul3A_51 = vector.broadcast %mul3A_50 : i32 to vector<16xi32>
    %mul3A_52 = arith.muli %get3A_49, %mul3A_51 : vector<16xi32>
    %swap3A_53 = arith.constant 0 : i32
    %swap3A_54 = arith.index_cast %swap3A_53 : i32 to index
    %swap3A_55 = arith.constant 48 : index
    %swap3A_56 = tpu.vector_load %arg6[%swap3A_54, %swap3A_55] {strides = array<i32>} : memref<16x128xi32, #tpu.memory_space<vmem>>, vector<1x16xi32>,
    %swap3A_57 = vector.shape_cast %swap3A_56 : vector<1x16xi32> to vector<16xi32>
    %swap3A_58 = vector.shape_cast %mul3A_52 : vector<16xi32> to vector<1x16xi32>
    tpu.vector_store %arg6[%swap3A_54, %swap3A_55], %swap3A_58 {strides = array<i32>} : memref<16x128xi32, #tpu.memory_space<vmem>>, vector<1x16xi32>,
    %get3A_59 = arith.constant 0 : i32
    %get3A_60 = arith.index_cast %get3A_59 : i32 to index
    %get3A_61 = arith.constant 64 : index
    %get3A_62 = tpu.vector_load %arg5[%get3A_60, %get3A_61] {strides = array<i32>} : memref<16x128xi32, #tpu.memory_space<vmem>>, vector<1x16xi32>,
    %get3A_63 = vector.shape_cast %get3A_62 : vector<1x16xi32> to vector<16xi32>
    %mul3A_64 = arith.constant 2 : i32
    %mul3A_65 = vector.broadcast %mul3A_64 : i32 to vector<16xi32>
    %mul3A_66 = arith.muli %get3A_63, %mul3A_65 : vector<16xi32>
    %swap3A_67 = arith.constant 0 : i32
    %swap3A_68 = arith.index_cast %swap3A_67 : i32 to index
    %swap3A_69 = arith.constant 64 : index
    %swap3A_70 = tpu.vector_load %arg6[%swap3A_68, %swap3A_69] {strides = array<i32>} : memref<16x128xi32, #tpu.memory_space<vmem>>, vector<1x16xi32>,
    %swap3A_71 = vector.shape_cast %swap3A_70 : vector<1x16xi32> to vector<16xi32>
    %swap3A_72 = vector.shape_cast %mul3A_66 : vector<16xi32> to vector<1x16xi32>
    tpu.vector_store %arg6[%swap3A_68, %swap3A_69], %swap3A_72 {strides = array<i32>} : memref<16x128xi32, #tpu.memory_space<vmem>>, vector<1x16xi32>,
    %get3A_73 = arith.constant 0 : i32
    %get3A_74 = arith.index_cast %get3A_73 : i32 to index
    %get3A_75 = arith.constant 80 : index
    %get3A_76 = tpu.vector_load %arg5[%get3A_74, %get3A_75] {strides = array<i32>} : memref<16x128xi32, #tpu.memory_space<vmem>>, vector<1x16xi32>,
    %get3A_77 = vector.shape_cast %get3A_76 : vector<1x16xi32> to vector<16xi32>
    %mul3A_78 = arith.constant 2 : i32
    %mul3A_79 = vector.broadcast %mul3A_78 : i32 to vector<16xi32>
    %mul3A_80 = arith.muli %get3A_77, %mul3A_79 : vector<16xi32>
    %swap3A_81 = arith.constant 0 : i32
    %swap3A_82 = arith.index_cast %swap3A_81 : i32 to index
    %swap3A_83 = arith.constant 80 : index
    %swap3A_84 = tpu.vector_load %arg6[%swap3A_82, %swap3A_83] {strides = array<i32>} : memref<16x128xi32, #tpu.memory_space<vmem>>, vector<1x16xi32>,
    %swap3A_85 = vector.shape_cast %swap3A_84 : vector<1x16xi32> to vector<16xi32>
    %swap3A_86 = vector.shape_cast %mul3A_80 : vector<16xi32> to vector<1x16xi32>
    tpu.vector_store %arg6[%swap3A_82, %swap3A_83], %swap3A_86 {strides = array<i32>} : memref<16x128xi32, #tpu.memory_space<vmem>>, vector<1x16xi32>,
    %get3A_87 = arith.constant 0 : i32
    %get3A_88 = arith.index_cast %get3A_87 : i32 to index
    %get3A_89 = arith.constant 96 : index
    %get3A_90 = tpu.vector_load %arg5[%get3A_88, %get3A_89] {strides = array<i32>} : memref<16x128xi32, #tpu.memory_space<vmem>>, vector<1x16xi32>,
    %get3A_91 = vector.shape_cast %get3A_90 : vector<1x16xi32> to vector<16xi32>
    %mul3A_92 = arith.constant 2 : i32
    %mul3A_93 = vector.broadcast %mul3A_92 : i32 to vector<16xi32>
    %mul3A_94 = arith.muli %get3A_91, %mul3A_93 : vector<16xi32>
    %swap3A_95 = arith.constant 0 : i32
    %swap3A_96 = arith.index_cast %swap3A_95 : i32 to index
    %swap3A_97 = arith.constant 96 : index
    %swap3A_98 = tpu.vector_load %arg6[%swap3A_96, %swap3A_97] {strides = array<i32>} : memref<16x128xi32, #tpu.memory_space<vmem>>, vector<1x16xi32>,
    %swap3A_99 = vector.shape_cast %swap3A_98 : vector<1x16xi32> to vector<16xi32>
    %swap3A_100 = vector.shape_cast %mul3A_94 : vector<16xi32> to vector<1x16xi32>
    tpu.vector_store %arg6[%swap3A_96, %swap3A_97], %swap3A_100 {strides = array<i32>} : memref<16x128xi32, #tpu.memory_space<vmem>>, vector<1x16xi32>,
    %get3A_101 = arith.constant 0 : i32
    %get3A_102 = arith.index_cast %get3A_101 : i32 to index
    %get3A_103 = arith.constant 112 : index
    %get3A_104 = tpu.vector_load %arg5[%get3A_102, %get3A_103] {strides = array<i32>} : memref<16x128xi32, #tpu.memory_space<vmem>>, vector<1x16xi32>,
    %get3A_105 = vector.shape_cast %get3A_104 : vector<1x16xi32> to vector<16xi32>
    %mul3A_106 = arith.constant 2 : i32
    %mul3A_107 = vector.broadcast %mul3A_106 : i32 to vector<16xi32>
    %mul3A_108 = arith.muli %get3A_105, %mul3A_107 : vector<16xi32>
    %swap3A_109 = arith.constant 0 : i32
    %swap3A_110 = arith.index_cast %swap3A_109 : i32 to index
    %swap3A_111 = arith.constant 112 : index
    %swap3A_112 = tpu.vector_load %arg6[%swap3A_110, %swap3A_111] {strides = array<i32>} : memref<16x128xi32, #tpu.memory_space<vmem>>, vector<1x16xi32>,
    %swap3A_113 = vector.shape_cast %swap3A_112 : vector<1x16xi32> to vector<16xi32>
    %swap3A_114 = vector.shape_cast %mul3A_108 : vector<16xi32> to vector<1x16xi32>
    tpu.vector_store %arg6[%swap3A_110, %swap3A_111], %swap3A_114 {strides = array<i32>} : memref<16x128xi32, #tpu.memory_space<vmem>>, vector<1x16xi32>,
    %get3A_115 = arith.constant 1 : i32
    %get3A_116 = arith.index_cast %get3A_115 : i32 to index
    %get3A_117 = arith.constant 0 : index
    %get3A_118 = tpu.vector_load %arg5[%get3A_116, %get3A_117] {strides = array<i32>} : memref<16x128xi32, #tpu.memory_space<vmem>>, vector<1x16xi32>,
    %get3A_119 = vector.shape_cast %get3A_118 : vector<1x16xi32> to vector<16xi32>
    %mul3A_120 = arith.constant 2 : i32
    %mul3A_121 = vector.broadcast %mul3A_120 : i32 to vector<16xi32>
    %mul3A_122 = arith.muli %get3A_119, %mul3A_121 : vector<16xi32>
    %swap3A_123 = arith.constant 1 : i32
    %swap3A_124 = arith.index_cast %swap3A_123 : i32 to index
    %swap3A_125 = arith.constant 0 : index
    %swap3A_126 = tpu.vector_load %arg6[%swap3A_124, %swap3A_125] {strides = array<i32>} : memref<16x128xi32, #tpu.memory_space<vmem>>, vector<1x16xi32>,
    %swap3A_127 = vector.shape_cast %swap3A_126 : vector<1x16xi32> to vector<16xi32>
    %swap3A_128 = vector.shape_cast %mul3A_122 : vector<16xi32> to vector<1x16xi32>
    tpu.vector_store %arg6[%swap3A_124, %swap3A_125], %swap3A_128 {strides = array<i32>} : memref<16x128xi32, #tpu.memory_space<vmem>>, vector<1x16xi32>,
    %get3A_129 = arith.constant 1 : i32
    %get3A_130 = arith.index_cast %get3A_129 : i32 to index
    %get3A_131 = arith.constant 16 : index
    %get3A_132 = tpu.vector_load %arg5[%get3A_130, %get3A_131] {strides = array<i32>} : memref<16x128xi32, #tpu.memory_space<vmem>>, vector<1x16xi32>,
    %get3A_133 = vector.shape_cast %get3A_132 : vector<1x16xi32> to vector<16xi32>
    %mul3A_134 = arith.constant 2 : i32
    %mul3A_135 = vector.broadcast %mul3A_134 : i32 to vector<16xi32>
    %mul3A_136 = arith.muli %get3A_133, %mul3A_135 : vector<16xi32>
    %swap3A_137 = arith.constant 1 : i32
    %swap3A_138 = arith.index_cast %swap3A_137 : i32 to index
    %swap3A_139 = arith.constant 16 : index
    %swap3A_140 = tpu.vector_load %arg6[%swap3A_138, %swap3A_139] {strides = array<i32>} : memref<16x128xi32, #tpu.memory_space<vmem>>, vector<1x16xi32>,
    %swap3A_141 = vector.shape_cast %swap3A_140 : vector<1x16xi32> to vector<16xi32>
    %swap3A_142 = vector.shape_cast %mul3A_136 : vector<16xi32> to vector<1x16xi32>
    tpu.vector_store %arg6[%swap3A_138, %swap3A_139], %swap3A_142 {strides = array<i32>} : memref<16x128xi32, #tpu.memory_space<vmem>>, vector<1x16xi32>,
    %get3A_143 = arith.constant 1 : i32
    %get3A_144 = arith.index_cast %get3A_143 : i32 to index
    %get3A_145 = arith.constant 32 : index
    %get3A_146 = tpu.vector_load %arg5[%get3A_144, %get3A_145] {strides = array<i32>} : memref<16x128xi32, #tpu.memory_space<vmem>>, vector<1x16xi32>,
    %get3A_147 = vector.shape_cast %get3A_146 : vector<1x16xi32> to vector<16xi32>
    %mul3A_148 = arith.constant 2 : i32
    %mul3A_149 = vector.broadcast %mul3A_148 : i32 to vector<16xi32>
    %mul3A_150 = arith.muli %get3A_147, %mul3A_149 : vector<16xi32>
    %swap3A_151 = arith.constant 1 : i32
    %swap3A_152 = arith.index_cast %swap3A_151 : i32 to index
    %swap3A_153 = arith.constant 32 : index
    %swap3A_154 = tpu.vector_load %arg6[%swap3A_152, %swap3A_153] {strides = array<i32>} : memref<16x128xi32, #tpu.memory_space<vmem>>, vector<1x16xi32>,
    %swap3A_155 = vector.shape_cast %swap3A_154 : vector<1x16xi32> to vector<16xi32>
    %swap3A_156 = vector.shape_cast %mul3A_150 : vector<16xi32> to vector<1x16xi32>
    tpu.vector_store %arg6[%swap3A_152, %swap3A_153], %swap3A_156 {strides = array<i32>} : memref<16x128xi32, #tpu.memory_space<vmem>>, vector<1x16xi32>,
    %get3A_157 = arith.constant 1 : i32
    %get3A_158 = arith.index_cast %get3A_157 : i32 to index
    %get3A_159 = arith.constant 48 : index
    %get3A_160 = tpu.vector_load %arg5[%get3A_158, %get3A_159] {strides = array<i32>} : memref<16x128xi32, #tpu.memory_space<vmem>>, vector<1x16xi32>,
    %get3A_161 = vector.shape_cast %get3A_160 : vector<1x16xi32> to vector<16xi32>
    %mul3A_162 = arith.constant 2 : i32
    %mul3A_163 = vector.broadcast %mul3A_162 : i32 to vector<16xi32>
    %mul3A_164 = arith.muli %get3A_161, %mul3A_163 : vector<16xi32>
    %swap3A_165 = arith.constant 1 : i32
    %swap3A_166 = arith.index_cast %swap3A_165 : i32 to index
    %swap3A_167 = arith.constant 48 : index
    %swap3A_168 = tpu.vector_load %arg6[%swap3A_166, %swap3A_167] {strides = array<i32>} : memref<16x128xi32, #tpu.memory_space<vmem>>, vector<1x16xi32>,
    %swap3A_169 = vector.shape_cast %swap3A_168 : vector<1x16xi32> to vector<16xi32>
    %swap3A_170 = vector.shape_cast %mul3A_164 : vector<16xi32> to vector<1x16xi32>
    tpu.vector_store %arg6[%swap3A_166, %swap3A_167], %swap3A_170 {strides = array<i32>} : memref<16x128xi32, #tpu.memory_space<vmem>>, vector<1x16xi32>,
    %get3A_171 = arith.constant 1 : i32
    %get3A_172 = arith.index_cast %get3A_171 : i32 to index
    %get3A_173 = arith.constant 64 : index
    %get3A_174 = tpu.vector_load %arg5[%get3A_172, %get3A_173] {strides = array<i32>} : memref<16x128xi32, #tpu.memory_space<vmem>>, vector<1x16xi32>,
    %get3A_175 = vector.shape_cast %get3A_174 : vector<1x16xi32> to vector<16xi32>
    %mul3A_176 = arith.constant 2 : i32
    %mul3A_177 = vector.broadcast %mul3A_176 : i32 to vector<16xi32>
    %mul3A_178 = arith.muli %get3A_175, %mul3A_177 : vector<16xi32>
    %swap3A_179 = arith.constant 1 : i32
    %swap3A_180 = arith.index_cast %swap3A_179 : i32 to index
    %swap3A_181 = arith.constant 64 : index
    %swap3A_182 = tpu.vector_load %arg6[%swap3A_180, %swap3A_181] {strides = array<i32>} : memref<16x128xi32, #tpu.memory_space<vmem>>, vector<1x16xi32>,
    %swap3A_183 = vector.shape_cast %swap3A_182 : vector<1x16xi32> to vector<16xi32>
    %swap3A_184 = vector.shape_cast %mul3A_178 : vector<16xi32> to vector<1x16xi32>
    tpu.vector_store %arg6[%swap3A_180, %swap3A_181], %swap3A_184 {strides = array<i32>} : memref<16x128xi32, #tpu.memory_space<vmem>>, vector<1x16xi32>,
    %get3A_185 = arith.constant 1 : i32
    %get3A_186 = arith.index_cast %get3A_185 : i32 to index
    %get3A_187 = arith.constant 80 : index
    %get3A_188 = tpu.vector_load %arg5[%get3A_186, %get3A_187] {strides = array<i32>} : memref<16x128xi32, #tpu.memory_space<vmem>>, vector<1x16xi32>,
    %get3A_189 = vector.shape_cast %get3A_188 : vector<1x16xi32> to vector<16xi32>
    %mul3A_190 = arith.constant 2 : i32
    %mul3A_191 = vector.broadcast %mul3A_190 : i32 to vector<16xi32>
    %mul3A_192 = arith.muli %get3A_189, %mul3A_191 : vector<16xi32>
    %swap3A_193 = arith.constant 1 : i32
    %swap3A_194 = arith.index_cast %swap3A_193 : i32 to index
    %swap3A_195 = arith.constant 80 : index
    %swap3A_196 = tpu.vector_load %arg6[%swap3A_194, %swap3A_195] {strides = array<i32>} : memref<16x128xi32, #tpu.memory_space<vmem>>, vector<1x16xi32>,
    %swap3A_197 = vector.shape_cast %swap3A_196 : vector<1x16xi32> to vector<16xi32>
    %swap3A_198 = vector.shape_cast %mul3A_192 : vector<16xi32> to vector<1x16xi32>
    tpu.vector_store %arg6[%swap3A_194, %swap3A_195], %swap3A_198 {strides = array<i32>} : memref<16x128xi32, #tpu.memory_space<vmem>>, vector<1x16xi32>,
    %get3A_199 = arith.constant 1 : i32
    %get3A_200 = arith.index_cast %get3A_199 : i32 to index
    %get3A_201 = arith.constant 96 : index
    %get3A_202 = tpu.vector_load %arg5[%get3A_200, %get3A_201] {strides = array<i32>} : memref<16x128xi32, #tpu.memory_space<vmem>>, vector<1x16xi32>,
    %get3A_203 = vector.shape_cast %get3A_202 : vector<1x16xi32> to vector<16xi32>
    %mul3A_204 = arith.constant 2 : i32
    %mul3A_205 = vector.broadcast %mul3A_204 : i32 to vector<16xi32>
    %mul3A_206 = arith.muli %get3A_203, %mul3A_205 : vector<16xi32>
    %swap3A_207 = arith.constant 1 : i32
    %swap3A_208 = arith.index_cast %swap3A_207 : i32 to index
    %swap3A_209 = arith.constant 96 : index
    %swap3A_210 = tpu.vector_load %arg6[%swap3A_208, %swap3A_209] {strides = array<i32>} : memref<16x128xi32, #tpu.memory_space<vmem>>, vector<1x16xi32>,
    %swap3A_211 = vector.shape_cast %swap3A_210 : vector<1x16xi32> to vector<16xi32>
    %swap3A_212 = vector.shape_cast %mul3A_206 : vector<16xi32> to vector<1x16xi32>
    tpu.vector_store %arg6[%swap3A_208, %swap3A_209], %swap3A_212 {strides = array<i32>} : memref<16x128xi32, #tpu.memory_space<vmem>>, vector<1x16xi32>,
    %get3A_213 = arith.constant 1 : i32
    %get3A_214 = arith.index_cast %get3A_213 : i32 to index
    %get3A_215 = arith.constant 112 : index
    %get3A_216 = tpu.vector_load %arg5[%get3A_214, %get3A_215] {strides = array<i32>} : memref<16x128xi32, #tpu.memory_space<vmem>>, vector<1x16xi32>,
    %get3A_217 = vector.shape_cast %get3A_216 : vector<1x16xi32> to vector<16xi32>
    %mul3A_218 = arith.constant 2 : i32
    %mul3A_219 = vector.broadcast %mul3A_218 : i32 to vector<16xi32>
    %mul3A_220 = arith.muli %get3A_217, %mul3A_219 : vector<16xi32>
    %swap3A_221 = arith.constant 1 : i32
    %swap3A_222 = arith.index_cast %swap3A_221 : i32 to index
    %swap3A_223 = arith.constant 112 : index
    %swap3A_224 = tpu.vector_load %arg6[%swap3A_222, %swap3A_223] {strides = array<i32>} : memref<16x128xi32, #tpu.memory_space<vmem>>, vector<1x16xi32>,
    %swap3A_225 = vector.shape_cast %swap3A_224 : vector<1x16xi32> to vector<16xi32>
    %swap3A_226 = vector.shape_cast %mul3A_220 : vector<16xi32> to vector<1x16xi32>
    tpu.vector_store %arg6[%swap3A_222, %swap3A_223], %swap3A_226 {strides = array<i32>} : memref<16x128xi32, #tpu.memory_space<vmem>>, vector<1x16xi32>,
    %get3A_227 = arith.constant 2 : i32
    %get3A_228 = arith.index_cast %get3A_227 : i32 to index
    %get3A_229 = arith.constant 0 : index
    %get3A_230 = tpu.vector_load %arg5[%get3A_228, %get3A_229] {strides = array<i32>} : memref<16x128xi32, #tpu.memory_space<vmem>>, vector<1x16xi32>,
    %get3A_231 = vector.shape_cast %get3A_230 : vector<1x16xi32> to vector<16xi32>
    %mul3A_232 = arith.constant 2 : i32
    %mul3A_233 = vector.broadcast %mul3A_232 : i32 to vector<16xi32>
    %mul3A_234 = arith.muli %get3A_231, %mul3A_233 : vector<16xi32>
    %swap3A_235 = arith.constant 2 : i32
    %swap3A_236 = arith.index_cast %swap3A_235 : i32 to index
    %swap3A_237 = arith.constant 0 : index
    %swap3A_238 = tpu.vector_load %arg6[%swap3A_236, %swap3A_237] {strides = array<i32>} : memref<16x128xi32, #tpu.memory_space<vmem>>, vector<1x16xi32>,
    %swap3A_239 = vector.shape_cast %swap3A_238 : vector<1x16xi32> to vector<16xi32>
    %swap3A_240 = vector.shape_cast %mul3A_234 : vector<16xi32> to vector<1x16xi32>
    tpu.vector_store %arg6[%swap3A_236, %swap3A_237], %swap3A_240 {strides = array<i32>} : memref<16x128xi32, #tpu.memory_space<vmem>>, vector<1x16xi32>,
    %get3A_241 = arith.constant 2 : i32
    %get3A_242 = arith.index_cast %get3A_241 : i32 to index
    %get3A_243 = arith.constant 16 : index
    %get3A_244 = tpu.vector_load %arg5[%get3A_242, %get3A_243] {strides = array<i32>} : memref<16x128xi32, #tpu.memory_space<vmem>>, vector<1x16xi32>,
    %get3A_245 = vector.shape_cast %get3A_244 : vector<1x16xi32> to vector<16xi32>
    %mul3A_246 = arith.constant 2 : i32
    %mul3A_247 = vector.broadcast %mul3A_246 : i32 to vector<16xi32>
    %mul3A_248 = arith.muli %get3A_245, %mul3A_247 : vector<16xi32>
    %swap3A_249 = arith.constant 2 : i32
    %swap3A_250 = arith.index_cast %swap3A_249 : i32 to index
    %swap3A_251 = arith.constant 16 : index
    %swap3A_252 = tpu.vector_load %arg6[%swap3A_250, %swap3A_251] {strides = array<i32>} : memref<16x128xi32, #tpu.memory_space<vmem>>, vector<1x16xi32>,
    %swap3A_253 = vector.shape_cast %swap3A_252 : vector<1x16xi32> to vector<16xi32>
    %swap3A_254 = vector.shape_cast %mul3A_248 : vector<16xi32> to vector<1x16xi32>
    tpu.vector_store %arg6[%swap3A_250, %swap3A_251], %swap3A_254 {strides = array<i32>} : memref<16x128xi32, #tpu.memory_space<vmem>>, vector<1x16xi32>,
    %get3A_255 = arith.constant 2 : i32
    %get3A_256 = arith.index_cast %get3A_255 : i32 to index
    %get3A_257 = arith.constant 32 : index
    %get3A_258 = tpu.vector_load %arg5[%get3A_256, %get3A_257] {strides = array<i32>} : memref<16x128xi32, #tpu.memory_space<vmem>>, vector<1x16xi32>,
    %get3A_259 = vector.shape_cast %get3A_258 : vector<1x16xi32> to vector<16xi32>
    %mul3A_260 = arith.constant 2 : i32
    %mul3A_261 = vector.broadcast %mul3A_260 : i32 to vector<16xi32>
    %mul3A_262 = arith.muli %get3A_259, %mul3A_261 : vector<16xi32>
    %swap3A_263 = arith.constant 2 : i32
    %swap3A_264 = arith.index_cast %swap3A_263 : i32 to index
    %swap3A_265 = arith.constant 32 : index
    %swap3A_266 = tpu.vector_load %arg6[%swap3A_264, %swap3A_265] {strides = array<i32>} : memref<16x128xi32, #tpu.memory_space<vmem>>, vector<1x16xi32>,
    %swap3A_267 = vector.shape_cast %swap3A_266 : vector<1x16xi32> to vector<16xi32>
    %swap3A_268 = vector.shape_cast %mul3A_262 : vector<16xi32> to vector<1x16xi32>
    tpu.vector_store %arg6[%swap3A_264, %swap3A_265], %swap3A_268 {strides = array<i32>} : memref<16x128xi32, #tpu.memory_space<vmem>>, vector<1x16xi32>,
    %get3A_269 = arith.constant 2 : i32
    %get3A_270 = arith.index_cast %get3A_269 : i32 to index
    %get3A_271 = arith.constant 48 : index
    %get3A_272 = tpu.vector_load %arg5[%get3A_270, %get3A_271] {strides = array<i32>} : memref<16x128xi32, #tpu.memory_space<vmem>>, vector<1x16xi32>,
    %get3A_273 = vector.shape_cast %get3A_272 : vector<1x16xi32> to vector<16xi32>
    %mul3A_274 = arith.constant 2 : i32
    %mul3A_275 = vector.broadcast %mul3A_274 : i32 to vector<16xi32>
    %mul3A_276 = arith.muli %get3A_273, %mul3A_275 : vector<16xi32>
    %swap3A_277 = arith.constant 2 : i32
    %swap3A_278 = arith.index_cast %swap3A_277 : i32 to index
    %swap3A_279 = arith.constant 48 : index
    %swap3A_280 = tpu.vector_load %arg6[%swap3A_278, %swap3A_279] {strides = array<i32>} : memref<16x128xi32, #tpu.memory_space<vmem>>, vector<1x16xi32>,
    %swap3A_281 = vector.shape_cast %swap3A_280 : vector<1x16xi32> to vector<16xi32>
    %swap3A_282 = vector.shape_cast %mul3A_276 : vector<16xi32> to vector<1x16xi32>
    tpu.vector_store %arg6[%swap3A_278, %swap3A_279], %swap3A_282 {strides = array<i32>} : memref<16x128xi32, #tpu.memory_space<vmem>>, vector<1x16xi32>,
    %get3A_283 = arith.constant 2 : i32
    %get3A_284 = arith.index_cast %get3A_283 : i32 to index
    %get3A_285 = arith.constant 64 : index
    %get3A_286 = tpu.vector_load %arg5[%get3A_284, %get3A_285] {strides = array<i32>} : memref<16x128xi32, #tpu.memory_space<vmem>>, vector<1x16xi32>,
    %get3A_287 = vector.shape_cast %get3A_286 : vector<1x16xi32> to vector<16xi32>
    %mul3A_288 = arith.constant 2 : i32
    %mul3A_289 = vector.broadcast %mul3A_288 : i32 to vector<16xi32>
    %mul3A_290 = arith.muli %get3A_287, %mul3A_289 : vector<16xi32>
    %swap3A_291 = arith.constant 2 : i32
    %swap3A_292 = arith.index_cast %swap3A_291 : i32 to index
    %swap3A_293 = arith.constant 64 : index
    %swap3A_294 = tpu.vector_load %arg6[%swap3A_292, %swap3A_293] {strides = array<i32>} : memref<16x128xi32, #tpu.memory_space<vmem>>, vector<1x16xi32>,
    %swap3A_295 = vector.shape_cast %swap3A_294 : vector<1x16xi32> to vector<16xi32>
    %swap3A_296 = vector.shape_cast %mul3A_290 : vector<16xi32> to vector<1x16xi32>
    tpu.vector_store %arg6[%swap3A_292, %swap3A_293], %swap3A_296 {strides = array<i32>} : memref<16x128xi32, #tpu.memory_space<vmem>>, vector<1x16xi32>,
    %get3A_297 = arith.constant 2 : i32
    %get3A_298 = arith.index_cast %get3A_297 : i32 to index
    %get3A_299 = arith.constant 80 : index
    %get3A_300 = tpu.vector_load %arg5[%get3A_298, %get3A_299] {strides = array<i32>} : memref<16x128xi32, #tpu.memory_space<vmem>>, vector<1x16xi32>,
    %get3A_301 = vector.shape_cast %get3A_300 : vector<1x16xi32> to vector<16xi32>
    %mul3A_302 = arith.constant 2 : i32
    %mul3A_303 = vector.broadcast %mul3A_302 : i32 to vector<16xi32>
    %mul3A_304 = arith.muli %get3A_301, %mul3A_303 : vector<16xi32>
    %swap3A_305 = arith.constant 2 : i32
    %swap3A_306 = arith.index_cast %swap3A_305 : i32 to index
    %swap3A_307 = arith.constant 80 : index
    %swap3A_308 = tpu.vector_load %arg6[%swap3A_306, %swap3A_307] {strides = array<i32>} : memref<16x128xi32, #tpu.memory_space<vmem>>, vector<1x16xi32>,
    %swap3A_309 = vector.shape_cast %swap3A_308 : vector<1x16xi32> to vector<16xi32>
    %swap3A_310 = vector.shape_cast %mul3A_304 : vector<16xi32> to vector<1x16xi32>
    tpu.vector_store %arg6[%swap3A_306, %swap3A_307], %swap3A_310 {strides = array<i32>} : memref<16x128xi32, #tpu.memory_space<vmem>>, vector<1x16xi32>,
    %get3A_311 = arith.constant 2 : i32
    %get3A_312 = arith.index_cast %get3A_311 : i32 to index
    %get3A_313 = arith.constant 96 : index
    %get3A_314 = tpu.vector_load %arg5[%get3A_312, %get3A_313] {strides = array<i32>} : memref<16x128xi32, #tpu.memory_space<vmem>>, vector<1x16xi32>,
    %get3A_315 = vector.shape_cast %get3A_314 : vector<1x16xi32> to vector<16xi32>
    %mul3A_316 = arith.constant 2 : i32
    %mul3A_317 = vector.broadcast %mul3A_316 : i32 to vector<16xi32>
    %mul3A_318 = arith.muli %get3A_315, %mul3A_317 : vector<16xi32>
    %swap3A_319 = arith.constant 2 : i32
    %swap3A_320 = arith.index_cast %swap3A_319 : i32 to index
    %swap3A_321 = arith.constant 96 : index
    %swap3A_322 = tpu.vector_load %arg6[%swap3A_320, %swap3A_321] {strides = array<i32>} : memref<16x128xi32, #tpu.memory_space<vmem>>, vector<1x16xi32>,
    %swap3A_323 = vector.shape_cast %swap3A_322 : vector<1x16xi32> to vector<16xi32>
    %swap3A_324 = vector.shape_cast %mul3A_318 : vector<16xi32> to vector<1x16xi32>
    tpu.vector_store %arg6[%swap3A_320, %swap3A_321], %swap3A_324 {strides = array<i32>} : memref<16x128xi32, #tpu.memory_space<vmem>>, vector<1x16xi32>,
    %get3A_325 = arith.constant 2 : i32
    %get3A_326 = arith.index_cast %get3A_325 : i32 to index
    %get3A_327 = arith.constant 112 : index
    %get3A_328 = tpu.vector_load %arg5[%get3A_326, %get3A_327] {strides = array<i32>} : memref<16x128xi32, #tpu.memory_space<vmem>>, vector<1x16xi32>,
    %get3A_329 = vector.shape_cast %get3A_328 : vector<1x16xi32> to vector<16xi32>
    %mul3A_330 = arith.constant 2 : i32
    %mul3A_331 = vector.broadcast %mul3A_330 : i32 to vector<16xi32>
    %mul3A_332 = arith.muli %get3A_329, %mul3A_331 : vector<16xi32>
    %swap3A_333 = arith.constant 2 : i32
    %swap3A_334 = arith.index_cast %swap3A_333 : i32 to index
    %swap3A_335 = arith.constant 112 : index
    %swap3A_336 = tpu.vector_load %arg6[%swap3A_334, %swap3A_335] {strides = array<i32>} : memref<16x128xi32, #tpu.memory_space<vmem>>, vector<1x16xi32>,
    %swap3A_337 = vector.shape_cast %swap3A_336 : vector<1x16xi32> to vector<16xi32>
    %swap3A_338 = vector.shape_cast %mul3A_332 : vector<16xi32> to vector<1x16xi32>
    tpu.vector_store %arg6[%swap3A_334, %swap3A_335], %swap3A_338 {strides = array<i32>} : memref<16x128xi32, #tpu.memory_space<vmem>>, vector<1x16xi32>,
    %get3A_339 = arith.constant 3 : i32
    %get3A_340 = arith.index_cast %get3A_339 : i32 to index
    %get3A_341 = arith.constant 0 : index
    %get3A_342 = tpu.vector_load %arg5[%get3A_340, %get3A_341] {strides = array<i32>} : memref<16x128xi32, #tpu.memory_space<vmem>>, vector<1x16xi32>,
    %get3A_343 = vector.shape_cast %get3A_342 : vector<1x16xi32> to vector<16xi32>
    %mul3A_344 = arith.constant 2 : i32
    %mul3A_345 = vector.broadcast %mul3A_344 : i32 to vector<16xi32>
    %mul3A_346 = arith.muli %get3A_343, %mul3A_345 : vector<16xi32>
    %swap3A_347 = arith.constant 3 : i32
    %swap3A_348 = arith.index_cast %swap3A_347 : i32 to index
    %swap3A_349 = arith.constant 0 : index
    %swap3A_350 = tpu.vector_load %arg6[%swap3A_348, %swap3A_349] {strides = array<i32>} : memref<16x128xi32, #tpu.memory_space<vmem>>, vector<1x16xi32>,
    %swap3A_351 = vector.shape_cast %swap3A_350 : vector<1x16xi32> to vector<16xi32>
    %swap3A_352 = vector.shape_cast %mul3A_346 : vector<16xi32> to vector<1x16xi32>
    tpu.vector_store %arg6[%swap3A_348, %swap3A_349], %swap3A_352 {strides = array<i32>} : memref<16x128xi32, #tpu.memory_space<vmem>>, vector<1x16xi32>,
    %get3A_353 = arith.constant 3 : i32
    %get3A_354 = arith.index_cast %get3A_353 : i32 to index
    %get3A_355 = arith.constant 16 : index
    %get3A_356 = tpu.vector_load %arg5[%get3A_354, %get3A_355] {strides = array<i32>} : memref<16x128xi32, #tpu.memory_space<vmem>>, vector<1x16xi32>,
    %get3A_357 = vector.shape_cast %get3A_356 : vector<1x16xi32> to vector<16xi32>
    %mul3A_358 = arith.constant 2 : i32
    %mul3A_359 = vector.broadcast %mul3A_358 : i32 to vector<16xi32>
    %mul3A_360 = arith.muli %get3A_357, %mul3A_359 : vector<16xi32>
    %swap3A_361 = arith.constant 3 : i32
    %swap3A_362 = arith.index_cast %swap3A_361 : i32 to index
    %swap3A_363 = arith.constant 16 : index
    %swap3A_364 = tpu.vector_load %arg6[%swap3A_362, %swap3A_363] {strides = array<i32>} : memref<16x128xi32, #tpu.memory_space<vmem>>, vector<1x16xi32>,
    %swap3A_365 = vector.shape_cast %swap3A_364 : vector<1x16xi32> to vector<16xi32>
    %swap3A_366 = vector.shape_cast %mul3A_360 : vector<16xi32> to vector<1x16xi32>
    tpu.vector_store %arg6[%swap3A_362, %swap3A_363], %swap3A_366 {strides = array<i32>} : memref<16x128xi32, #tpu.memory_space<vmem>>, vector<1x16xi32>,
    %get3A_367 = arith.constant 3 : i32
    %get3A_368 = arith.index_cast %get3A_367 : i32 to index
    %get3A_369 = arith.constant 32 : index
    %get3A_370 = tpu.vector_load %arg5[%get3A_368, %get3A_369] {strides = array<i32>} : memref<16x128xi32, #tpu.memory_space<vmem>>, vector<1x16xi32>,
    %get3A_371 = vector.shape_cast %get3A_370 : vector<1x16xi32> to vector<16xi32>
    %mul3A_372 = arith.constant 2 : i32
    %mul3A_373 = vector.broadcast %mul3A_372 : i32 to vector<16xi32>
    %mul3A_374 = arith.muli %get3A_371, %mul3A_373 : vector<16xi32>
    %swap3A_375 = arith.constant 3 : i32
    %swap3A_376 = arith.index_cast %swap3A_375 : i32 to index
    %swap3A_377 = arith.constant 32 : index
    %swap3A_378 = tpu.vector_load %arg6[%swap3A_376, %swap3A_377] {strides = array<i32>} : memref<16x128xi32, #tpu.memory_space<vmem>>, vector<1x16xi32>,
    %swap3A_379 = vector.shape_cast %swap3A_378 : vector<1x16xi32> to vector<16xi32>
    %swap3A_380 = vector.shape_cast %mul3A_374 : vector<16xi32> to vector<1x16xi32>
    tpu.vector_store %arg6[%swap3A_376, %swap3A_377], %swap3A_380 {strides = array<i32>} : memref<16x128xi32, #tpu.memory_space<vmem>>, vector<1x16xi32>,
    %get3A_381 = arith.constant 3 : i32
    %get3A_382 = arith.index_cast %get3A_381 : i32 to index
    %get3A_383 = arith.constant 48 : index
    %get3A_384 = tpu.vector_load %arg5[%get3A_382, %get3A_383] {strides = array<i32>} : memref<16x128xi32, #tpu.memory_space<vmem>>, vector<1x16xi32>,
    %get3A_385 = vector.shape_cast %get3A_384 : vector<1x16xi32> to vector<16xi32>
    %mul3A_386 = arith.constant 2 : i32
    %mul3A_387 = vector.broadcast %mul3A_386 : i32 to vector<16xi32>
    %mul3A_388 = arith.muli %get3A_385, %mul3A_387 : vector<16xi32>
    %swap3A_389 = arith.constant 3 : i32
    %swap3A_390 = arith.index_cast %swap3A_389 : i32 to index
    %swap3A_391 = arith.constant 48 : index
    %swap3A_392 = tpu.vector_load %arg6[%swap3A_390, %swap3A_391] {strides = array<i32>} : memref<16x128xi32, #tpu.memory_space<vmem>>, vector<1x16xi32>,
    %swap3A_393 = vector.shape_cast %swap3A_392 : vector<1x16xi32> to vector<16xi32>
    %swap3A_394 = vector.shape_cast %mul3A_388 : vector<16xi32> to vector<1x16xi32>
    tpu.vector_store %arg6[%swap3A_390, %swap3A_391], %swap3A_394 {strides = array<i32>} : memref<16x128xi32, #tpu.memory_space<vmem>>, vector<1x16xi32>,
    %get3A_395 = arith.constant 3 : i32
    %get3A_396 = arith.index_cast %get3A_395 : i32 to index
    %get3A_397 = arith.constant 64 : index
    %get3A_398 = tpu.vector_load %arg5[%get3A_396, %get3A_397] {strides = array<i32>} : memref<16x128xi32, #tpu.memory_space<vmem>>, vector<1x16xi32>,
    %get3A_399 = vector.shape_cast %get3A_398 : vector<1x16xi32> to vector<16xi32>
    %mul3A_400 = arith.constant 2 : i32
    %mul3A_401 = vector.broadcast %mul3A_400 : i32 to vector<16xi32>
    %mul3A_402 = arith.muli %get3A_399, %mul3A_401 : vector<16xi32>
    %swap3A_403 = arith.constant 3 : i32
    %swap3A_404 = arith.index_cast %swap3A_403 : i32 to index
    %swap3A_405 = arith.constant 64 : index
    %swap3A_406 = tpu.vector_load %arg6[%swap3A_404, %swap3A_405] {strides = array<i32>} : memref<16x128xi32, #tpu.memory_space<vmem>>, vector<1x16xi32>,
    %swap3A_407 = vector.shape_cast %swap3A_406 : vector<1x16xi32> to vector<16xi32>
    %swap3A_408 = vector.shape_cast %mul3A_402 : vector<16xi32> to vector<1x16xi32>
    tpu.vector_store %arg6[%swap3A_404, %swap3A_405], %swap3A_408 {strides = array<i32>} : memref<16x128xi32, #tpu.memory_space<vmem>>, vector<1x16xi32>,
    %get3A_409 = arith.constant 3 : i32
    %get3A_410 = arith.index_cast %get3A_409 : i32 to index
    %get3A_411 = arith.constant 80 : index
    %get3A_412 = tpu.vector_load %arg5[%get3A_410, %get3A_411] {strides = array<i32>} : memref<16x128xi32, #tpu.memory_space<vmem>>, vector<1x16xi32>,
    %get3A_413 = vector.shape_cast %get3A_412 : vector<1x16xi32> to vector<16xi32>
    %mul3A_414 = arith.constant 2 : i32
    %mul3A_415 = vector.broadcast %mul3A_414 : i32 to vector<16xi32>
    %mul3A_416 = arith.muli %get3A_413, %mul3A_415 : vector<16xi32>
    %swap3A_417 = arith.constant 3 : i32
    %swap3A_418 = arith.index_cast %swap3A_417 : i32 to index
    %swap3A_419 = arith.constant 80 : index
    %swap3A_420 = tpu.vector_load %arg6[%swap3A_418, %swap3A_419] {strides = array<i32>} : memref<16x128xi32, #tpu.memory_space<vmem>>, vector<1x16xi32>,
    %swap3A_421 = vector.shape_cast %swap3A_420 : vector<1x16xi32> to vector<16xi32>
    %swap3A_422 = vector.shape_cast %mul3A_416 : vector<16xi32> to vector<1x16xi32>
    tpu.vector_store %arg6[%swap3A_418, %swap3A_419], %swap3A_422 {strides = array<i32>} : memref<16x128xi32, #tpu.memory_space<vmem>>, vector<1x16xi32>,
    %get3A_423 = arith.constant 3 : i32
    %get3A_424 = arith.index_cast %get3A_423 : i32 to index
    %get3A_425 = arith.constant 96 : index
    %get3A_426 = tpu.vector_load %arg5[%get3A_424, %get3A_425] {strides = array<i32>} : memref<16x128xi32, #tpu.memory_space<vmem>>, vector<1x16xi32>,
    %get3A_427 = vector.shape_cast %get3A_426 : vector<1x16xi32> to vector<16xi32>
    %mul3A_428 = arith.constant 2 : i32
    %mul3A_429 = vector.broadcast %mul3A_428 : i32 to vector<16xi32>
    %mul3A_430 = arith.muli %get3A_427, %mul3A_429 : vector<16xi32>
    %swap3A_431 = arith.constant 3 : i32
    %swap3A_432 = arith.index_cast %swap3A_431 : i32 to index
    %swap3A_433 = arith.constant 96 : index
    %swap3A_434 = tpu.vector_load %arg6[%swap3A_432, %swap3A_433] {strides = array<i32>} : memref<16x128xi32, #tpu.memory_space<vmem>>, vector<1x16xi32>,
    %swap3A_435 = vector.shape_cast %swap3A_434 : vector<1x16xi32> to vector<16xi32>
    %swap3A_436 = vector.shape_cast %mul3A_430 : vector<16xi32> to vector<1x16xi32>
    tpu.vector_store %arg6[%swap3A_432, %swap3A_433], %swap3A_436 {strides = array<i32>} : memref<16x128xi32, #tpu.memory_space<vmem>>, vector<1x16xi32>,
    %get3A_437 = arith.constant 3 : i32
    %get3A_438 = arith.index_cast %get3A_437 : i32 to index
    %get3A_439 = arith.constant 112 : index
    %get3A_440 = tpu.vector_load %arg5[%get3A_438, %get3A_439] {strides = array<i32>} : memref<16x128xi32, #tpu.memory_space<vmem>>, vector<1x16xi32>,
    %get3A_441 = vector.shape_cast %get3A_440 : vector<1x16xi32> to vector<16xi32>
    %mul3A_442 = arith.constant 2 : i32
    %mul3A_443 = vector.broadcast %mul3A_442 : i32 to vector<16xi32>
    %mul3A_444 = arith.muli %get3A_441, %mul3A_443 : vector<16xi32>
    %swap3A_445 = arith.constant 3 : i32
    %swap3A_446 = arith.index_cast %swap3A_445 : i32 to index
    %swap3A_447 = arith.constant 112 : index
    %swap3A_448 = tpu.vector_load %arg6[%swap3A_446, %swap3A_447] {strides = array<i32>} : memref<16x128xi32, #tpu.memory_space<vmem>>, vector<1x16xi32>,
    %swap3A_449 = vector.shape_cast %swap3A_448 : vector<1x16xi32> to vector<16xi32>
    %swap3A_450 = vector.shape_cast %mul3A_444 : vector<16xi32> to vector<1x16xi32>
    tpu.vector_store %arg6[%swap3A_446, %swap3A_447], %swap3A_450 {strides = array<i32>} : memref<16x128xi32, #tpu.memory_space<vmem>>, vector<1x16xi32>,
    %get3A_451 = arith.constant 4 : i32
    %get3A_452 = arith.index_cast %get3A_451 : i32 to index
    %get3A_453 = arith.constant 0 : index
    %get3A_454 = tpu.vector_load %arg5[%get3A_452, %get3A_453] {strides = array<i32>} : memref<16x128xi32, #tpu.memory_space<vmem>>, vector<1x16xi32>,
    %get3A_455 = vector.shape_cast %get3A_454 : vector<1x16xi32> to vector<16xi32>
    %mul3A_456 = arith.constant 2 : i32
    %mul3A_457 = vector.broadcast %mul3A_456 : i32 to vector<16xi32>
    %mul3A_458 = arith.muli %get3A_455, %mul3A_457 : vector<16xi32>
    %swap3A_459 = arith.constant 4 : i32
    %swap3A_460 = arith.index_cast %swap3A_459 : i32 to index
    %swap3A_461 = arith.constant 0 : index
    %swap3A_462 = tpu.vector_load %arg6[%swap3A_460, %swap3A_461] {strides = array<i32>} : memref<16x128xi32, #tpu.memory_space<vmem>>, vector<1x16xi32>,
    %swap3A_463 = vector.shape_cast %swap3A_462 : vector<1x16xi32> to vector<16xi32>
    %swap3A_464 = vector.shape_cast %mul3A_458 : vector<16xi32> to vector<1x16xi32>
    tpu.vector_store %arg6[%swap3A_460, %swap3A_461], %swap3A_464 {strides = array<i32>} : memref<16x128xi32, #tpu.memory_space<vmem>>, vector<1x16xi32>,
    %get3A_465 = arith.constant 4 : i32
    %get3A_466 = arith.index_cast %get3A_465 : i32 to index
    %get3A_467 = arith.constant 16 : index
    %get3A_468 = tpu.vector_load %arg5[%get3A_466, %get3A_467] {strides = array<i32>} : memref<16x128xi32, #tpu.memory_space<vmem>>, vector<1x16xi32>,
    %get3A_469 = vector.shape_cast %get3A_468 : vector<1x16xi32> to vector<16xi32>
    %mul3A_470 = arith.constant 2 : i32
    %mul3A_471 = vector.broadcast %mul3A_470 : i32 to vector<16xi32>
    %mul3A_472 = arith.muli %get3A_469, %mul3A_471 : vector<16xi32>
    %swap3A_473 = arith.constant 4 : i32
    %swap3A_474 = arith.index_cast %swap3A_473 : i32 to index
    %swap3A_475 = arith.constant 16 : index
    %swap3A_476 = tpu.vector_load %arg6[%swap3A_474, %swap3A_475] {strides = array<i32>} : memref<16x128xi32, #tpu.memory_space<vmem>>, vector<1x16xi32>,
    %swap3A_477 = vector.shape_cast %swap3A_476 : vector<1x16xi32> to vector<16xi32>
    %swap3A_478 = vector.shape_cast %mul3A_472 : vector<16xi32> to vector<1x16xi32>
    tpu.vector_store %arg6[%swap3A_474, %swap3A_475], %swap3A_478 {strides = array<i32>} : memref<16x128xi32, #tpu.memory_space<vmem>>, vector<1x16xi32>,
    %get3A_479 = arith.constant 4 : i32
    %get3A_480 = arith.index_cast %get3A_479 : i32 to index
    %get3A_481 = arith.constant 32 : index
    %get3A_482 = tpu.vector_load %arg5[%get3A_480, %get3A_481] {strides = array<i32>} : memref<16x128xi32, #tpu.memory_space<vmem>>, vector<1x16xi32>,
    %get3A_483 = vector.shape_cast %get3A_482 : vector<1x16xi32> to vector<16xi32>
    %mul3A_484 = arith.constant 2 : i32
    %mul3A_485 = vector.broadcast %mul3A_484 : i32 to vector<16xi32>
    %mul3A_486 = arith.muli %get3A_483, %mul3A_485 : vector<16xi32>
    %swap3A_487 = arith.constant 4 : i32
    %swap3A_488 = arith.index_cast %swap3A_487 : i32 to index
    %swap3A_489 = arith.constant 32 : index
    %swap3A_490 = tpu.vector_load %arg6[%swap3A_488, %swap3A_489] {strides = array<i32>} : memref<16x128xi32, #tpu.memory_space<vmem>>, vector<1x16xi32>,
    %swap3A_491 = vector.shape_cast %swap3A_490 : vector<1x16xi32> to vector<16xi32>
    %swap3A_492 = vector.shape_cast %mul3A_486 : vector<16xi32> to vector<1x16xi32>
    tpu.vector_store %arg6[%swap3A_488, %swap3A_489], %swap3A_492 {strides = array<i32>} : memref<16x128xi32, #tpu.memory_space<vmem>>, vector<1x16xi32>,
    %get3A_493 = arith.constant 4 : i32
    %get3A_494 = arith.index_cast %get3A_493 : i32 to index
    %get3A_495 = arith.constant 48 : index
    %get3A_496 = tpu.vector_load %arg5[%get3A_494, %get3A_495] {strides = array<i32>} : memref<16x128xi32, #tpu.memory_space<vmem>>, vector<1x16xi32>,
    %get3A_497 = vector.shape_cast %get3A_496 : vector<1x16xi32> to vector<16xi32>
    %mul3A_498 = arith.constant 2 : i32
    %mul3A_499 = vector.broadcast %mul3A_498 : i32 to vector<16xi32>
    %mul3A_500 = arith.muli %get3A_497, %mul3A_499 : vector<16xi32>
    %swap3A_501 = arith.constant 4 : i32
    %swap3A_502 = arith.index_cast %swap3A_501 : i32 to index
    %swap3A_503 = arith.constant 48 : index
    %swap3A_504 = tpu.vector_load %arg6[%swap3A_502, %swap3A_503] {strides = array<i32>} : memref<16x128xi32, #tpu.memory_space<vmem>>, vector<1x16xi32>,
    %swap3A_505 = vector.shape_cast %swap3A_504 : vector<1x16xi32> to vector<16xi32>
    %swap3A_506 = vector.shape_cast %mul3A_500 : vector<16xi32> to vector<1x16xi32>
    tpu.vector_store %arg6[%swap3A_502, %swap3A_503], %swap3A_506 {strides = array<i32>} : memref<16x128xi32, #tpu.memory_space<vmem>>, vector<1x16xi32>,
    %get3A_507 = arith.constant 4 : i32
    %get3A_508 = arith.index_cast %get3A_507 : i32 to index
    %get3A_509 = arith.constant 64 : index
    %get3A_510 = tpu.vector_load %arg5[%get3A_508, %get3A_509] {strides = array<i32>} : memref<16x128xi32, #tpu.memory_space<vmem>>, vector<1x16xi32>,
    %get3A_511 = vector.shape_cast %get3A_510 : vector<1x16xi32> to vector<16xi32>
    %mul3A_512 = arith.constant 2 : i32
    %mul3A_513 = vector.broadcast %mul3A_512 : i32 to vector<16xi32>
    %mul3A_514 = arith.muli %get3A_511, %mul3A_513 : vector<16xi32>
    %swap3A_515 = arith.constant 4 : i32
    %swap3A_516 = arith.index_cast %swap3A_515 : i32 to index
    %swap3A_517 = arith.constant 64 : index
    %swap3A_518 = tpu.vector_load %arg6[%swap3A_516, %swap3A_517] {strides = array<i32>} : memref<16x128xi32, #tpu.memory_space<vmem>>, vector<1x16xi32>,
    %swap3A_519 = vector.shape_cast %swap3A_518 : vector<1x16xi32> to vector<16xi32>
    %swap3A_520 = vector.shape_cast %mul3A_514 : vector<16xi32> to vector<1x16xi32>
    tpu.vector_store %arg6[%swap3A_516, %swap3A_517], %swap3A_520 {strides = array<i32>} : memref<16x128xi32, #tpu.memory_space<vmem>>, vector<1x16xi32>,
    %get3A_521 = arith.constant 4 : i32
    %get3A_522 = arith.index_cast %get3A_521 : i32 to index
    %get3A_523 = arith.constant 80 : index
    %get3A_524 = tpu.vector_load %arg5[%get3A_522, %get3A_523] {strides = array<i32>} : memref<16x128xi32, #tpu.memory_space<vmem>>, vector<1x16xi32>,
    %get3A_525 = vector.shape_cast %get3A_524 : vector<1x16xi32> to vector<16xi32>
    %mul3A_526 = arith.constant 2 : i32
    %mul3A_527 = vector.broadcast %mul3A_526 : i32 to vector<16xi32>
    %mul3A_528 = arith.muli %get3A_525, %mul3A_527 : vector<16xi32>
    %swap3A_529 = arith.constant 4 : i32
    %swap3A_530 = arith.index_cast %swap3A_529 : i32 to index
    %swap3A_531 = arith.constant 80 : index
    %swap3A_532 = tpu.vector_load %arg6[%swap3A_530, %swap3A_531] {strides = array<i32>} : memref<16x128xi32, #tpu.memory_space<vmem>>, vector<1x16xi32>,
    %swap3A_533 = vector.shape_cast %swap3A_532 : vector<1x16xi32> to vector<16xi32>
    %swap3A_534 = vector.shape_cast %mul3A_528 : vector<16xi32> to vector<1x16xi32>
    tpu.vector_store %arg6[%swap3A_530, %swap3A_531], %swap3A_534 {strides = array<i32>} : memref<16x128xi32, #tpu.memory_space<vmem>>, vector<1x16xi32>,
    %get3A_535 = arith.constant 4 : i32
    %get3A_536 = arith.index_cast %get3A_535 : i32 to index
    %get3A_537 = arith.constant 96 : index
    %get3A_538 = tpu.vector_load %arg5[%get3A_536, %get3A_537] {strides = array<i32>} : memref<16x128xi32, #tpu.memory_space<vmem>>, vector<1x16xi32>,
    %get3A_539 = vector.shape_cast %get3A_538 : vector<1x16xi32> to vector<16xi32>
    %mul3A_540 = arith.constant 2 : i32
    %mul3A_541 = vector.broadcast %mul3A_540 : i32 to vector<16xi32>
    %mul3A_542 = arith.muli %get3A_539, %mul3A_541 : vector<16xi32>
    %swap3A_543 = arith.constant 4 : i32
    %swap3A_544 = arith.index_cast %swap3A_543 : i32 to index
    %swap3A_545 = arith.constant 96 : index
    %swap3A_546 = tpu.vector_load %arg6[%swap3A_544, %swap3A_545] {strides = array<i32>} : memref<16x128xi32, #tpu.memory_space<vmem>>, vector<1x16xi32>,
    %swap3A_547 = vector.shape_cast %swap3A_546 : vector<1x16xi32> to vector<16xi32>
    %swap3A_548 = vector.shape_cast %mul3A_542 : vector<16xi32> to vector<1x16xi32>
    tpu.vector_store %arg6[%swap3A_544, %swap3A_545], %swap3A_548 {strides = array<i32>} : memref<16x128xi32, #tpu.memory_space<vmem>>, vector<1x16xi32>,
    %get3A_549 = arith.constant 4 : i32
    %get3A_550 = arith.index_cast %get3A_549 : i32 to index
    %get3A_551 = arith.constant 112 : index
    %get3A_552 = tpu.vector_load %arg5[%get3A_550, %get3A_551] {strides = array<i32>} : memref<16x128xi32, #tpu.memory_space<vmem>>, vector<1x16xi32>,
    %get3A_553 = vector.shape_cast %get3A_552 : vector<1x16xi32> to vector<16xi32>
    %mul3A_554 = arith.constant 2 : i32
    %mul3A_555 = vector.broadcast %mul3A_554 : i32 to vector<16xi32>
    %mul3A_556 = arith.muli %get3A_553, %mul3A_555 : vector<16xi32>
    %swap3A_557 = arith.constant 4 : i32
    %swap3A_558 = arith.index_cast %swap3A_557 : i32 to index
    %swap3A_559 = arith.constant 112 : index
    %swap3A_560 = tpu.vector_load %arg6[%swap3A_558, %swap3A_559] {strides = array<i32>} : memref<16x128xi32, #tpu.memory_space<vmem>>, vector<1x16xi32>,
    %swap3A_561 = vector.shape_cast %swap3A_560 : vector<1x16xi32> to vector<16xi32>
    %swap3A_562 = vector.shape_cast %mul3A_556 : vector<16xi32> to vector<1x16xi32>
    tpu.vector_store %arg6[%swap3A_558, %swap3A_559], %swap3A_562 {strides = array<i32>} : memref<16x128xi32, #tpu.memory_space<vmem>>, vector<1x16xi32>,
    %get3A_563 = arith.constant 5 : i32
    %get3A_564 = arith.index_cast %get3A_563 : i32 to index
    %get3A_565 = arith.constant 0 : index
    %get3A_566 = tpu.vector_load %arg5[%get3A_564, %get3A_565] {strides = array<i32>} : memref<16x128xi32, #tpu.memory_space<vmem>>, vector<1x16xi32>,
    %get3A_567 = vector.shape_cast %get3A_566 : vector<1x16xi32> to vector<16xi32>
    %mul3A_568 = arith.constant 2 : i32
    %mul3A_569 = vector.broadcast %mul3A_568 : i32 to vector<16xi32>
    %mul3A_570 = arith.muli %get3A_567, %mul3A_569 : vector<16xi32>
    %swap3A_571 = arith.constant 5 : i32
    %swap3A_572 = arith.index_cast %swap3A_571 : i32 to index
    %swap3A_573 = arith.constant 0 : index
    %swap3A_574 = tpu.vector_load %arg6[%swap3A_572, %swap3A_573] {strides = array<i32>} : memref<16x128xi32, #tpu.memory_space<vmem>>, vector<1x16xi32>,
    %swap3A_575 = vector.shape_cast %swap3A_574 : vector<1x16xi32> to vector<16xi32>
    %swap3A_576 = vector.shape_cast %mul3A_570 : vector<16xi32> to vector<1x16xi32>
    tpu.vector_store %arg6[%swap3A_572, %swap3A_573], %swap3A_576 {strides = array<i32>} : memref<16x128xi32, #tpu.memory_space<vmem>>, vector<1x16xi32>,
    %get3A_577 = arith.constant 5 : i32
    %get3A_578 = arith.index_cast %get3A_577 : i32 to index
    %get3A_579 = arith.constant 16 : index
    %get3A_580 = tpu.vector_load %arg5[%get3A_578, %get3A_579] {strides = array<i32>} : memref<16x128xi32, #tpu.memory_space<vmem>>, vector<1x16xi32>,
    %get3A_581 = vector.shape_cast %get3A_580 : vector<1x16xi32> to vector<16xi32>
    %mul3A_582 = arith.constant 2 : i32
    %mul3A_583 = vector.broadcast %mul3A_582 : i32 to vector<16xi32>
    %mul3A_584 = arith.muli %get3A_581, %mul3A_583 : vector<16xi32>
    %swap3A_585 = arith.constant 5 : i32
    %swap3A_586 = arith.index_cast %swap3A_585 : i32 to index
    %swap3A_587 = arith.constant 16 : index
    %swap3A_588 = tpu.vector_load %arg6[%swap3A_586, %swap3A_587] {strides = array<i32>} : memref<16x128xi32, #tpu.memory_space<vmem>>, vector<1x16xi32>,
    %swap3A_589 = vector.shape_cast %swap3A_588 : vector<1x16xi32> to vector<16xi32>
    %swap3A_590 = vector.shape_cast %mul3A_584 : vector<16xi32> to vector<1x16xi32>
    tpu.vector_store %arg6[%swap3A_586, %swap3A_587], %swap3A_590 {strides = array<i32>} : memref<16x128xi32, #tpu.memory_space<vmem>>, vector<1x16xi32>,
    %get3A_591 = arith.constant 5 : i32
    %get3A_592 = arith.index_cast %get3A_591 : i32 to index
    %get3A_593 = arith.constant 32 : index
    %get3A_594 = tpu.vector_load %arg5[%get3A_592, %get3A_593] {strides = array<i32>} : memref<16x128xi32, #tpu.memory_space<vmem>>, vector<1x16xi32>,
    %get3A_595 = vector.shape_cast %get3A_594 : vector<1x16xi32> to vector<16xi32>
    %mul3A_596 = arith.constant 2 : i32
    %mul3A_597 = vector.broadcast %mul3A_596 : i32 to vector<16xi32>
    %mul3A_598 = arith.muli %get3A_595, %mul3A_597 : vector<16xi32>
    %swap3A_599 = arith.constant 5 : i32
    %swap3A_600 = arith.index_cast %swap3A_599 : i32 to index
    %swap3A_601 = arith.constant 32 : index
    %swap3A_602 = tpu.vector_load %arg6[%swap3A_600, %swap3A_601] {strides = array<i32>} : memref<16x128xi32, #tpu.memory_space<vmem>>, vector<1x16xi32>,
    %swap3A_603 = vector.shape_cast %swap3A_602 : vector<1x16xi32> to vector<16xi32>
    %swap3A_604 = vector.shape_cast %mul3A_598 : vector<16xi32> to vector<1x16xi32>
    tpu.vector_store %arg6[%swap3A_600, %swap3A_601], %swap3A_604 {strides = array<i32>} : memref<16x128xi32, #tpu.memory_space<vmem>>, vector<1x16xi32>,
    %get3A_605 = arith.constant 5 : i32
    %get3A_606 = arith.index_cast %get3A_605 : i32 to index
    %get3A_607 = arith.constant 48 : index
    %get3A_608 = tpu.vector_load %arg5[%get3A_606, %get3A_607] {strides = array<i32>} : memref<16x128xi32, #tpu.memory_space<vmem>>, vector<1x16xi32>,
    %get3A_609 = vector.shape_cast %get3A_608 : vector<1x16xi32> to vector<16xi32>
    %mul3A_610 = arith.constant 2 : i32
    %mul3A_611 = vector.broadcast %mul3A_610 : i32 to vector<16xi32>
    %mul3A_612 = arith.muli %get3A_609, %mul3A_611 : vector<16xi32>
    %swap3A_613 = arith.constant 5 : i32
    %swap3A_614 = arith.index_cast %swap3A_613 : i32 to index
    %swap3A_615 = arith.constant 48 : index
    %swap3A_616 = tpu.vector_load %arg6[%swap3A_614, %swap3A_615] {strides = array<i32>} : memref<16x128xi32, #tpu.memory_space<vmem>>, vector<1x16xi32>,
    %swap3A_617 = vector.shape_cast %swap3A_616 : vector<1x16xi32> to vector<16xi32>
    %swap3A_618 = vector.shape_cast %mul3A_612 : vector<16xi32> to vector<1x16xi32>
    tpu.vector_store %arg6[%swap3A_614, %swap3A_615], %swap3A_618 {strides = array<i32>} : memref<16x128xi32, #tpu.memory_space<vmem>>, vector<1x16xi32>,
    %get3A_619 = arith.constant 5 : i32
    %get3A_620 = arith.index_cast %get3A_619 : i32 to index
    %get3A_621 = arith.constant 64 : index
    %get3A_622 = tpu.vector_load %arg5[%get3A_620, %get3A_621] {strides = array<i32>} : memref<16x128xi32, #tpu.memory_space<vmem>>, vector<1x16xi32>,
    %get3A_623 = vector.shape_cast %get3A_622 : vector<1x16xi32> to vector<16xi32>
    %mul3A_624 = arith.constant 2 : i32
    %mul3A_625 = vector.broadcast %mul3A_624 : i32 to vector<16xi32>
    %mul3A_626 = arith.muli %get3A_623, %mul3A_625 : vector<16xi32>
    %swap3A_627 = arith.constant 5 : i32
    %swap3A_628 = arith.index_cast %swap3A_627 : i32 to index
    %swap3A_629 = arith.constant 64 : index
    %swap3A_630 = tpu.vector_load %arg6[%swap3A_628, %swap3A_629] {strides = array<i32>} : memref<16x128xi32, #tpu.memory_space<vmem>>, vector<1x16xi32>,
    %swap3A_631 = vector.shape_cast %swap3A_630 : vector<1x16xi32> to vector<16xi32>
    %swap3A_632 = vector.shape_cast %mul3A_626 : vector<16xi32> to vector<1x16xi32>
    tpu.vector_store %arg6[%swap3A_628, %swap3A_629], %swap3A_632 {strides = array<i32>} : memref<16x128xi32, #tpu.memory_space<vmem>>, vector<1x16xi32>,
    %get3A_633 = arith.constant 5 : i32
    %get3A_634 = arith.index_cast %get3A_633 : i32 to index
    %get3A_635 = arith.constant 80 : index
    %get3A_636 = tpu.vector_load %arg5[%get3A_634, %get3A_635] {strides = array<i32>} : memref<16x128xi32, #tpu.memory_space<vmem>>, vector<1x16xi32>,
    %get3A_637 = vector.shape_cast %get3A_636 : vector<1x16xi32> to vector<16xi32>
    %mul3A_638 = arith.constant 2 : i32
    %mul3A_639 = vector.broadcast %mul3A_638 : i32 to vector<16xi32>
    %mul3A_640 = arith.muli %get3A_637, %mul3A_639 : vector<16xi32>
    %swap3A_641 = arith.constant 5 : i32
    %swap3A_642 = arith.index_cast %swap3A_641 : i32 to index
    %swap3A_643 = arith.constant 80 : index
    %swap3A_644 = tpu.vector_load %arg6[%swap3A_642, %swap3A_643] {strides = array<i32>} : memref<16x128xi32, #tpu.memory_space<vmem>>, vector<1x16xi32>,
    %swap3A_645 = vector.shape_cast %swap3A_644 : vector<1x16xi32> to vector<16xi32>
    %swap3A_646 = vector.shape_cast %mul3A_640 : vector<16xi32> to vector<1x16xi32>
    tpu.vector_store %arg6[%swap3A_642, %swap3A_643], %swap3A_646 {strides = array<i32>} : memref<16x128xi32, #tpu.memory_space<vmem>>, vector<1x16xi32>,
    %get3A_647 = arith.constant 5 : i32
    %get3A_648 = arith.index_cast %get3A_647 : i32 to index
    %get3A_649 = arith.constant 96 : index
    %get3A_650 = tpu.vector_load %arg5[%get3A_648, %get3A_649] {strides = array<i32>} : memref<16x128xi32, #tpu.memory_space<vmem>>, vector<1x16xi32>,
    %get3A_651 = vector.shape_cast %get3A_650 : vector<1x16xi32> to vector<16xi32>
    %mul3A_652 = arith.constant 2 : i32
    %mul3A_653 = vector.broadcast %mul3A_652 : i32 to vector<16xi32>
    %mul3A_654 = arith.muli %get3A_651, %mul3A_653 : vector<16xi32>
    %swap3A_655 = arith.constant 5 : i32
    %swap3A_656 = arith.index_cast %swap3A_655 : i32 to index
    %swap3A_657 = arith.constant 96 : index
    %swap3A_658 = tpu.vector_load %arg6[%swap3A_656, %swap3A_657] {strides = array<i32>} : memref<16x128xi32, #tpu.memory_space<vmem>>, vector<1x16xi32>,
    %swap3A_659 = vector.shape_cast %swap3A_658 : vector<1x16xi32> to vector<16xi32>
    %swap3A_660 = vector.shape_cast %mul3A_654 : vector<16xi32> to vector<1x16xi32>
    tpu.vector_store %arg6[%swap3A_656, %swap3A_657], %swap3A_660 {strides = array<i32>} : memref<16x128xi32, #tpu.memory_space<vmem>>, vector<1x16xi32>,
    %get3A_661 = arith.constant 5 : i32
    %get3A_662 = arith.index_cast %get3A_661 : i32 to index
    %get3A_663 = arith.constant 112 : index
    %get3A_664 = tpu.vector_load %arg5[%get3A_662, %get3A_663] {strides = array<i32>} : memref<16x128xi32, #tpu.memory_space<vmem>>, vector<1x16xi32>,
    %get3A_665 = vector.shape_cast %get3A_664 : vector<1x16xi32> to vector<16xi32>
    %mul3A_666 = arith.constant 2 : i32
    %mul3A_667 = vector.broadcast %mul3A_666 : i32 to vector<16xi32>
    %mul3A_668 = arith.muli %get3A_665, %mul3A_667 : vector<16xi32>
    %swap3A_669 = arith.constant 5 : i32
    %swap3A_670 = arith.index_cast %swap3A_669 : i32 to index
    %swap3A_671 = arith.constant 112 : index
    %swap3A_672 = tpu.vector_load %arg6[%swap3A_670, %swap3A_671] {strides = array<i32>} : memref<16x128xi32, #tpu.memory_space<vmem>>, vector<1x16xi32>,
    %swap3A_673 = vector.shape_cast %swap3A_672 : vector<1x16xi32> to vector<16xi32>
    %swap3A_674 = vector.shape_cast %mul3A_668 : vector<16xi32> to vector<1x16xi32>
    tpu.vector_store %arg6[%swap3A_670, %swap3A_671], %swap3A_674 {strides = array<i32>} : memref<16x128xi32, #tpu.memory_space<vmem>>, vector<1x16xi32>,
    %get3A_675 = arith.constant 6 : i32
    %get3A_676 = arith.index_cast %get3A_675 : i32 to index
    %get3A_677 = arith.constant 0 : index
    %get3A_678 = tpu.vector_load %arg5[%get3A_676, %get3A_677] {strides = array<i32>} : memref<16x128xi32, #tpu.memory_space<vmem>>, vector<1x16xi32>,
    %get3A_679 = vector.shape_cast %get3A_678 : vector<1x16xi32> to vector<16xi32>
    %mul3A_680 = arith.constant 2 : i32
    %mul3A_681 = vector.broadcast %mul3A_680 : i32 to vector<16xi32>
    %mul3A_682 = arith.muli %get3A_679, %mul3A_681 : vector<16xi32>
    %swap3A_683 = arith.constant 6 : i32
    %swap3A_684 = arith.index_cast %swap3A_683 : i32 to index
    %swap3A_685 = arith.constant 0 : index
    %swap3A_686 = tpu.vector_load %arg6[%swap3A_684, %swap3A_685] {strides = array<i32>} : memref<16x128xi32, #tpu.memory_space<vmem>>, vector<1x16xi32>,
    %swap3A_687 = vector.shape_cast %swap3A_686 : vector<1x16xi32> to vector<16xi32>
    %swap3A_688 = vector.shape_cast %mul3A_682 : vector<16xi32> to vector<1x16xi32>
    tpu.vector_store %arg6[%swap3A_684, %swap3A_685], %swap3A_688 {strides = array<i32>} : memref<16x128xi32, #tpu.memory_space<vmem>>, vector<1x16xi32>,
    %get3A_689 = arith.constant 6 : i32
    %get3A_690 = arith.index_cast %get3A_689 : i32 to index
    %get3A_691 = arith.constant 16 : index
    %get3A_692 = tpu.vector_load %arg5[%get3A_690, %get3A_691] {strides = array<i32>} : memref<16x128xi32, #tpu.memory_space<vmem>>, vector<1x16xi32>,
    %get3A_693 = vector.shape_cast %get3A_692 : vector<1x16xi32> to vector<16xi32>
    %mul3A_694 = arith.constant 2 : i32
    %mul3A_695 = vector.broadcast %mul3A_694 : i32 to vector<16xi32>
    %mul3A_696 = arith.muli %get3A_693, %mul3A_695 : vector<16xi32>
    %swap3A_697 = arith.constant 6 : i32
    %swap3A_698 = arith.index_cast %swap3A_697 : i32 to index
    %swap3A_699 = arith.constant 16 : index
    %swap3A_700 = tpu.vector_load %arg6[%swap3A_698, %swap3A_699] {strides = array<i32>} : memref<16x128xi32, #tpu.memory_space<vmem>>, vector<1x16xi32>,
    %swap3A_701 = vector.shape_cast %swap3A_700 : vector<1x16xi32> to vector<16xi32>
    %swap3A_702 = vector.shape_cast %mul3A_696 : vector<16xi32> to vector<1x16xi32>
    tpu.vector_store %arg6[%swap3A_698, %swap3A_699], %swap3A_702 {strides = array<i32>} : memref<16x128xi32, #tpu.memory_space<vmem>>, vector<1x16xi32>,
    %get3A_703 = arith.constant 6 : i32
    %get3A_704 = arith.index_cast %get3A_703 : i32 to index
    %get3A_705 = arith.constant 32 : index
    %get3A_706 = tpu.vector_load %arg5[%get3A_704, %get3A_705] {strides = array<i32>} : memref<16x128xi32, #tpu.memory_space<vmem>>, vector<1x16xi32>,
    %get3A_707 = vector.shape_cast %get3A_706 : vector<1x16xi32> to vector<16xi32>
    %mul3A_708 = arith.constant 2 : i32
    %mul3A_709 = vector.broadcast %mul3A_708 : i32 to vector<16xi32>
    %mul3A_710 = arith.muli %get3A_707, %mul3A_709 : vector<16xi32>
    %swap3A_711 = arith.constant 6 : i32
    %swap3A_712 = arith.index_cast %swap3A_711 : i32 to index
    %swap3A_713 = arith.constant 32 : index
    %swap3A_714 = tpu.vector_load %arg6[%swap3A_712, %swap3A_713] {strides = array<i32>} : memref<16x128xi32, #tpu.memory_space<vmem>>, vector<1x16xi32>,
    %swap3A_715 = vector.shape_cast %swap3A_714 : vector<1x16xi32> to vector<16xi32>
    %swap3A_716 = vector.shape_cast %mul3A_710 : vector<16xi32> to vector<1x16xi32>
    tpu.vector_store %arg6[%swap3A_712, %swap3A_713], %swap3A_716 {strides = array<i32>} : memref<16x128xi32, #tpu.memory_space<vmem>>, vector<1x16xi32>,
    %get3A_717 = arith.constant 6 : i32
    %get3A_718 = arith.index_cast %get3A_717 : i32 to index
    %get3A_719 = arith.constant 48 : index
    %get3A_720 = tpu.vector_load %arg5[%get3A_718, %get3A_719] {strides = array<i32>} : memref<16x128xi32, #tpu.memory_space<vmem>>, vector<1x16xi32>,
    %get3A_721 = vector.shape_cast %get3A_720 : vector<1x16xi32> to vector<16xi32>
    %mul3A_722 = arith.constant 2 : i32
    %mul3A_723 = vector.broadcast %mul3A_722 : i32 to vector<16xi32>
    %mul3A_724 = arith.muli %get3A_721, %mul3A_723 : vector<16xi32>
    %swap3A_725 = arith.constant 6 : i32
    %swap3A_726 = arith.index_cast %swap3A_725 : i32 to index
    %swap3A_727 = arith.constant 48 : index
    %swap3A_728 = tpu.vector_load %arg6[%swap3A_726, %swap3A_727] {strides = array<i32>} : memref<16x128xi32, #tpu.memory_space<vmem>>, vector<1x16xi32>,
    %swap3A_729 = vector.shape_cast %swap3A_728 : vector<1x16xi32> to vector<16xi32>
    %swap3A_730 = vector.shape_cast %mul3A_724 : vector<16xi32> to vector<1x16xi32>
    tpu.vector_store %arg6[%swap3A_726, %swap3A_727], %swap3A_730 {strides = array<i32>} : memref<16x128xi32, #tpu.memory_space<vmem>>, vector<1x16xi32>,
    %get3A_731 = arith.constant 6 : i32
    %get3A_732 = arith.index_cast %get3A_731 : i32 to index
    %get3A_733 = arith.constant 64 : index
    %get3A_734 = tpu.vector_load %arg5[%get3A_732, %get3A_733] {strides = array<i32>} : memref<16x128xi32, #tpu.memory_space<vmem>>, vector<1x16xi32>,
    %get3A_735 = vector.shape_cast %get3A_734 : vector<1x16xi32> to vector<16xi32>
    %mul3A_736 = arith.constant 2 : i32
    %mul3A_737 = vector.broadcast %mul3A_736 : i32 to vector<16xi32>
    %mul3A_738 = arith.muli %get3A_735, %mul3A_737 : vector<16xi32>
    %swap3A_739 = arith.constant 6 : i32
    %swap3A_740 = arith.index_cast %swap3A_739 : i32 to index
    %swap3A_741 = arith.constant 64 : index
    %swap3A_742 = tpu.vector_load %arg6[%swap3A_740, %swap3A_741] {strides = array<i32>} : memref<16x128xi32, #tpu.memory_space<vmem>>, vector<1x16xi32>,
    %swap3A_743 = vector.shape_cast %swap3A_742 : vector<1x16xi32> to vector<16xi32>
    %swap3A_744 = vector.shape_cast %mul3A_738 : vector<16xi32> to vector<1x16xi32>
    tpu.vector_store %arg6[%swap3A_740, %swap3A_741], %swap3A_744 {strides = array<i32>} : memref<16x128xi32, #tpu.memory_space<vmem>>, vector<1x16xi32>,
    %get3A_745 = arith.constant 6 : i32
    %get3A_746 = arith.index_cast %get3A_745 : i32 to index
    %get3A_747 = arith.constant 80 : index
    %get3A_748 = tpu.vector_load %arg5[%get3A_746, %get3A_747] {strides = array<i32>} : memref<16x128xi32, #tpu.memory_space<vmem>>, vector<1x16xi32>,
    %get3A_749 = vector.shape_cast %get3A_748 : vector<1x16xi32> to vector<16xi32>
    %mul3A_750 = arith.constant 2 : i32
    %mul3A_751 = vector.broadcast %mul3A_750 : i32 to vector<16xi32>
    %mul3A_752 = arith.muli %get3A_749, %mul3A_751 : vector<16xi32>
    %swap3A_753 = arith.constant 6 : i32
    %swap3A_754 = arith.index_cast %swap3A_753 : i32 to index
    %swap3A_755 = arith.constant 80 : index
    %swap3A_756 = tpu.vector_load %arg6[%swap3A_754, %swap3A_755] {strides = array<i32>} : memref<16x128xi32, #tpu.memory_space<vmem>>, vector<1x16xi32>,
    %swap3A_757 = vector.shape_cast %swap3A_756 : vector<1x16xi32> to vector<16xi32>
    %swap3A_758 = vector.shape_cast %mul3A_752 : vector<16xi32> to vector<1x16xi32>
    tpu.vector_store %arg6[%swap3A_754, %swap3A_755], %swap3A_758 {strides = array<i32>} : memref<16x128xi32, #tpu.memory_space<vmem>>, vector<1x16xi32>,
    %get3A_759 = arith.constant 6 : i32
    %get3A_760 = arith.index_cast %get3A_759 : i32 to index
    %get3A_761 = arith.constant 96 : index
    %get3A_762 = tpu.vector_load %arg5[%get3A_760, %get3A_761] {strides = array<i32>} : memref<16x128xi32, #tpu.memory_space<vmem>>, vector<1x16xi32>,
    %get3A_763 = vector.shape_cast %get3A_762 : vector<1x16xi32> to vector<16xi32>
    %mul3A_764 = arith.constant 2 : i32
    %mul3A_765 = vector.broadcast %mul3A_764 : i32 to vector<16xi32>
    %mul3A_766 = arith.muli %get3A_763, %mul3A_765 : vector<16xi32>
    %swap3A_767 = arith.constant 6 : i32
    %swap3A_768 = arith.index_cast %swap3A_767 : i32 to index
    %swap3A_769 = arith.constant 96 : index
    %swap3A_770 = tpu.vector_load %arg6[%swap3A_768, %swap3A_769] {strides = array<i32>} : memref<16x128xi32, #tpu.memory_space<vmem>>, vector<1x16xi32>,
    %swap3A_771 = vector.shape_cast %swap3A_770 : vector<1x16xi32> to vector<16xi32>
    %swap3A_772 = vector.shape_cast %mul3A_766 : vector<16xi32> to vector<1x16xi32>
    tpu.vector_store %arg6[%swap3A_768, %swap3A_769], %swap3A_772 {strides = array<i32>} : memref<16x128xi32, #tpu.memory_space<vmem>>, vector<1x16xi32>,
    %get3A_773 = arith.constant 6 : i32
    %get3A_774 = arith.index_cast %get3A_773 : i32 to index
    %get3A_775 = arith.constant 112 : index
    %get3A_776 = tpu.vector_load %arg5[%get3A_774, %get3A_775] {strides = array<i32>} : memref<16x128xi32, #tpu.memory_space<vmem>>, vector<1x16xi32>,
    %get3A_777 = vector.shape_cast %get3A_776 : vector<1x16xi32> to vector<16xi32>
    %mul3A_778 = arith.constant 2 : i32
    %mul3A_779 = vector.broadcast %mul3A_778 : i32 to vector<16xi32>
    %mul3A_780 = arith.muli %get3A_777, %mul3A_779 : vector<16xi32>
    %swap3A_781 = arith.constant 6 : i32
    %swap3A_782 = arith.index_cast %swap3A_781 : i32 to index
    %swap3A_783 = arith.constant 112 : index
    %swap3A_784 = tpu.vector_load %arg6[%swap3A_782, %swap3A_783] {strides = array<i32>} : memref<16x128xi32, #tpu.memory_space<vmem>>, vector<1x16xi32>,
    %swap3A_785 = vector.shape_cast %swap3A_784 : vector<1x16xi32> to vector<16xi32>
    %swap3A_786 = vector.shape_cast %mul3A_780 : vector<16xi32> to vector<1x16xi32>
    tpu.vector_store %arg6[%swap3A_782, %swap3A_783], %swap3A_786 {strides = array<i32>} : memref<16x128xi32, #tpu.memory_space<vmem>>, vector<1x16xi32>,
    %get3A_787 = arith.constant 7 : i32
    %get3A_788 = arith.index_cast %get3A_787 : i32 to index
    %get3A_789 = arith.constant 0 : index
    %get3A_790 = tpu.vector_load %arg5[%get3A_788, %get3A_789] {strides = array<i32>} : memref<16x128xi32, #tpu.memory_space<vmem>>, vector<1x16xi32>,
    %get3A_791 = vector.shape_cast %get3A_790 : vector<1x16xi32> to vector<16xi32>
    %mul3A_792 = arith.constant 2 : i32
    %mul3A_793 = vector.broadcast %mul3A_792 : i32 to vector<16xi32>
    %mul3A_794 = arith.muli %get3A_791, %mul3A_793 : vector<16xi32>
    %swap3A_795 = arith.constant 7 : i32
    %swap3A_796 = arith.index_cast %swap3A_795 : i32 to index
    %swap3A_797 = arith.constant 0 : index
    %swap3A_798 = tpu.vector_load %arg6[%swap3A_796, %swap3A_797] {strides = array<i32>} : memref<16x128xi32, #tpu.memory_space<vmem>>, vector<1x16xi32>,
    %swap3A_799 = vector.shape_cast %swap3A_798 : vector<1x16xi32> to vector<16xi32>
    %swap3A_800 = vector.shape_cast %mul3A_794 : vector<16xi32> to vector<1x16xi32>
    tpu.vector_store %arg6[%swap3A_796, %swap3A_797], %swap3A_800 {strides = array<i32>} : memref<16x128xi32, #tpu.memory_space<vmem>>, vector<1x16xi32>,
    %get3A_801 = arith.constant 7 : i32
    %get3A_802 = arith.index_cast %get3A_801 : i32 to index
    %get3A_803 = arith.constant 16 : index
    %get3A_804 = tpu.vector_load %arg5[%get3A_802, %get3A_803] {strides = array<i32>} : memref<16x128xi32, #tpu.memory_space<vmem>>, vector<1x16xi32>,
    %get3A_805 = vector.shape_cast %get3A_804 : vector<1x16xi32> to vector<16xi32>
    %mul3A_806 = arith.constant 2 : i32
    %mul3A_807 = vector.broadcast %mul3A_806 : i32 to vector<16xi32>
    %mul3A_808 = arith.muli %get3A_805, %mul3A_807 : vector<16xi32>
    %swap3A_809 = arith.constant 7 : i32
    %swap3A_810 = arith.index_cast %swap3A_809 : i32 to index
    %swap3A_811 = arith.constant 16 : index
    %swap3A_812 = tpu.vector_load %arg6[%swap3A_810, %swap3A_811] {strides = array<i32>} : memref<16x128xi32, #tpu.memory_space<vmem>>, vector<1x16xi32>,
    %swap3A_813 = vector.shape_cast %swap3A_812 : vector<1x16xi32> to vector<16xi32>
    %swap3A_814 = vector.shape_cast %mul3A_808 : vector<16xi32> to vector<1x16xi32>
    tpu.vector_store %arg6[%swap3A_810, %swap3A_811], %swap3A_814 {strides = array<i32>} : memref<16x128xi32, #tpu.memory_space<vmem>>, vector<1x16xi32>,
    %get3A_815 = arith.constant 7 : i32
    %get3A_816 = arith.index_cast %get3A_815 : i32 to index
    %get3A_817 = arith.constant 32 : index
    %get3A_818 = tpu.vector_load %arg5[%get3A_816, %get3A_817] {strides = array<i32>} : memref<16x128xi32, #tpu.memory_space<vmem>>, vector<1x16xi32>,
    %get3A_819 = vector.shape_cast %get3A_818 : vector<1x16xi32> to vector<16xi32>
    %mul3A_820 = arith.constant 2 : i32
    %mul3A_821 = vector.broadcast %mul3A_820 : i32 to vector<16xi32>
    %mul3A_822 = arith.muli %get3A_819, %mul3A_821 : vector<16xi32>
    %swap3A_823 = arith.constant 7 : i32
    %swap3A_824 = arith.index_cast %swap3A_823 : i32 to index
    %swap3A_825 = arith.constant 32 : index
    %swap3A_826 = tpu.vector_load %arg6[%swap3A_824, %swap3A_825] {strides = array<i32>} : memref<16x128xi32, #tpu.memory_space<vmem>>, vector<1x16xi32>,
    %swap3A_827 = vector.shape_cast %swap3A_826 : vector<1x16xi32> to vector<16xi32>
    %swap3A_828 = vector.shape_cast %mul3A_822 : vector<16xi32> to vector<1x16xi32>
    tpu.vector_store %arg6[%swap3A_824, %swap3A_825], %swap3A_828 {strides = array<i32>} : memref<16x128xi32, #tpu.memory_space<vmem>>, vector<1x16xi32>,
    %get3A_829 = arith.constant 7 : i32
    %get3A_830 = arith.index_cast %get3A_829 : i32 to index
    %get3A_831 = arith.constant 48 : index
    %get3A_832 = tpu.vector_load %arg5[%get3A_830, %get3A_831] {strides = array<i32>} : memref<16x128xi32, #tpu.memory_space<vmem>>, vector<1x16xi32>,
    %get3A_833 = vector.shape_cast %get3A_832 : vector<1x16xi32> to vector<16xi32>
    %mul3A_834 = arith.constant 2 : i32
    %mul3A_835 = vector.broadcast %mul3A_834 : i32 to vector<16xi32>
    %mul3A_836 = arith.muli %get3A_833, %mul3A_835 : vector<16xi32>
    %swap3A_837 = arith.constant 7 : i32
    %swap3A_838 = arith.index_cast %swap3A_837 : i32 to index
    %swap3A_839 = arith.constant 48 : index
    %swap3A_840 = tpu.vector_load %arg6[%swap3A_838, %swap3A_839] {strides = array<i32>} : memref<16x128xi32, #tpu.memory_space<vmem>>, vector<1x16xi32>,
    %swap3A_841 = vector.shape_cast %swap3A_840 : vector<1x16xi32> to vector<16xi32>
    %swap3A_842 = vector.shape_cast %mul3A_836 : vector<16xi32> to vector<1x16xi32>
    tpu.vector_store %arg6[%swap3A_838, %swap3A_839], %swap3A_842 {strides = array<i32>} : memref<16x128xi32, #tpu.memory_space<vmem>>, vector<1x16xi32>,
    %get3A_843 = arith.constant 7 : i32
    %get3A_844 = arith.index_cast %get3A_843 : i32 to index
    %get3A_845 = arith.constant 64 : index
    %get3A_846 = tpu.vector_load %arg5[%get3A_844, %get3A_845] {strides = array<i32>} : memref<16x128xi32, #tpu.memory_space<vmem>>, vector<1x16xi32>,
    %get3A_847 = vector.shape_cast %get3A_846 : vector<1x16xi32> to vector<16xi32>
    %mul3A_848 = arith.constant 2 : i32
    %mul3A_849 = vector.broadcast %mul3A_848 : i32 to vector<16xi32>
    %mul3A_850 = arith.muli %get3A_847, %mul3A_849 : vector<16xi32>
    %swap3A_851 = arith.constant 7 : i32
    %swap3A_852 = arith.index_cast %swap3A_851 : i32 to index
    %swap3A_853 = arith.constant 64 : index
    %swap3A_854 = tpu.vector_load %arg6[%swap3A_852, %swap3A_853] {strides = array<i32>} : memref<16x128xi32, #tpu.memory_space<vmem>>, vector<1x16xi32>,
    %swap3A_855 = vector.shape_cast %swap3A_854 : vector<1x16xi32> to vector<16xi32>
    %swap3A_856 = vector.shape_cast %mul3A_850 : vector<16xi32> to vector<1x16xi32>
    tpu.vector_store %arg6[%swap3A_852, %swap3A_853], %swap3A_856 {strides = array<i32>} : memref<16x128xi32, #tpu.memory_space<vmem>>, vector<1x16xi32>,
    %get3A_857 = arith.constant 7 : i32
    %get3A_858 = arith.index_cast %get3A_857 : i32 to index
    %get3A_859 = arith.constant 80 : index
    %get3A_860 = tpu.vector_load %arg5[%get3A_858, %get3A_859] {strides = array<i32>} : memref<16x128xi32, #tpu.memory_space<vmem>>, vector<1x16xi32>,
    %get3A_861 = vector.shape_cast %get3A_860 : vector<1x16xi32> to vector<16xi32>
    %mul3A_862 = arith.constant 2 : i32
    %mul3A_863 = vector.broadcast %mul3A_862 : i32 to vector<16xi32>
    %mul3A_864 = arith.muli %get3A_861, %mul3A_863 : vector<16xi32>
    %swap3A_865 = arith.constant 7 : i32
    %swap3A_866 = arith.index_cast %swap3A_865 : i32 to index
    %swap3A_867 = arith.constant 80 : index
    %swap3A_868 = tpu.vector_load %arg6[%swap3A_866, %swap3A_867] {strides = array<i32>} : memref<16x128xi32, #tpu.memory_space<vmem>>, vector<1x16xi32>,
    %swap3A_869 = vector.shape_cast %swap3A_868 : vector<1x16xi32> to vector<16xi32>
    %swap3A_870 = vector.shape_cast %mul3A_864 : vector<16xi32> to vector<1x16xi32>
    tpu.vector_store %arg6[%swap3A_866, %swap3A_867], %swap3A_870 {strides = array<i32>} : memref<16x128xi32, #tpu.memory_space<vmem>>, vector<1x16xi32>,
    %get3A_871 = arith.constant 7 : i32
    %get3A_872 = arith.index_cast %get3A_871 : i32 to index
    %get3A_873 = arith.constant 96 : index
    %get3A_874 = tpu.vector_load %arg5[%get3A_872, %get3A_873] {strides = array<i32>} : memref<16x128xi32, #tpu.memory_space<vmem>>, vector<1x16xi32>,
    %get3A_875 = vector.shape_cast %get3A_874 : vector<1x16xi32> to vector<16xi32>
    %mul3A_876 = arith.constant 2 : i32
    %mul3A_877 = vector.broadcast %mul3A_876 : i32 to vector<16xi32>
    %mul3A_878 = arith.muli %get3A_875, %mul3A_877 : vector<16xi32>
    %swap3A_879 = arith.constant 7 : i32
    %swap3A_880 = arith.index_cast %swap3A_879 : i32 to index
    %swap3A_881 = arith.constant 96 : index
    %swap3A_882 = tpu.vector_load %arg6[%swap3A_880, %swap3A_881] {strides = array<i32>} : memref<16x128xi32, #tpu.memory_space<vmem>>, vector<1x16xi32>,
    %swap3A_883 = vector.shape_cast %swap3A_882 : vector<1x16xi32> to vector<16xi32>
    %swap3A_884 = vector.shape_cast %mul3A_878 : vector<16xi32> to vector<1x16xi32>
    tpu.vector_store %arg6[%swap3A_880, %swap3A_881], %swap3A_884 {strides = array<i32>} : memref<16x128xi32, #tpu.memory_space<vmem>>, vector<1x16xi32>,
    %get3A_885 = arith.constant 7 : i32
    %get3A_886 = arith.index_cast %get3A_885 : i32 to index
    %get3A_887 = arith.constant 112 : index
    %get3A_888 = tpu.vector_load %arg5[%get3A_886, %get3A_887] {strides = array<i32>} : memref<16x128xi32, #tpu.memory_space<vmem>>, vector<1x16xi32>,
    %get3A_889 = vector.shape_cast %get3A_888 : vector<1x16xi32> to vector<16xi32>
    %mul3A_890 = arith.constant 2 : i32
    %mul3A_891 = vector.broadcast %mul3A_890 : i32 to vector<16xi32>
    %mul3A_892 = arith.muli %get3A_889, %mul3A_891 : vector<16xi32>
    %swap3A_893 = arith.constant 7 : i32
    %swap3A_894 = arith.index_cast %swap3A_893 : i32 to index
    %swap3A_895 = arith.constant 112 : index
    %swap3A_896 = tpu.vector_load %arg6[%swap3A_894, %swap3A_895] {strides = array<i32>} : memref<16x128xi32, #tpu.memory_space<vmem>>, vector<1x16xi32>,
    %swap3A_897 = vector.shape_cast %swap3A_896 : vector<1x16xi32> to vector<16xi32>
    %swap3A_898 = vector.shape_cast %mul3A_892 : vector<16xi32> to vector<1x16xi32>
    tpu.vector_store %arg6[%swap3A_894, %swap3A_895], %swap3A_898 {strides = array<i32>} : memref<16x128xi32, #tpu.memory_space<vmem>>, vector<1x16xi32>,
    %get3A_899 = arith.constant 8 : i32
    %get3A_900 = arith.index_cast %get3A_899 : i32 to index
    %get3A_901 = arith.constant 0 : index
    %get3A_902 = tpu.vector_load %arg5[%get3A_900, %get3A_901] {strides = array<i32>} : memref<16x128xi32, #tpu.memory_space<vmem>>, vector<1x16xi32>,
    %get3A_903 = vector.shape_cast %get3A_902 : vector<1x16xi32> to vector<16xi32>
    %mul3A_904 = arith.constant 2 : i32
    %mul3A_905 = vector.broadcast %mul3A_904 : i32 to vector<16xi32>
    %mul3A_906 = arith.muli %get3A_903, %mul3A_905 : vector<16xi32>
    %swap3A_907 = arith.constant 8 : i32
    %swap3A_908 = arith.index_cast %swap3A_907 : i32 to index
    %swap3A_909 = arith.constant 0 : index
    %swap3A_910 = tpu.vector_load %arg6[%swap3A_908, %swap3A_909] {strides = array<i32>} : memref<16x128xi32, #tpu.memory_space<vmem>>, vector<1x16xi32>,
    %swap3A_911 = vector.shape_cast %swap3A_910 : vector<1x16xi32> to vector<16xi32>
    %swap3A_912 = vector.shape_cast %mul3A_906 : vector<16xi32> to vector<1x16xi32>
    tpu.vector_store %arg6[%swap3A_908, %swap3A_909], %swap3A_912 {strides = array<i32>} : memref<16x128xi32, #tpu.memory_space<vmem>>, vector<1x16xi32>,
    %get3A_913 = arith.constant 8 : i32
    %get3A_914 = arith.index_cast %get3A_913 : i32 to index
    %get3A_915 = arith.constant 16 : index
    %get3A_916 = tpu.vector_load %arg5[%get3A_914, %get3A_915] {strides = array<i32>} : memref<16x128xi32, #tpu.memory_space<vmem>>, vector<1x16xi32>,
    %get3A_917 = vector.shape_cast %get3A_916 : vector<1x16xi32> to vector<16xi32>
    %mul3A_918 = arith.constant 2 : i32
    %mul3A_919 = vector.broadcast %mul3A_918 : i32 to vector<16xi32>
    %mul3A_920 = arith.muli %get3A_917, %mul3A_919 : vector<16xi32>
    %swap3A_921 = arith.constant 8 : i32
    %swap3A_922 = arith.index_cast %swap3A_921 : i32 to index
    %swap3A_923 = arith.constant 16 : index
    %swap3A_924 = tpu.vector_load %arg6[%swap3A_922, %swap3A_923] {strides = array<i32>} : memref<16x128xi32, #tpu.memory_space<vmem>>, vector<1x16xi32>,
    %swap3A_925 = vector.shape_cast %swap3A_924 : vector<1x16xi32> to vector<16xi32>
    %swap3A_926 = vector.shape_cast %mul3A_920 : vector<16xi32> to vector<1x16xi32>
    tpu.vector_store %arg6[%swap3A_922, %swap3A_923], %swap3A_926 {strides = array<i32>} : memref<16x128xi32, #tpu.memory_space<vmem>>, vector<1x16xi32>,
    %get3A_927 = arith.constant 8 : i32
    %get3A_928 = arith.index_cast %get3A_927 : i32 to index
    %get3A_929 = arith.constant 32 : index
    %get3A_930 = tpu.vector_load %arg5[%get3A_928, %get3A_929] {strides = array<i32>} : memref<16x128xi32, #tpu.memory_space<vmem>>, vector<1x16xi32>,
    %get3A_931 = vector.shape_cast %get3A_930 : vector<1x16xi32> to vector<16xi32>
    %mul3A_932 = arith.constant 2 : i32
    %mul3A_933 = vector.broadcast %mul3A_932 : i32 to vector<16xi32>
    %mul3A_934 = arith.muli %get3A_931, %mul3A_933 : vector<16xi32>
    %swap3A_935 = arith.constant 8 : i32
    %swap3A_936 = arith.index_cast %swap3A_935 : i32 to index
    %swap3A_937 = arith.constant 32 : index
    %swap3A_938 = tpu.vector_load %arg6[%swap3A_936, %swap3A_937] {strides = array<i32>} : memref<16x128xi32, #tpu.memory_space<vmem>>, vector<1x16xi32>,
    %swap3A_939 = vector.shape_cast %swap3A_938 : vector<1x16xi32> to vector<16xi32>
    %swap3A_940 = vector.shape_cast %mul3A_934 : vector<16xi32> to vector<1x16xi32>
    tpu.vector_store %arg6[%swap3A_936, %swap3A_937], %swap3A_940 {strides = array<i32>} : memref<16x128xi32, #tpu.memory_space<vmem>>, vector<1x16xi32>,
    %get3A_941 = arith.constant 8 : i32
    %get3A_942 = arith.index_cast %get3A_941 : i32 to index
    %get3A_943 = arith.constant 48 : index
    %get3A_944 = tpu.vector_load %arg5[%get3A_942, %get3A_943] {strides = array<i32>} : memref<16x128xi32, #tpu.memory_space<vmem>>, vector<1x16xi32>,
    %get3A_945 = vector.shape_cast %get3A_944 : vector<1x16xi32> to vector<16xi32>
    %mul3A_946 = arith.constant 2 : i32
    %mul3A_947 = vector.broadcast %mul3A_946 : i32 to vector<16xi32>
    %mul3A_948 = arith.muli %get3A_945, %mul3A_947 : vector<16xi32>
    %swap3A_949 = arith.constant 8 : i32
    %swap3A_950 = arith.index_cast %swap3A_949 : i32 to index
    %swap3A_951 = arith.constant 48 : index
    %swap3A_952 = tpu.vector_load %arg6[%swap3A_950, %swap3A_951] {strides = array<i32>} : memref<16x128xi32, #tpu.memory_space<vmem>>, vector<1x16xi32>,
    %swap3A_953 = vector.shape_cast %swap3A_952 : vector<1x16xi32> to vector<16xi32>
    %swap3A_954 = vector.shape_cast %mul3A_948 : vector<16xi32> to vector<1x16xi32>
    tpu.vector_store %arg6[%swap3A_950, %swap3A_951], %swap3A_954 {strides = array<i32>} : memref<16x128xi32, #tpu.memory_space<vmem>>, vector<1x16xi32>,
    %get3A_955 = arith.constant 8 : i32
    %get3A_956 = arith.index_cast %get3A_955 : i32 to index
    %get3A_957 = arith.constant 64 : index
    %get3A_958 = tpu.vector_load %arg5[%get3A_956, %get3A_957] {strides = array<i32>} : memref<16x128xi32, #tpu.memory_space<vmem>>, vector<1x16xi32>,
    %get3A_959 = vector.shape_cast %get3A_958 : vector<1x16xi32> to vector<16xi32>
    %mul3A_960 = arith.constant 2 : i32
    %mul3A_961 = vector.broadcast %mul3A_960 : i32 to vector<16xi32>
    %mul3A_962 = arith.muli %get3A_959, %mul3A_961 : vector<16xi32>
    %swap3A_963 = arith.constant 8 : i32
    %swap3A_964 = arith.index_cast %swap3A_963 : i32 to index
    %swap3A_965 = arith.constant 64 : index
    %swap3A_966 = tpu.vector_load %arg6[%swap3A_964, %swap3A_965] {strides = array<i32>} : memref<16x128xi32, #tpu.memory_space<vmem>>, vector<1x16xi32>,
    %swap3A_967 = vector.shape_cast %swap3A_966 : vector<1x16xi32> to vector<16xi32>
    %swap3A_968 = vector.shape_cast %mul3A_962 : vector<16xi32> to vector<1x16xi32>
    tpu.vector_store %arg6[%swap3A_964, %swap3A_965], %swap3A_968 {strides = array<i32>} : memref<16x128xi32, #tpu.memory_space<vmem>>, vector<1x16xi32>,
    %get3A_969 = arith.constant 8 : i32
    %get3A_970 = arith.index_cast %get3A_969 : i32 to index
    %get3A_971 = arith.constant 80 : index
    %get3A_972 = tpu.vector_load %arg5[%get3A_970, %get3A_971] {strides = array<i32>} : memref<16x128xi32, #tpu.memory_space<vmem>>, vector<1x16xi32>,
    %get3A_973 = vector.shape_cast %get3A_972 : vector<1x16xi32> to vector<16xi32>
    %mul3A_974 = arith.constant 2 : i32
    %mul3A_975 = vector.broadcast %mul3A_974 : i32 to vector<16xi32>
    %mul3A_976 = arith.muli %get3A_973, %mul3A_975 : vector<16xi32>
    %swap3A_977 = arith.constant 8 : i32
    %swap3A_978 = arith.index_cast %swap3A_977 : i32 to index
    %swap3A_979 = arith.constant 80 : index
    %swap3A_980 = tpu.vector_load %arg6[%swap3A_978, %swap3A_979] {strides = array<i32>} : memref<16x128xi32, #tpu.memory_space<vmem>>, vector<1x16xi32>,
    %swap3A_981 = vector.shape_cast %swap3A_980 : vector<1x16xi32> to vector<16xi32>
    %swap3A_982 = vector.shape_cast %mul3A_976 : vector<16xi32> to vector<1x16xi32>
    tpu.vector_store %arg6[%swap3A_978, %swap3A_979], %swap3A_982 {strides = array<i32>} : memref<16x128xi32, #tpu.memory_space<vmem>>, vector<1x16xi32>,
    %get3A_983 = arith.constant 8 : i32
    %get3A_984 = arith.index_cast %get3A_983 : i32 to index
    %get3A_985 = arith.constant 96 : index
    %get3A_986 = tpu.vector_load %arg5[%get3A_984, %get3A_985] {strides = array<i32>} : memref<16x128xi32, #tpu.memory_space<vmem>>, vector<1x16xi32>,
    %get3A_987 = vector.shape_cast %get3A_986 : vector<1x16xi32> to vector<16xi32>
    %mul3A_988 = arith.constant 2 : i32
    %mul3A_989 = vector.broadcast %mul3A_988 : i32 to vector<16xi32>
    %mul3A_990 = arith.muli %get3A_987, %mul3A_989 : vector<16xi32>
    %swap3A_991 = arith.constant 8 : i32
    %swap3A_992 = arith.index_cast %swap3A_991 : i32 to index
    %swap3A_993 = arith.constant 96 : index
    %swap3A_994 = tpu.vector_load %arg6[%swap3A_992, %swap3A_993] {strides = array<i32>} : memref<16x128xi32, #tpu.memory_space<vmem>>, vector<1x16xi32>,
    %swap3A_995 = vector.shape_cast %swap3A_994 : vector<1x16xi32> to vector<16xi32>
    %swap3A_996 = vector.shape_cast %mul3A_990 : vector<16xi32> to vector<1x16xi32>
    tpu.vector_store %arg6[%swap3A_992, %swap3A_993], %swap3A_996 {strides = array<i32>} : memref<16x128xi32, #tpu.memory_space<vmem>>, vector<1x16xi32>,
    %get3A_997 = arith.constant 8 : i32
    %get3A_998 = arith.index_cast %get3A_997 : i32 to index
    %get3A_999 = arith.constant 112 : index
    %get3A_1000 = tpu.vector_load %arg5[%get3A_998, %get3A_999] {strides = array<i32>} : memref<16x128xi32, #tpu.memory_space<vmem>>, vector<1x16xi32>,
    %get3A_1001 = vector.shape_cast %get3A_1000 : vector<1x16xi32> to vector<16xi32>
    %mul3A_1002 = arith.constant 2 : i32
    %mul3A_1003 = vector.broadcast %mul3A_1002 : i32 to vector<16xi32>
    %mul3A_1004 = arith.muli %get3A_1001, %mul3A_1003 : vector<16xi32>
    %swap3A_1005 = arith.constant 8 : i32
    %swap3A_1006 = arith.index_cast %swap3A_1005 : i32 to index
    %swap3A_1007 = arith.constant 112 : index
    %swap3A_1008 = tpu.vector_load %arg6[%swap3A_1006, %swap3A_1007] {strides = array<i32>} : memref<16x128xi32, #tpu.memory_space<vmem>>, vector<1x16xi32>,
    %swap3A_1009 = vector.shape_cast %swap3A_1008 : vector<1x16xi32> to vector<16xi32>
    %swap3A_1010 = vector.shape_cast %mul3A_1004 : vector<16xi32> to vector<1x16xi32>
    tpu.vector_store %arg6[%swap3A_1006, %swap3A_1007], %swap3A_1010 {strides = array<i32>} : memref<16x128xi32, #tpu.memory_space<vmem>>, vector<1x16xi32>,
    %get3A_1011 = arith.constant 9 : i32
    %get3A_1012 = arith.index_cast %get3A_1011 : i32 to index
    %get3A_1013 = arith.constant 0 : index
    %get3A_1014 = tpu.vector_load %arg5[%get3A_1012, %get3A_1013] {strides = array<i32>} : memref<16x128xi32, #tpu.memory_space<vmem>>, vector<1x16xi32>,
    %get3A_1015 = vector.shape_cast %get3A_1014 : vector<1x16xi32> to vector<16xi32>
    %mul3A_1016 = arith.constant 2 : i32
    %mul3A_1017 = vector.broadcast %mul3A_1016 : i32 to vector<16xi32>
    %mul3A_1018 = arith.muli %get3A_1015, %mul3A_1017 : vector<16xi32>
    %swap3A_1019 = arith.constant 9 : i32
    %swap3A_1020 = arith.index_cast %swap3A_1019 : i32 to index
    %swap3A_1021 = arith.constant 0 : index
    %swap3A_1022 = tpu.vector_load %arg6[%swap3A_1020, %swap3A_1021] {strides = array<i32>} : memref<16x128xi32, #tpu.memory_space<vmem>>, vector<1x16xi32>,
    %swap3A_1023 = vector.shape_cast %swap3A_1022 : vector<1x16xi32> to vector<16xi32>
    %swap3A_1024 = vector.shape_cast %mul3A_1018 : vector<16xi32> to vector<1x16xi32>
    tpu.vector_store %arg6[%swap3A_1020, %swap3A_1021], %swap3A_1024 {strides = array<i32>} : memref<16x128xi32, #tpu.memory_space<vmem>>, vector<1x16xi32>,
    %get3A_1025 = arith.constant 9 : i32
    %get3A_1026 = arith.index_cast %get3A_1025 : i32 to index
    %get3A_1027 = arith.constant 16 : index
    %get3A_1028 = tpu.vector_load %arg5[%get3A_1026, %get3A_1027] {strides = array<i32>} : memref<16x128xi32, #tpu.memory_space<vmem>>, vector<1x16xi32>,
    %get3A_1029 = vector.shape_cast %get3A_1028 : vector<1x16xi32> to vector<16xi32>
    %mul3A_1030 = arith.constant 2 : i32
    %mul3A_1031 = vector.broadcast %mul3A_1030 : i32 to vector<16xi32>
    %mul3A_1032 = arith.muli %get3A_1029, %mul3A_1031 : vector<16xi32>
    %swap3A_1033 = arith.constant 9 : i32
    %swap3A_1034 = arith.index_cast %swap3A_1033 : i32 to index
    %swap3A_1035 = arith.constant 16 : index
    %swap3A_1036 = tpu.vector_load %arg6[%swap3A_1034, %swap3A_1035] {strides = array<i32>} : memref<16x128xi32, #tpu.memory_space<vmem>>, vector<1x16xi32>,
    %swap3A_1037 = vector.shape_cast %swap3A_1036 : vector<1x16xi32> to vector<16xi32>
    %swap3A_1038 = vector.shape_cast %mul3A_1032 : vector<16xi32> to vector<1x16xi32>
    tpu.vector_store %arg6[%swap3A_1034, %swap3A_1035], %swap3A_1038 {strides = array<i32>} : memref<16x128xi32, #tpu.memory_space<vmem>>, vector<1x16xi32>,
    %get3A_1039 = arith.constant 9 : i32
    %get3A_1040 = arith.index_cast %get3A_1039 : i32 to index
    %get3A_1041 = arith.constant 32 : index
    %get3A_1042 = tpu.vector_load %arg5[%get3A_1040, %get3A_1041] {strides = array<i32>} : memref<16x128xi32, #tpu.memory_space<vmem>>, vector<1x16xi32>,
    %get3A_1043 = vector.shape_cast %get3A_1042 : vector<1x16xi32> to vector<16xi32>
    %mul3A_1044 = arith.constant 2 : i32
    %mul3A_1045 = vector.broadcast %mul3A_1044 : i32 to vector<16xi32>
    %mul3A_1046 = arith.muli %get3A_1043, %mul3A_1045 : vector<16xi32>
    %swap3A_1047 = arith.constant 9 : i32
    %swap3A_1048 = arith.index_cast %swap3A_1047 : i32 to index
    %swap3A_1049 = arith.constant 32 : index
    %swap3A_1050 = tpu.vector_load %arg6[%swap3A_1048, %swap3A_1049] {strides = array<i32>} : memref<16x128xi32, #tpu.memory_space<vmem>>, vector<1x16xi32>,
    %swap3A_1051 = vector.shape_cast %swap3A_1050 : vector<1x16xi32> to vector<16xi32>
    %swap3A_1052 = vector.shape_cast %mul3A_1046 : vector<16xi32> to vector<1x16xi32>
    tpu.vector_store %arg6[%swap3A_1048, %swap3A_1049], %swap3A_1052 {strides = array<i32>} : memref<16x128xi32, #tpu.memory_space<vmem>>, vector<1x16xi32>,
    %get3A_1053 = arith.constant 9 : i32
    %get3A_1054 = arith.index_cast %get3A_1053 : i32 to index
    %get3A_1055 = arith.constant 48 : index
    %get3A_1056 = tpu.vector_load %arg5[%get3A_1054, %get3A_1055] {strides = array<i32>} : memref<16x128xi32, #tpu.memory_space<vmem>>, vector<1x16xi32>,
    %get3A_1057 = vector.shape_cast %get3A_1056 : vector<1x16xi32> to vector<16xi32>
    %mul3A_1058 = arith.constant 2 : i32
    %mul3A_1059 = vector.broadcast %mul3A_1058 : i32 to vector<16xi32>
    %mul3A_1060 = arith.muli %get3A_1057, %mul3A_1059 : vector<16xi32>
    %swap3A_1061 = arith.constant 9 : i32
    %swap3A_1062 = arith.index_cast %swap3A_1061 : i32 to index
    %swap3A_1063 = arith.constant 48 : index
    %swap3A_1064 = tpu.vector_load %arg6[%swap3A_1062, %swap3A_1063] {strides = array<i32>} : memref<16x128xi32, #tpu.memory_space<vmem>>, vector<1x16xi32>,
    %swap3A_1065 = vector.shape_cast %swap3A_1064 : vector<1x16xi32> to vector<16xi32>
    %swap3A_1066 = vector.shape_cast %mul3A_1060 : vector<16xi32> to vector<1x16xi32>
    tpu.vector_store %arg6[%swap3A_1062, %swap3A_1063], %swap3A_1066 {strides = array<i32>} : memref<16x128xi32, #tpu.memory_space<vmem>>, vector<1x16xi32>,
    %get3A_1067 = arith.constant 9 : i32
    %get3A_1068 = arith.index_cast %get3A_1067 : i32 to index
    %get3A_1069 = arith.constant 64 : index
    %get3A_1070 = tpu.vector_load %arg5[%get3A_1068, %get3A_1069] {strides = array<i32>} : memref<16x128xi32, #tpu.memory_space<vmem>>, vector<1x16xi32>,
    %get3A_1071 = vector.shape_cast %get3A_1070 : vector<1x16xi32> to vector<16xi32>
    %mul3A_1072 = arith.constant 2 : i32
    %mul3A_1073 = vector.broadcast %mul3A_1072 : i32 to vector<16xi32>
    %mul3A_1074 = arith.muli %get3A_1071, %mul3A_1073 : vector<16xi32>
    %swap3A_1075 = arith.constant 9 : i32
    %swap3A_1076 = arith.index_cast %swap3A_1075 : i32 to index
    %swap3A_1077 = arith.constant 64 : index
    %swap3A_1078 = tpu.vector_load %arg6[%swap3A_1076, %swap3A_1077] {strides = array<i32>} : memref<16x128xi32, #tpu.memory_space<vmem>>, vector<1x16xi32>,
    %swap3A_1079 = vector.shape_cast %swap3A_1078 : vector<1x16xi32> to vector<16xi32>
    %swap3A_1080 = vector.shape_cast %mul3A_1074 : vector<16xi32> to vector<1x16xi32>
    tpu.vector_store %arg6[%swap3A_1076, %swap3A_1077], %swap3A_1080 {strides = array<i32>} : memref<16x128xi32, #tpu.memory_space<vmem>>, vector<1x16xi32>,
    %get3A_1081 = arith.constant 9 : i32
    %get3A_1082 = arith.index_cast %get3A_1081 : i32 to index
    %get3A_1083 = arith.constant 80 : index
    %get3A_1084 = tpu.vector_load %arg5[%get3A_1082, %get3A_1083] {strides = array<i32>} : memref<16x128xi32, #tpu.memory_space<vmem>>, vector<1x16xi32>,
    %get3A_1085 = vector.shape_cast %get3A_1084 : vector<1x16xi32> to vector<16xi32>
    %mul3A_1086 = arith.constant 2 : i32
    %mul3A_1087 = vector.broadcast %mul3A_1086 : i32 to vector<16xi32>
    %mul3A_1088 = arith.muli %get3A_1085, %mul3A_1087 : vector<16xi32>
    %swap3A_1089 = arith.constant 9 : i32
    %swap3A_1090 = arith.index_cast %swap3A_1089 : i32 to index
    %swap3A_1091 = arith.constant 80 : index
    %swap3A_1092 = tpu.vector_load %arg6[%swap3A_1090, %swap3A_1091] {strides = array<i32>} : memref<16x128xi32, #tpu.memory_space<vmem>>, vector<1x16xi32>,
    %swap3A_1093 = vector.shape_cast %swap3A_1092 : vector<1x16xi32> to vector<16xi32>
    %swap3A_1094 = vector.shape_cast %mul3A_1088 : vector<16xi32> to vector<1x16xi32>
    tpu.vector_store %arg6[%swap3A_1090, %swap3A_1091], %swap3A_1094 {strides = array<i32>} : memref<16x128xi32, #tpu.memory_space<vmem>>, vector<1x16xi32>,
    %get3A_1095 = arith.constant 9 : i32
    %get3A_1096 = arith.index_cast %get3A_1095 : i32 to index
    %get3A_1097 = arith.constant 96 : index
    %get3A_1098 = tpu.vector_load %arg5[%get3A_1096, %get3A_1097] {strides = array<i32>} : memref<16x128xi32, #tpu.memory_space<vmem>>, vector<1x16xi32>,
    %get3A_1099 = vector.shape_cast %get3A_1098 : vector<1x16xi32> to vector<16xi32>
    %mul3A_1100 = arith.constant 2 : i32
    %mul3A_1101 = vector.broadcast %mul3A_1100 : i32 to vector<16xi32>
    %mul3A_1102 = arith.muli %get3A_1099, %mul3A_1101 : vector<16xi32>
    %swap3A_1103 = arith.constant 9 : i32
    %swap3A_1104 = arith.index_cast %swap3A_1103 : i32 to index
    %swap3A_1105 = arith.constant 96 : index
    %swap3A_1106 = tpu.vector_load %arg6[%swap3A_1104, %swap3A_1105] {strides = array<i32>} : memref<16x128xi32, #tpu.memory_space<vmem>>, vector<1x16xi32>,
    %swap3A_1107 = vector.shape_cast %swap3A_1106 : vector<1x16xi32> to vector<16xi32>
    %swap3A_1108 = vector.shape_cast %mul3A_1102 : vector<16xi32> to vector<1x16xi32>
    tpu.vector_store %arg6[%swap3A_1104, %swap3A_1105], %swap3A_1108 {strides = array<i32>} : memref<16x128xi32, #tpu.memory_space<vmem>>, vector<1x16xi32>,
    %get3A_1109 = arith.constant 9 : i32
    %get3A_1110 = arith.index_cast %get3A_1109 : i32 to index
    %get3A_1111 = arith.constant 112 : index
    %get3A_1112 = tpu.vector_load %arg5[%get3A_1110, %get3A_1111] {strides = array<i32>} : memref<16x128xi32, #tpu.memory_space<vmem>>, vector<1x16xi32>,
    %get3A_1113 = vector.shape_cast %get3A_1112 : vector<1x16xi32> to vector<16xi32>
    %mul3A_1114 = arith.constant 2 : i32
    %mul3A_1115 = vector.broadcast %mul3A_1114 : i32 to vector<16xi32>
    %mul3A_1116 = arith.muli %get3A_1113, %mul3A_1115 : vector<16xi32>
    %swap3A_1117 = arith.constant 9 : i32
    %swap3A_1118 = arith.index_cast %swap3A_1117 : i32 to index
    %swap3A_1119 = arith.constant 112 : index
    %swap3A_1120 = tpu.vector_load %arg6[%swap3A_1118, %swap3A_1119] {strides = array<i32>} : memref<16x128xi32, #tpu.memory_space<vmem>>, vector<1x16xi32>,
    %swap3A_1121 = vector.shape_cast %swap3A_1120 : vector<1x16xi32> to vector<16xi32>
    %swap3A_1122 = vector.shape_cast %mul3A_1116 : vector<16xi32> to vector<1x16xi32>
    tpu.vector_store %arg6[%swap3A_1118, %swap3A_1119], %swap3A_1122 {strides = array<i32>} : memref<16x128xi32, #tpu.memory_space<vmem>>, vector<1x16xi32>,
    %get3A_1123 = arith.constant 10 : i32
    %get3A_1124 = arith.index_cast %get3A_1123 : i32 to index
    %get3A_1125 = arith.constant 0 : index
    %get3A_1126 = tpu.vector_load %arg5[%get3A_1124, %get3A_1125] {strides = array<i32>} : memref<16x128xi32, #tpu.memory_space<vmem>>, vector<1x16xi32>,
    %get3A_1127 = vector.shape_cast %get3A_1126 : vector<1x16xi32> to vector<16xi32>
    %mul3A_1128 = arith.constant 2 : i32
    %mul3A_1129 = vector.broadcast %mul3A_1128 : i32 to vector<16xi32>
    %mul3A_1130 = arith.muli %get3A_1127, %mul3A_1129 : vector<16xi32>
    %swap3A_1131 = arith.constant 10 : i32
    %swap3A_1132 = arith.index_cast %swap3A_1131 : i32 to index
    %swap3A_1133 = arith.constant 0 : index
    %swap3A_1134 = tpu.vector_load %arg6[%swap3A_1132, %swap3A_1133] {strides = array<i32>} : memref<16x128xi32, #tpu.memory_space<vmem>>, vector<1x16xi32>,
    %swap3A_1135 = vector.shape_cast %swap3A_1134 : vector<1x16xi32> to vector<16xi32>
    %swap3A_1136 = vector.shape_cast %mul3A_1130 : vector<16xi32> to vector<1x16xi32>
    tpu.vector_store %arg6[%swap3A_1132, %swap3A_1133], %swap3A_1136 {strides = array<i32>} : memref<16x128xi32, #tpu.memory_space<vmem>>, vector<1x16xi32>,
    %get3A_1137 = arith.constant 10 : i32
    %get3A_1138 = arith.index_cast %get3A_1137 : i32 to index
    %get3A_1139 = arith.constant 16 : index
    %get3A_1140 = tpu.vector_load %arg5[%get3A_1138, %get3A_1139] {strides = array<i32>} : memref<16x128xi32, #tpu.memory_space<vmem>>, vector<1x16xi32>,
    %get3A_1141 = vector.shape_cast %get3A_1140 : vector<1x16xi32> to vector<16xi32>
    %mul3A_1142 = arith.constant 2 : i32
    %mul3A_1143 = vector.broadcast %mul3A_1142 : i32 to vector<16xi32>
    %mul3A_1144 = arith.muli %get3A_1141, %mul3A_1143 : vector<16xi32>
    %swap3A_1145 = arith.constant 10 : i32
    %swap3A_1146 = arith.index_cast %swap3A_1145 : i32 to index
    %swap3A_1147 = arith.constant 16 : index
    %swap3A_1148 = tpu.vector_load %arg6[%swap3A_1146, %swap3A_1147] {strides = array<i32>} : memref<16x128xi32, #tpu.memory_space<vmem>>, vector<1x16xi32>,
    %swap3A_1149 = vector.shape_cast %swap3A_1148 : vector<1x16xi32> to vector<16xi32>
    %swap3A_1150 = vector.shape_cast %mul3A_1144 : vector<16xi32> to vector<1x16xi32>
    tpu.vector_store %arg6[%swap3A_1146, %swap3A_1147], %swap3A_1150 {strides = array<i32>} : memref<16x128xi32, #tpu.memory_space<vmem>>, vector<1x16xi32>,
    %get3A_1151 = arith.constant 10 : i32
    %get3A_1152 = arith.index_cast %get3A_1151 : i32 to index
    %get3A_1153 = arith.constant 32 : index
    %get3A_1154 = tpu.vector_load %arg5[%get3A_1152, %get3A_1153] {strides = array<i32>} : memref<16x128xi32, #tpu.memory_space<vmem>>, vector<1x16xi32>,
    %get3A_1155 = vector.shape_cast %get3A_1154 : vector<1x16xi32> to vector<16xi32>
    %mul3A_1156 = arith.constant 2 : i32
    %mul3A_1157 = vector.broadcast %mul3A_1156 : i32 to vector<16xi32>
    %mul3A_1158 = arith.muli %get3A_1155, %mul3A_1157 : vector<16xi32>
    %swap3A_1159 = arith.constant 10 : i32
    %swap3A_1160 = arith.index_cast %swap3A_1159 : i32 to index
    %swap3A_1161 = arith.constant 32 : index
    %swap3A_1162 = tpu.vector_load %arg6[%swap3A_1160, %swap3A_1161] {strides = array<i32>} : memref<16x128xi32, #tpu.memory_space<vmem>>, vector<1x16xi32>,
    %swap3A_1163 = vector.shape_cast %swap3A_1162 : vector<1x16xi32> to vector<16xi32>
    %swap3A_1164 = vector.shape_cast %mul3A_1158 : vector<16xi32> to vector<1x16xi32>
    tpu.vector_store %arg6[%swap3A_1160, %swap3A_1161], %swap3A_1164 {strides = array<i32>} : memref<16x128xi32, #tpu.memory_space<vmem>>, vector<1x16xi32>,
    %get3A_1165 = arith.constant 10 : i32
    %get3A_1166 = arith.index_cast %get3A_1165 : i32 to index
    %get3A_1167 = arith.constant 48 : index
    %get3A_1168 = tpu.vector_load %arg5[%get3A_1166, %get3A_1167] {strides = array<i32>} : memref<16x128xi32, #tpu.memory_space<vmem>>, vector<1x16xi32>,
    %get3A_1169 = vector.shape_cast %get3A_1168 : vector<1x16xi32> to vector<16xi32>
    %mul3A_1170 = arith.constant 2 : i32
    %mul3A_1171 = vector.broadcast %mul3A_1170 : i32 to vector<16xi32>
    %mul3A_1172 = arith.muli %get3A_1169, %mul3A_1171 : vector<16xi32>
    %swap3A_1173 = arith.constant 10 : i32
    %swap3A_1174 = arith.index_cast %swap3A_1173 : i32 to index
    %swap3A_1175 = arith.constant 48 : index
    %swap3A_1176 = tpu.vector_load %arg6[%swap3A_1174, %swap3A_1175] {strides = array<i32>} : memref<16x128xi32, #tpu.memory_space<vmem>>, vector<1x16xi32>,
    %swap3A_1177 = vector.shape_cast %swap3A_1176 : vector<1x16xi32> to vector<16xi32>
    %swap3A_1178 = vector.shape_cast %mul3A_1172 : vector<16xi32> to vector<1x16xi32>
    tpu.vector_store %arg6[%swap3A_1174, %swap3A_1175], %swap3A_1178 {strides = array<i32>} : memref<16x128xi32, #tpu.memory_space<vmem>>, vector<1x16xi32>,
    %get3A_1179 = arith.constant 10 : i32
    %get3A_1180 = arith.index_cast %get3A_1179 : i32 to index
    %get3A_1181 = arith.constant 64 : index
    %get3A_1182 = tpu.vector_load %arg5[%get3A_1180, %get3A_1181] {strides = array<i32>} : memref<16x128xi32, #tpu.memory_space<vmem>>, vector<1x16xi32>,
    %get3A_1183 = vector.shape_cast %get3A_1182 : vector<1x16xi32> to vector<16xi32>
    %mul3A_1184 = arith.constant 2 : i32
    %mul3A_1185 = vector.broadcast %mul3A_1184 : i32 to vector<16xi32>
    %mul3A_1186 = arith.muli %get3A_1183, %mul3A_1185 : vector<16xi32>
    %swap3A_1187 = arith.constant 10 : i32
    %swap3A_1188 = arith.index_cast %swap3A_1187 : i32 to index
    %swap3A_1189 = arith.constant 64 : index
    %swap3A_1190 = tpu.vector_load %arg6[%swap3A_1188, %swap3A_1189] {strides = array<i32>} : memref<16x128xi32, #tpu.memory_space<vmem>>, vector<1x16xi32>,
    %swap3A_1191 = vector.shape_cast %swap3A_1190 : vector<1x16xi32> to vector<16xi32>
    %swap3A_1192 = vector.shape_cast %mul3A_1186 : vector<16xi32> to vector<1x16xi32>
    tpu.vector_store %arg6[%swap3A_1188, %swap3A_1189], %swap3A_1192 {strides = array<i32>} : memref<16x128xi32, #tpu.memory_space<vmem>>, vector<1x16xi32>,
    %get3A_1193 = arith.constant 10 : i32
    %get3A_1194 = arith.index_cast %get3A_1193 : i32 to index
    %get3A_1195 = arith.constant 80 : index
    %get3A_1196 = tpu.vector_load %arg5[%get3A_1194, %get3A_1195] {strides = array<i32>} : memref<16x128xi32, #tpu.memory_space<vmem>>, vector<1x16xi32>,
    %get3A_1197 = vector.shape_cast %get3A_1196 : vector<1x16xi32> to vector<16xi32>
    %mul3A_1198 = arith.constant 2 : i32
    %mul3A_1199 = vector.broadcast %mul3A_1198 : i32 to vector<16xi32>
    %mul3A_1200 = arith.muli %get3A_1197, %mul3A_1199 : vector<16xi32>
    %swap3A_1201 = arith.constant 10 : i32
    %swap3A_1202 = arith.index_cast %swap3A_1201 : i32 to index
    %swap3A_1203 = arith.constant 80 : index
    %swap3A_1204 = tpu.vector_load %arg6[%swap3A_1202, %swap3A_1203] {strides = array<i32>} : memref<16x128xi32, #tpu.memory_space<vmem>>, vector<1x16xi32>,
    %swap3A_1205 = vector.shape_cast %swap3A_1204 : vector<1x16xi32> to vector<16xi32>
    %swap3A_1206 = vector.shape_cast %mul3A_1200 : vector<16xi32> to vector<1x16xi32>
    tpu.vector_store %arg6[%swap3A_1202, %swap3A_1203], %swap3A_1206 {strides = array<i32>} : memref<16x128xi32, #tpu.memory_space<vmem>>, vector<1x16xi32>,
    %get3A_1207 = arith.constant 10 : i32
    %get3A_1208 = arith.index_cast %get3A_1207 : i32 to index
    %get3A_1209 = arith.constant 96 : index
    %get3A_1210 = tpu.vector_load %arg5[%get3A_1208, %get3A_1209] {strides = array<i32>} : memref<16x128xi32, #tpu.memory_space<vmem>>, vector<1x16xi32>,
    %get3A_1211 = vector.shape_cast %get3A_1210 : vector<1x16xi32> to vector<16xi32>
    %mul3A_1212 = arith.constant 2 : i32
    %mul3A_1213 = vector.broadcast %mul3A_1212 : i32 to vector<16xi32>
    %mul3A_1214 = arith.muli %get3A_1211, %mul3A_1213 : vector<16xi32>
    %swap3A_1215 = arith.constant 10 : i32
    %swap3A_1216 = arith.index_cast %swap3A_1215 : i32 to index
    %swap3A_1217 = arith.constant 96 : index
    %swap3A_1218 = tpu.vector_load %arg6[%swap3A_1216, %swap3A_1217] {strides = array<i32>} : memref<16x128xi32, #tpu.memory_space<vmem>>, vector<1x16xi32>,
    %swap3A_1219 = vector.shape_cast %swap3A_1218 : vector<1x16xi32> to vector<16xi32>
    %swap3A_1220 = vector.shape_cast %mul3A_1214 : vector<16xi32> to vector<1x16xi32>
    tpu.vector_store %arg6[%swap3A_1216, %swap3A_1217], %swap3A_1220 {strides = array<i32>} : memref<16x128xi32, #tpu.memory_space<vmem>>, vector<1x16xi32>,
    %get3A_1221 = arith.constant 10 : i32
    %get3A_1222 = arith.index_cast %get3A_1221 : i32 to index
    %get3A_1223 = arith.constant 112 : index
    %get3A_1224 = tpu.vector_load %arg5[%get3A_1222, %get3A_1223] {strides = array<i32>} : memref<16x128xi32, #tpu.memory_space<vmem>>, vector<1x16xi32>,
    %get3A_1225 = vector.shape_cast %get3A_1224 : vector<1x16xi32> to vector<16xi32>
    %mul3A_1226 = arith.constant 2 : i32
    %mul3A_1227 = vector.broadcast %mul3A_1226 : i32 to vector<16xi32>
    %mul3A_1228 = arith.muli %get3A_1225, %mul3A_1227 : vector<16xi32>
    %swap3A_1229 = arith.constant 10 : i32
    %swap3A_1230 = arith.index_cast %swap3A_1229 : i32 to index
    %swap3A_1231 = arith.constant 112 : index
    %swap3A_1232 = tpu.vector_load %arg6[%swap3A_1230, %swap3A_1231] {strides = array<i32>} : memref<16x128xi32, #tpu.memory_space<vmem>>, vector<1x16xi32>,
    %swap3A_1233 = vector.shape_cast %swap3A_1232 : vector<1x16xi32> to vector<16xi32>
    %swap3A_1234 = vector.shape_cast %mul3A_1228 : vector<16xi32> to vector<1x16xi32>
    tpu.vector_store %arg6[%swap3A_1230, %swap3A_1231], %swap3A_1234 {strides = array<i32>} : memref<16x128xi32, #tpu.memory_space<vmem>>, vector<1x16xi32>,
    %get3A_1235 = arith.constant 11 : i32
    %get3A_1236 = arith.index_cast %get3A_1235 : i32 to index
    %get3A_1237 = arith.constant 0 : index
    %get3A_1238 = tpu.vector_load %arg5[%get3A_1236, %get3A_1237] {strides = array<i32>} : memref<16x128xi32, #tpu.memory_space<vmem>>, vector<1x16xi32>,
    %get3A_1239 = vector.shape_cast %get3A_1238 : vector<1x16xi32> to vector<16xi32>
    %mul3A_1240 = arith.constant 2 : i32
    %mul3A_1241 = vector.broadcast %mul3A_1240 : i32 to vector<16xi32>
    %mul3A_1242 = arith.muli %get3A_1239, %mul3A_1241 : vector<16xi32>
    %swap3A_1243 = arith.constant 11 : i32
    %swap3A_1244 = arith.index_cast %swap3A_1243 : i32 to index
    %swap3A_1245 = arith.constant 0 : index
    %swap3A_1246 = tpu.vector_load %arg6[%swap3A_1244, %swap3A_1245] {strides = array<i32>} : memref<16x128xi32, #tpu.memory_space<vmem>>, vector<1x16xi32>,
    %swap3A_1247 = vector.shape_cast %swap3A_1246 : vector<1x16xi32> to vector<16xi32>
    %swap3A_1248 = vector.shape_cast %mul3A_1242 : vector<16xi32> to vector<1x16xi32>
    tpu.vector_store %arg6[%swap3A_1244, %swap3A_1245], %swap3A_1248 {strides = array<i32>} : memref<16x128xi32, #tpu.memory_space<vmem>>, vector<1x16xi32>,
    %get3A_1249 = arith.constant 11 : i32
    %get3A_1250 = arith.index_cast %get3A_1249 : i32 to index
    %get3A_1251 = arith.constant 16 : index
    %get3A_1252 = tpu.vector_load %arg5[%get3A_1250, %get3A_1251] {strides = array<i32>} : memref<16x128xi32, #tpu.memory_space<vmem>>, vector<1x16xi32>,
    %get3A_1253 = vector.shape_cast %get3A_1252 : vector<1x16xi32> to vector<16xi32>
    %mul3A_1254 = arith.constant 2 : i32
    %mul3A_1255 = vector.broadcast %mul3A_1254 : i32 to vector<16xi32>
    %mul3A_1256 = arith.muli %get3A_1253, %mul3A_1255 : vector<16xi32>
    %swap3A_1257 = arith.constant 11 : i32
    %swap3A_1258 = arith.index_cast %swap3A_1257 : i32 to index
    %swap3A_1259 = arith.constant 16 : index
    %swap3A_1260 = tpu.vector_load %arg6[%swap3A_1258, %swap3A_1259] {strides = array<i32>} : memref<16x128xi32, #tpu.memory_space<vmem>>, vector<1x16xi32>,
    %swap3A_1261 = vector.shape_cast %swap3A_1260 : vector<1x16xi32> to vector<16xi32>
    %swap3A_1262 = vector.shape_cast %mul3A_1256 : vector<16xi32> to vector<1x16xi32>
    tpu.vector_store %arg6[%swap3A_1258, %swap3A_1259], %swap3A_1262 {strides = array<i32>} : memref<16x128xi32, #tpu.memory_space<vmem>>, vector<1x16xi32>,
    %get3A_1263 = arith.constant 11 : i32
    %get3A_1264 = arith.index_cast %get3A_1263 : i32 to index
    %get3A_1265 = arith.constant 32 : index
    %get3A_1266 = tpu.vector_load %arg5[%get3A_1264, %get3A_1265] {strides = array<i32>} : memref<16x128xi32, #tpu.memory_space<vmem>>, vector<1x16xi32>,
    %get3A_1267 = vector.shape_cast %get3A_1266 : vector<1x16xi32> to vector<16xi32>
    %mul3A_1268 = arith.constant 2 : i32
    %mul3A_1269 = vector.broadcast %mul3A_1268 : i32 to vector<16xi32>
    %mul3A_1270 = arith.muli %get3A_1267, %mul3A_1269 : vector<16xi32>
    %swap3A_1271 = arith.constant 11 : i32
    %swap3A_1272 = arith.index_cast %swap3A_1271 : i32 to index
    %swap3A_1273 = arith.constant 32 : index
    %swap3A_1274 = tpu.vector_load %arg6[%swap3A_1272, %swap3A_1273] {strides = array<i32>} : memref<16x128xi32, #tpu.memory_space<vmem>>, vector<1x16xi32>,
    %swap3A_1275 = vector.shape_cast %swap3A_1274 : vector<1x16xi32> to vector<16xi32>
    %swap3A_1276 = vector.shape_cast %mul3A_1270 : vector<16xi32> to vector<1x16xi32>
    tpu.vector_store %arg6[%swap3A_1272, %swap3A_1273], %swap3A_1276 {strides = array<i32>} : memref<16x128xi32, #tpu.memory_space<vmem>>, vector<1x16xi32>,
    %get3A_1277 = arith.constant 11 : i32
    %get3A_1278 = arith.index_cast %get3A_1277 : i32 to index
    %get3A_1279 = arith.constant 48 : index
    %get3A_1280 = tpu.vector_load %arg5[%get3A_1278, %get3A_1279] {strides = array<i32>} : memref<16x128xi32, #tpu.memory_space<vmem>>, vector<1x16xi32>,
    %get3A_1281 = vector.shape_cast %get3A_1280 : vector<1x16xi32> to vector<16xi32>
    %mul3A_1282 = arith.constant 2 : i32
    %mul3A_1283 = vector.broadcast %mul3A_1282 : i32 to vector<16xi32>
    %mul3A_1284 = arith.muli %get3A_1281, %mul3A_1283 : vector<16xi32>
    %swap3A_1285 = arith.constant 11 : i32
    %swap3A_1286 = arith.index_cast %swap3A_1285 : i32 to index
    %swap3A_1287 = arith.constant 48 : index
    %swap3A_1288 = tpu.vector_load %arg6[%swap3A_1286, %swap3A_1287] {strides = array<i32>} : memref<16x128xi32, #tpu.memory_space<vmem>>, vector<1x16xi32>,
    %swap3A_1289 = vector.shape_cast %swap3A_1288 : vector<1x16xi32> to vector<16xi32>
    %swap3A_1290 = vector.shape_cast %mul3A_1284 : vector<16xi32> to vector<1x16xi32>
    tpu.vector_store %arg6[%swap3A_1286, %swap3A_1287], %swap3A_1290 {strides = array<i32>} : memref<16x128xi32, #tpu.memory_space<vmem>>, vector<1x16xi32>,
    %get3A_1291 = arith.constant 11 : i32
    %get3A_1292 = arith.index_cast %get3A_1291 : i32 to index
    %get3A_1293 = arith.constant 64 : index
    %get3A_1294 = tpu.vector_load %arg5[%get3A_1292, %get3A_1293] {strides = array<i32>} : memref<16x128xi32, #tpu.memory_space<vmem>>, vector<1x16xi32>,
    %get3A_1295 = vector.shape_cast %get3A_1294 : vector<1x16xi32> to vector<16xi32>
    %mul3A_1296 = arith.constant 2 : i32
    %mul3A_1297 = vector.broadcast %mul3A_1296 : i32 to vector<16xi32>
    %mul3A_1298 = arith.muli %get3A_1295, %mul3A_1297 : vector<16xi32>
    %swap3A_1299 = arith.constant 11 : i32
    %swap3A_1300 = arith.index_cast %swap3A_1299 : i32 to index
    %swap3A_1301 = arith.constant 64 : index
    %swap3A_1302 = tpu.vector_load %arg6[%swap3A_1300, %swap3A_1301] {strides = array<i32>} : memref<16x128xi32, #tpu.memory_space<vmem>>, vector<1x16xi32>,
    %swap3A_1303 = vector.shape_cast %swap3A_1302 : vector<1x16xi32> to vector<16xi32>
    %swap3A_1304 = vector.shape_cast %mul3A_1298 : vector<16xi32> to vector<1x16xi32>
    tpu.vector_store %arg6[%swap3A_1300, %swap3A_1301], %swap3A_1304 {strides = array<i32>} : memref<16x128xi32, #tpu.memory_space<vmem>>, vector<1x16xi32>,
    %get3A_1305 = arith.constant 11 : i32
    %get3A_1306 = arith.index_cast %get3A_1305 : i32 to index
    %get3A_1307 = arith.constant 80 : index
    %get3A_1308 = tpu.vector_load %arg5[%get3A_1306, %get3A_1307] {strides = array<i32>} : memref<16x128xi32, #tpu.memory_space<vmem>>, vector<1x16xi32>,
    %get3A_1309 = vector.shape_cast %get3A_1308 : vector<1x16xi32> to vector<16xi32>
    %mul3A_1310 = arith.constant 2 : i32
    %mul3A_1311 = vector.broadcast %mul3A_1310 : i32 to vector<16xi32>
    %mul3A_1312 = arith.muli %get3A_1309, %mul3A_1311 : vector<16xi32>
    %swap3A_1313 = arith.constant 11 : i32
    %swap3A_1314 = arith.index_cast %swap3A_1313 : i32 to index
    %swap3A_1315 = arith.constant 80 : index
    %swap3A_1316 = tpu.vector_load %arg6[%swap3A_1314, %swap3A_1315] {strides = array<i32>} : memref<16x128xi32, #tpu.memory_space<vmem>>, vector<1x16xi32>,
    %swap3A_1317 = vector.shape_cast %swap3A_1316 : vector<1x16xi32> to vector<16xi32>
    %swap3A_1318 = vector.shape_cast %mul3A_1312 : vector<16xi32> to vector<1x16xi32>
    tpu.vector_store %arg6[%swap3A_1314, %swap3A_1315], %swap3A_1318 {strides = array<i32>} : memref<16x128xi32, #tpu.memory_space<vmem>>, vector<1x16xi32>,
    %get3A_1319 = arith.constant 11 : i32
    %get3A_1320 = arith.index_cast %get3A_1319 : i32 to index
    %get3A_1321 = arith.constant 96 : index
    %get3A_1322 = tpu.vector_load %arg5[%get3A_1320, %get3A_1321] {strides = array<i32>} : memref<16x128xi32, #tpu.memory_space<vmem>>, vector<1x16xi32>,
    %get3A_1323 = vector.shape_cast %get3A_1322 : vector<1x16xi32> to vector<16xi32>
    %mul3A_1324 = arith.constant 2 : i32
    %mul3A_1325 = vector.broadcast %mul3A_1324 : i32 to vector<16xi32>
    %mul3A_1326 = arith.muli %get3A_1323, %mul3A_1325 : vector<16xi32>
    %swap3A_1327 = arith.constant 11 : i32
    %swap3A_1328 = arith.index_cast %swap3A_1327 : i32 to index
    %swap3A_1329 = arith.constant 96 : index
    %swap3A_1330 = tpu.vector_load %arg6[%swap3A_1328, %swap3A_1329] {strides = array<i32>} : memref<16x128xi32, #tpu.memory_space<vmem>>, vector<1x16xi32>,
    %swap3A_1331 = vector.shape_cast %swap3A_1330 : vector<1x16xi32> to vector<16xi32>
    %swap3A_1332 = vector.shape_cast %mul3A_1326 : vector<16xi32> to vector<1x16xi32>
    tpu.vector_store %arg6[%swap3A_1328, %swap3A_1329], %swap3A_1332 {strides = array<i32>} : memref<16x128xi32, #tpu.memory_space<vmem>>, vector<1x16xi32>,
    %get3A_1333 = arith.constant 11 : i32
    %get3A_1334 = arith.index_cast %get3A_1333 : i32 to index
    %get3A_1335 = arith.constant 112 : index
    %get3A_1336 = tpu.vector_load %arg5[%get3A_1334, %get3A_1335] {strides = array<i32>} : memref<16x128xi32, #tpu.memory_space<vmem>>, vector<1x16xi32>,
    %get3A_1337 = vector.shape_cast %get3A_1336 : vector<1x16xi32> to vector<16xi32>
    %mul3A_1338 = arith.constant 2 : i32
    %mul3A_1339 = vector.broadcast %mul3A_1338 : i32 to vector<16xi32>
    %mul3A_1340 = arith.muli %get3A_1337, %mul3A_1339 : vector<16xi32>
    %swap3A_1341 = arith.constant 11 : i32
    %swap3A_1342 = arith.index_cast %swap3A_1341 : i32 to index
    %swap3A_1343 = arith.constant 112 : index
    %swap3A_1344 = tpu.vector_load %arg6[%swap3A_1342, %swap3A_1343] {strides = array<i32>} : memref<16x128xi32, #tpu.memory_space<vmem>>, vector<1x16xi32>,
    %swap3A_1345 = vector.shape_cast %swap3A_1344 : vector<1x16xi32> to vector<16xi32>
    %swap3A_1346 = vector.shape_cast %mul3A_1340 : vector<16xi32> to vector<1x16xi32>
    tpu.vector_store %arg6[%swap3A_1342, %swap3A_1343], %swap3A_1346 {strides = array<i32>} : memref<16x128xi32, #tpu.memory_space<vmem>>, vector<1x16xi32>,
    %get3A_1347 = arith.constant 12 : i32
    %get3A_1348 = arith.index_cast %get3A_1347 : i32 to index
    %get3A_1349 = arith.constant 0 : index
    %get3A_1350 = tpu.vector_load %arg5[%get3A_1348, %get3A_1349] {strides = array<i32>} : memref<16x128xi32, #tpu.memory_space<vmem>>, vector<1x16xi32>,
    %get3A_1351 = vector.shape_cast %get3A_1350 : vector<1x16xi32> to vector<16xi32>
    %mul3A_1352 = arith.constant 2 : i32
    %mul3A_1353 = vector.broadcast %mul3A_1352 : i32 to vector<16xi32>
    %mul3A_1354 = arith.muli %get3A_1351, %mul3A_1353 : vector<16xi32>
    %swap3A_1355 = arith.constant 12 : i32
    %swap3A_1356 = arith.index_cast %swap3A_1355 : i32 to index
    %swap3A_1357 = arith.constant 0 : index
    %swap3A_1358 = tpu.vector_load %arg6[%swap3A_1356, %swap3A_1357] {strides = array<i32>} : memref<16x128xi32, #tpu.memory_space<vmem>>, vector<1x16xi32>,
    %swap3A_1359 = vector.shape_cast %swap3A_1358 : vector<1x16xi32> to vector<16xi32>
    %swap3A_1360 = vector.shape_cast %mul3A_1354 : vector<16xi32> to vector<1x16xi32>
    tpu.vector_store %arg6[%swap3A_1356, %swap3A_1357], %swap3A_1360 {strides = array<i32>} : memref<16x128xi32, #tpu.memory_space<vmem>>, vector<1x16xi32>,
    %get3A_1361 = arith.constant 12 : i32
    %get3A_1362 = arith.index_cast %get3A_1361 : i32 to index
    %get3A_1363 = arith.constant 16 : index
    %get3A_1364 = tpu.vector_load %arg5[%get3A_1362, %get3A_1363] {strides = array<i32>} : memref<16x128xi32, #tpu.memory_space<vmem>>, vector<1x16xi32>,
    %get3A_1365 = vector.shape_cast %get3A_1364 : vector<1x16xi32> to vector<16xi32>
    %mul3A_1366 = arith.constant 2 : i32
    %mul3A_1367 = vector.broadcast %mul3A_1366 : i32 to vector<16xi32>
    %mul3A_1368 = arith.muli %get3A_1365, %mul3A_1367 : vector<16xi32>
    %swap3A_1369 = arith.constant 12 : i32
    %swap3A_1370 = arith.index_cast %swap3A_1369 : i32 to index
    %swap3A_1371 = arith.constant 16 : index
    %swap3A_1372 = tpu.vector_load %arg6[%swap3A_1370, %swap3A_1371] {strides = array<i32>} : memref<16x128xi32, #tpu.memory_space<vmem>>, vector<1x16xi32>,
    %swap3A_1373 = vector.shape_cast %swap3A_1372 : vector<1x16xi32> to vector<16xi32>
    %swap3A_1374 = vector.shape_cast %mul3A_1368 : vector<16xi32> to vector<1x16xi32>
    tpu.vector_store %arg6[%swap3A_1370, %swap3A_1371], %swap3A_1374 {strides = array<i32>} : memref<16x128xi32, #tpu.memory_space<vmem>>, vector<1x16xi32>,
    %get3A_1375 = arith.constant 12 : i32
    %get3A_1376 = arith.index_cast %get3A_1375 : i32 to index
    %get3A_1377 = arith.constant 32 : index
    %get3A_1378 = tpu.vector_load %arg5[%get3A_1376, %get3A_1377] {strides = array<i32>} : memref<16x128xi32, #tpu.memory_space<vmem>>, vector<1x16xi32>,
    %get3A_1379 = vector.shape_cast %get3A_1378 : vector<1x16xi32> to vector<16xi32>
    %mul3A_1380 = arith.constant 2 : i32
    %mul3A_1381 = vector.broadcast %mul3A_1380 : i32 to vector<16xi32>
    %mul3A_1382 = arith.muli %get3A_1379, %mul3A_1381 : vector<16xi32>
    %swap3A_1383 = arith.constant 12 : i32
    %swap3A_1384 = arith.index_cast %swap3A_1383 : i32 to index
    %swap3A_1385 = arith.constant 32 : index
    %swap3A_1386 = tpu.vector_load %arg6[%swap3A_1384, %swap3A_1385] {strides = array<i32>} : memref<16x128xi32, #tpu.memory_space<vmem>>, vector<1x16xi32>,
    %swap3A_1387 = vector.shape_cast %swap3A_1386 : vector<1x16xi32> to vector<16xi32>
    %swap3A_1388 = vector.shape_cast %mul3A_1382 : vector<16xi32> to vector<1x16xi32>
    tpu.vector_store %arg6[%swap3A_1384, %swap3A_1385], %swap3A_1388 {strides = array<i32>} : memref<16x128xi32, #tpu.memory_space<vmem>>, vector<1x16xi32>,
    %get3A_1389 = arith.constant 12 : i32
    %get3A_1390 = arith.index_cast %get3A_1389 : i32 to index
    %get3A_1391 = arith.constant 48 : index
    %get3A_1392 = tpu.vector_load %arg5[%get3A_1390, %get3A_1391] {strides = array<i32>} : memref<16x128xi32, #tpu.memory_space<vmem>>, vector<1x16xi32>,
    %get3A_1393 = vector.shape_cast %get3A_1392 : vector<1x16xi32> to vector<16xi32>
    %mul3A_1394 = arith.constant 2 : i32
    %mul3A_1395 = vector.broadcast %mul3A_1394 : i32 to vector<16xi32>
    %mul3A_1396 = arith.muli %get3A_1393, %mul3A_1395 : vector<16xi32>
    %swap3A_1397 = arith.constant 12 : i32
    %swap3A_1398 = arith.index_cast %swap3A_1397 : i32 to index
    %swap3A_1399 = arith.constant 48 : index
    %swap3A_1400 = tpu.vector_load %arg6[%swap3A_1398, %swap3A_1399] {strides = array<i32>} : memref<16x128xi32, #tpu.memory_space<vmem>>, vector<1x16xi32>,
    %swap3A_1401 = vector.shape_cast %swap3A_1400 : vector<1x16xi32> to vector<16xi32>
    %swap3A_1402 = vector.shape_cast %mul3A_1396 : vector<16xi32> to vector<1x16xi32>
    tpu.vector_store %arg6[%swap3A_1398, %swap3A_1399], %swap3A_1402 {strides = array<i32>} : memref<16x128xi32, #tpu.memory_space<vmem>>, vector<1x16xi32>,
    %get3A_1403 = arith.constant 12 : i32
    %get3A_1404 = arith.index_cast %get3A_1403 : i32 to index
    %get3A_1405 = arith.constant 64 : index
    %get3A_1406 = tpu.vector_load %arg5[%get3A_1404, %get3A_1405] {strides = array<i32>} : memref<16x128xi32, #tpu.memory_space<vmem>>, vector<1x16xi32>,
    %get3A_1407 = vector.shape_cast %get3A_1406 : vector<1x16xi32> to vector<16xi32>
    %mul3A_1408 = arith.constant 2 : i32
    %mul3A_1409 = vector.broadcast %mul3A_1408 : i32 to vector<16xi32>
    %mul3A_1410 = arith.muli %get3A_1407, %mul3A_1409 : vector<16xi32>
    %swap3A_1411 = arith.constant 12 : i32
    %swap3A_1412 = arith.index_cast %swap3A_1411 : i32 to index
    %swap3A_1413 = arith.constant 64 : index
    %swap3A_1414 = tpu.vector_load %arg6[%swap3A_1412, %swap3A_1413] {strides = array<i32>} : memref<16x128xi32, #tpu.memory_space<vmem>>, vector<1x16xi32>,
    %swap3A_1415 = vector.shape_cast %swap3A_1414 : vector<1x16xi32> to vector<16xi32>
    %swap3A_1416 = vector.shape_cast %mul3A_1410 : vector<16xi32> to vector<1x16xi32>
    tpu.vector_store %arg6[%swap3A_1412, %swap3A_1413], %swap3A_1416 {strides = array<i32>} : memref<16x128xi32, #tpu.memory_space<vmem>>, vector<1x16xi32>,
    %get3A_1417 = arith.constant 12 : i32
    %get3A_1418 = arith.index_cast %get3A_1417 : i32 to index
    %get3A_1419 = arith.constant 80 : index
    %get3A_1420 = tpu.vector_load %arg5[%get3A_1418, %get3A_1419] {strides = array<i32>} : memref<16x128xi32, #tpu.memory_space<vmem>>, vector<1x16xi32>,
    %get3A_1421 = vector.shape_cast %get3A_1420 : vector<1x16xi32> to vector<16xi32>
    %mul3A_1422 = arith.constant 2 : i32
    %mul3A_1423 = vector.broadcast %mul3A_1422 : i32 to vector<16xi32>
    %mul3A_1424 = arith.muli %get3A_1421, %mul3A_1423 : vector<16xi32>
    %swap3A_1425 = arith.constant 12 : i32
    %swap3A_1426 = arith.index_cast %swap3A_1425 : i32 to index
    %swap3A_1427 = arith.constant 80 : index
    %swap3A_1428 = tpu.vector_load %arg6[%swap3A_1426, %swap3A_1427] {strides = array<i32>} : memref<16x128xi32, #tpu.memory_space<vmem>>, vector<1x16xi32>,
    %swap3A_1429 = vector.shape_cast %swap3A_1428 : vector<1x16xi32> to vector<16xi32>
    %swap3A_1430 = vector.shape_cast %mul3A_1424 : vector<16xi32> to vector<1x16xi32>
    tpu.vector_store %arg6[%swap3A_1426, %swap3A_1427], %swap3A_1430 {strides = array<i32>} : memref<16x128xi32, #tpu.memory_space<vmem>>, vector<1x16xi32>,
    %get3A_1431 = arith.constant 12 : i32
    %get3A_1432 = arith.index_cast %get3A_1431 : i32 to index
    %get3A_1433 = arith.constant 96 : index
    %get3A_1434 = tpu.vector_load %arg5[%get3A_1432, %get3A_1433] {strides = array<i32>} : memref<16x128xi32, #tpu.memory_space<vmem>>, vector<1x16xi32>,
    %get3A_1435 = vector.shape_cast %get3A_1434 : vector<1x16xi32> to vector<16xi32>
    %mul3A_1436 = arith.constant 2 : i32
    %mul3A_1437 = vector.broadcast %mul3A_1436 : i32 to vector<16xi32>
    %mul3A_1438 = arith.muli %get3A_1435, %mul3A_1437 : vector<16xi32>
    %swap3A_1439 = arith.constant 12 : i32
    %swap3A_1440 = arith.index_cast %swap3A_1439 : i32 to index
    %swap3A_1441 = arith.constant 96 : index
    %swap3A_1442 = tpu.vector_load %arg6[%swap3A_1440, %swap3A_1441] {strides = array<i32>} : memref<16x128xi32, #tpu.memory_space<vmem>>, vector<1x16xi32>,
    %swap3A_1443 = vector.shape_cast %swap3A_1442 : vector<1x16xi32> to vector<16xi32>
    %swap3A_1444 = vector.shape_cast %mul3A_1438 : vector<16xi32> to vector<1x16xi32>
    tpu.vector_store %arg6[%swap3A_1440, %swap3A_1441], %swap3A_1444 {strides = array<i32>} : memref<16x128xi32, #tpu.memory_space<vmem>>, vector<1x16xi32>,
    %get3A_1445 = arith.constant 12 : i32
    %get3A_1446 = arith.index_cast %get3A_1445 : i32 to index
    %get3A_1447 = arith.constant 112 : index
    %get3A_1448 = tpu.vector_load %arg5[%get3A_1446, %get3A_1447] {strides = array<i32>} : memref<16x128xi32, #tpu.memory_space<vmem>>, vector<1x16xi32>,
    %get3A_1449 = vector.shape_cast %get3A_1448 : vector<1x16xi32> to vector<16xi32>
    %mul3A_1450 = arith.constant 2 : i32
    %mul3A_1451 = vector.broadcast %mul3A_1450 : i32 to vector<16xi32>
    %mul3A_1452 = arith.muli %get3A_1449, %mul3A_1451 : vector<16xi32>
    %swap3A_1453 = arith.constant 12 : i32
    %swap3A_1454 = arith.index_cast %swap3A_1453 : i32 to index
    %swap3A_1455 = arith.constant 112 : index
    %swap3A_1456 = tpu.vector_load %arg6[%swap3A_1454, %swap3A_1455] {strides = array<i32>} : memref<16x128xi32, #tpu.memory_space<vmem>>, vector<1x16xi32>,
    %swap3A_1457 = vector.shape_cast %swap3A_1456 : vector<1x16xi32> to vector<16xi32>
    %swap3A_1458 = vector.shape_cast %mul3A_1452 : vector<16xi32> to vector<1x16xi32>
    tpu.vector_store %arg6[%swap3A_1454, %swap3A_1455], %swap3A_1458 {strides = array<i32>} : memref<16x128xi32, #tpu.memory_space<vmem>>, vector<1x16xi32>,
    %get3A_1459 = arith.constant 13 : i32
    %get3A_1460 = arith.index_cast %get3A_1459 : i32 to index
    %get3A_1461 = arith.constant 0 : index
    %get3A_1462 = tpu.vector_load %arg5[%get3A_1460, %get3A_1461] {strides = array<i32>} : memref<16x128xi32, #tpu.memory_space<vmem>>, vector<1x16xi32>,
    %get3A_1463 = vector.shape_cast %get3A_1462 : vector<1x16xi32> to vector<16xi32>
    %mul3A_1464 = arith.constant 2 : i32
    %mul3A_1465 = vector.broadcast %mul3A_1464 : i32 to vector<16xi32>
    %mul3A_1466 = arith.muli %get3A_1463, %mul3A_1465 : vector<16xi32>
    %swap3A_1467 = arith.constant 13 : i32
    %swap3A_1468 = arith.index_cast %swap3A_1467 : i32 to index
    %swap3A_1469 = arith.constant 0 : index
    %swap3A_1470 = tpu.vector_load %arg6[%swap3A_1468, %swap3A_1469] {strides = array<i32>} : memref<16x128xi32, #tpu.memory_space<vmem>>, vector<1x16xi32>,
    %swap3A_1471 = vector.shape_cast %swap3A_1470 : vector<1x16xi32> to vector<16xi32>
    %swap3A_1472 = vector.shape_cast %mul3A_1466 : vector<16xi32> to vector<1x16xi32>
    tpu.vector_store %arg6[%swap3A_1468, %swap3A_1469], %swap3A_1472 {strides = array<i32>} : memref<16x128xi32, #tpu.memory_space<vmem>>, vector<1x16xi32>,
    %get3A_1473 = arith.constant 13 : i32
    %get3A_1474 = arith.index_cast %get3A_1473 : i32 to index
    %get3A_1475 = arith.constant 16 : index
    %get3A_1476 = tpu.vector_load %arg5[%get3A_1474, %get3A_1475] {strides = array<i32>} : memref<16x128xi32, #tpu.memory_space<vmem>>, vector<1x16xi32>,
    %get3A_1477 = vector.shape_cast %get3A_1476 : vector<1x16xi32> to vector<16xi32>
    %mul3A_1478 = arith.constant 2 : i32
    %mul3A_1479 = vector.broadcast %mul3A_1478 : i32 to vector<16xi32>
    %mul3A_1480 = arith.muli %get3A_1477, %mul3A_1479 : vector<16xi32>
    %swap3A_1481 = arith.constant 13 : i32
    %swap3A_1482 = arith.index_cast %swap3A_1481 : i32 to index
    %swap3A_1483 = arith.constant 16 : index
    %swap3A_1484 = tpu.vector_load %arg6[%swap3A_1482, %swap3A_1483] {strides = array<i32>} : memref<16x128xi32, #tpu.memory_space<vmem>>, vector<1x16xi32>,
    %swap3A_1485 = vector.shape_cast %swap3A_1484 : vector<1x16xi32> to vector<16xi32>
    %swap3A_1486 = vector.shape_cast %mul3A_1480 : vector<16xi32> to vector<1x16xi32>
    tpu.vector_store %arg6[%swap3A_1482, %swap3A_1483], %swap3A_1486 {strides = array<i32>} : memref<16x128xi32, #tpu.memory_space<vmem>>, vector<1x16xi32>,
    %get3A_1487 = arith.constant 13 : i32
    %get3A_1488 = arith.index_cast %get3A_1487 : i32 to index
    %get3A_1489 = arith.constant 32 : index
    %get3A_1490 = tpu.vector_load %arg5[%get3A_1488, %get3A_1489] {strides = array<i32>} : memref<16x128xi32, #tpu.memory_space<vmem>>, vector<1x16xi32>,
    %get3A_1491 = vector.shape_cast %get3A_1490 : vector<1x16xi32> to vector<16xi32>
    %mul3A_1492 = arith.constant 2 : i32
    %mul3A_1493 = vector.broadcast %mul3A_1492 : i32 to vector<16xi32>
    %mul3A_1494 = arith.muli %get3A_1491, %mul3A_1493 : vector<16xi32>
    %swap3A_1495 = arith.constant 13 : i32
    %swap3A_1496 = arith.index_cast %swap3A_1495 : i32 to index
    %swap3A_1497 = arith.constant 32 : index
    %swap3A_1498 = tpu.vector_load %arg6[%swap3A_1496, %swap3A_1497] {strides = array<i32>} : memref<16x128xi32, #tpu.memory_space<vmem>>, vector<1x16xi32>,
    %swap3A_1499 = vector.shape_cast %swap3A_1498 : vector<1x16xi32> to vector<16xi32>
    %swap3A_1500 = vector.shape_cast %mul3A_1494 : vector<16xi32> to vector<1x16xi32>
    tpu.vector_store %arg6[%swap3A_1496, %swap3A_1497], %swap3A_1500 {strides = array<i32>} : memref<16x128xi32, #tpu.memory_space<vmem>>, vector<1x16xi32>,
    %get3A_1501 = arith.constant 13 : i32
    %get3A_1502 = arith.index_cast %get3A_1501 : i32 to index
    %get3A_1503 = arith.constant 48 : index
    %get3A_1504 = tpu.vector_load %arg5[%get3A_1502, %get3A_1503] {strides = array<i32>} : memref<16x128xi32, #tpu.memory_space<vmem>>, vector<1x16xi32>,
    %get3A_1505 = vector.shape_cast %get3A_1504 : vector<1x16xi32> to vector<16xi32>
    %mul3A_1506 = arith.constant 2 : i32
    %mul3A_1507 = vector.broadcast %mul3A_1506 : i32 to vector<16xi32>
    %mul3A_1508 = arith.muli %get3A_1505, %mul3A_1507 : vector<16xi32>
    %swap3A_1509 = arith.constant 13 : i32
    %swap3A_1510 = arith.index_cast %swap3A_1509 : i32 to index
    %swap3A_1511 = arith.constant 48 : index
    %swap3A_1512 = tpu.vector_load %arg6[%swap3A_1510, %swap3A_1511] {strides = array<i32>} : memref<16x128xi32, #tpu.memory_space<vmem>>, vector<1x16xi32>,
    %swap3A_1513 = vector.shape_cast %swap3A_1512 : vector<1x16xi32> to vector<16xi32>
    %swap3A_1514 = vector.shape_cast %mul3A_1508 : vector<16xi32> to vector<1x16xi32>
    tpu.vector_store %arg6[%swap3A_1510, %swap3A_1511], %swap3A_1514 {strides = array<i32>} : memref<16x128xi32, #tpu.memory_space<vmem>>, vector<1x16xi32>,
    %get3A_1515 = arith.constant 13 : i32
    %get3A_1516 = arith.index_cast %get3A_1515 : i32 to index
    %get3A_1517 = arith.constant 64 : index
    %get3A_1518 = tpu.vector_load %arg5[%get3A_1516, %get3A_1517] {strides = array<i32>} : memref<16x128xi32, #tpu.memory_space<vmem>>, vector<1x16xi32>,
    %get3A_1519 = vector.shape_cast %get3A_1518 : vector<1x16xi32> to vector<16xi32>
    %mul3A_1520 = arith.constant 2 : i32
    %mul3A_1521 = vector.broadcast %mul3A_1520 : i32 to vector<16xi32>
    %mul3A_1522 = arith.muli %get3A_1519, %mul3A_1521 : vector<16xi32>
    %swap3A_1523 = arith.constant 13 : i32
    %swap3A_1524 = arith.index_cast %swap3A_1523 : i32 to index
    %swap3A_1525 = arith.constant 64 : index
    %swap3A_1526 = tpu.vector_load %arg6[%swap3A_1524, %swap3A_1525] {strides = array<i32>} : memref<16x128xi32, #tpu.memory_space<vmem>>, vector<1x16xi32>,
    %swap3A_1527 = vector.shape_cast %swap3A_1526 : vector<1x16xi32> to vector<16xi32>
    %swap3A_1528 = vector.shape_cast %mul3A_1522 : vector<16xi32> to vector<1x16xi32>
    tpu.vector_store %arg6[%swap3A_1524, %swap3A_1525], %swap3A_1528 {strides = array<i32>} : memref<16x128xi32, #tpu.memory_space<vmem>>, vector<1x16xi32>,
    %get3A_1529 = arith.constant 13 : i32
    %get3A_1530 = arith.index_cast %get3A_1529 : i32 to index
    %get3A_1531 = arith.constant 80 : index
    %get3A_1532 = tpu.vector_load %arg5[%get3A_1530, %get3A_1531] {strides = array<i32>} : memref<16x128xi32, #tpu.memory_space<vmem>>, vector<1x16xi32>,
    %get3A_1533 = vector.shape_cast %get3A_1532 : vector<1x16xi32> to vector<16xi32>
    %mul3A_1534 = arith.constant 2 : i32
    %mul3A_1535 = vector.broadcast %mul3A_1534 : i32 to vector<16xi32>
    %mul3A_1536 = arith.muli %get3A_1533, %mul3A_1535 : vector<16xi32>
    %swap3A_1537 = arith.constant 13 : i32
    %swap3A_1538 = arith.index_cast %swap3A_1537 : i32 to index
    %swap3A_1539 = arith.constant 80 : index
    %swap3A_1540 = tpu.vector_load %arg6[%swap3A_1538, %swap3A_1539] {strides = array<i32>} : memref<16x128xi32, #tpu.memory_space<vmem>>, vector<1x16xi32>,
    %swap3A_1541 = vector.shape_cast %swap3A_1540 : vector<1x16xi32> to vector<16xi32>
    %swap3A_1542 = vector.shape_cast %mul3A_1536 : vector<16xi32> to vector<1x16xi32>
    tpu.vector_store %arg6[%swap3A_1538, %swap3A_1539], %swap3A_1542 {strides = array<i32>} : memref<16x128xi32, #tpu.memory_space<vmem>>, vector<1x16xi32>,
    %get3A_1543 = arith.constant 13 : i32
    %get3A_1544 = arith.index_cast %get3A_1543 : i32 to index
    %get3A_1545 = arith.constant 96 : index
    %get3A_1546 = tpu.vector_load %arg5[%get3A_1544, %get3A_1545] {strides = array<i32>} : memref<16x128xi32, #tpu.memory_space<vmem>>, vector<1x16xi32>,
    %get3A_1547 = vector.shape_cast %get3A_1546 : vector<1x16xi32> to vector<16xi32>
    %mul3A_1548 = arith.constant 2 : i32
    %mul3A_1549 = vector.broadcast %mul3A_1548 : i32 to vector<16xi32>
    %mul3A_1550 = arith.muli %get3A_1547, %mul3A_1549 : vector<16xi32>
    %swap3A_1551 = arith.constant 13 : i32
    %swap3A_1552 = arith.index_cast %swap3A_1551 : i32 to index
    %swap3A_1553 = arith.constant 96 : index
    %swap3A_1554 = tpu.vector_load %arg6[%swap3A_1552, %swap3A_1553] {strides = array<i32>} : memref<16x128xi32, #tpu.memory_space<vmem>>, vector<1x16xi32>,
    %swap3A_1555 = vector.shape_cast %swap3A_1554 : vector<1x16xi32> to vector<16xi32>
    %swap3A_1556 = vector.shape_cast %mul3A_1550 : vector<16xi32> to vector<1x16xi32>
    tpu.vector_store %arg6[%swap3A_1552, %swap3A_1553], %swap3A_1556 {strides = array<i32>} : memref<16x128xi32, #tpu.memory_space<vmem>>, vector<1x16xi32>,
    %get3A_1557 = arith.constant 13 : i32
    %get3A_1558 = arith.index_cast %get3A_1557 : i32 to index
    %get3A_1559 = arith.constant 112 : index
    %get3A_1560 = tpu.vector_load %arg5[%get3A_1558, %get3A_1559] {strides = array<i32>} : memref<16x128xi32, #tpu.memory_space<vmem>>, vector<1x16xi32>,
    %get3A_1561 = vector.shape_cast %get3A_1560 : vector<1x16xi32> to vector<16xi32>
    %mul3A_1562 = arith.constant 2 : i32
    %mul3A_1563 = vector.broadcast %mul3A_1562 : i32 to vector<16xi32>
    %mul3A_1564 = arith.muli %get3A_1561, %mul3A_1563 : vector<16xi32>
    %swap3A_1565 = arith.constant 13 : i32
    %swap3A_1566 = arith.index_cast %swap3A_1565 : i32 to index
    %swap3A_1567 = arith.constant 112 : index
    %swap3A_1568 = tpu.vector_load %arg6[%swap3A_1566, %swap3A_1567] {strides = array<i32>} : memref<16x128xi32, #tpu.memory_space<vmem>>, vector<1x16xi32>,
    %swap3A_1569 = vector.shape_cast %swap3A_1568 : vector<1x16xi32> to vector<16xi32>
    %swap3A_1570 = vector.shape_cast %mul3A_1564 : vector<16xi32> to vector<1x16xi32>
    tpu.vector_store %arg6[%swap3A_1566, %swap3A_1567], %swap3A_1570 {strides = array<i32>} : memref<16x128xi32, #tpu.memory_space<vmem>>, vector<1x16xi32>,
    %get3A_1571 = arith.constant 14 : i32
    %get3A_1572 = arith.index_cast %get3A_1571 : i32 to index
    %get3A_1573 = arith.constant 0 : index
    %get3A_1574 = tpu.vector_load %arg5[%get3A_1572, %get3A_1573] {strides = array<i32>} : memref<16x128xi32, #tpu.memory_space<vmem>>, vector<1x16xi32>,
    %get3A_1575 = vector.shape_cast %get3A_1574 : vector<1x16xi32> to vector<16xi32>
    %mul3A_1576 = arith.constant 2 : i32
    %mul3A_1577 = vector.broadcast %mul3A_1576 : i32 to vector<16xi32>
    %mul3A_1578 = arith.muli %get3A_1575, %mul3A_1577 : vector<16xi32>
    %swap3A_1579 = arith.constant 14 : i32
    %swap3A_1580 = arith.index_cast %swap3A_1579 : i32 to index
    %swap3A_1581 = arith.constant 0 : index
    %swap3A_1582 = tpu.vector_load %arg6[%swap3A_1580, %swap3A_1581] {strides = array<i32>} : memref<16x128xi32, #tpu.memory_space<vmem>>, vector<1x16xi32>,
    %swap3A_1583 = vector.shape_cast %swap3A_1582 : vector<1x16xi32> to vector<16xi32>
    %swap3A_1584 = vector.shape_cast %mul3A_1578 : vector<16xi32> to vector<1x16xi32>
    tpu.vector_store %arg6[%swap3A_1580, %swap3A_1581], %swap3A_1584 {strides = array<i32>} : memref<16x128xi32, #tpu.memory_space<vmem>>, vector<1x16xi32>,
    %get3A_1585 = arith.constant 14 : i32
    %get3A_1586 = arith.index_cast %get3A_1585 : i32 to index
    %get3A_1587 = arith.constant 16 : index
    %get3A_1588 = tpu.vector_load %arg5[%get3A_1586, %get3A_1587] {strides = array<i32>} : memref<16x128xi32, #tpu.memory_space<vmem>>, vector<1x16xi32>,
    %get3A_1589 = vector.shape_cast %get3A_1588 : vector<1x16xi32> to vector<16xi32>
    %mul3A_1590 = arith.constant 2 : i32
    %mul3A_1591 = vector.broadcast %mul3A_1590 : i32 to vector<16xi32>
    %mul3A_1592 = arith.muli %get3A_1589, %mul3A_1591 : vector<16xi32>
    %swap3A_1593 = arith.constant 14 : i32
    %swap3A_1594 = arith.index_cast %swap3A_1593 : i32 to index
    %swap3A_1595 = arith.constant 16 : index
    %swap3A_1596 = tpu.vector_load %arg6[%swap3A_1594, %swap3A_1595] {strides = array<i32>} : memref<16x128xi32, #tpu.memory_space<vmem>>, vector<1x16xi32>,
    %swap3A_1597 = vector.shape_cast %swap3A_1596 : vector<1x16xi32> to vector<16xi32>
    %swap3A_1598 = vector.shape_cast %mul3A_1592 : vector<16xi32> to vector<1x16xi32>
    tpu.vector_store %arg6[%swap3A_1594, %swap3A_1595], %swap3A_1598 {strides = array<i32>} : memref<16x128xi32, #tpu.memory_space<vmem>>, vector<1x16xi32>,
    %get3A_1599 = arith.constant 14 : i32
    %get3A_1600 = arith.index_cast %get3A_1599 : i32 to index
    %get3A_1601 = arith.constant 32 : index
    %get3A_1602 = tpu.vector_load %arg5[%get3A_1600, %get3A_1601] {strides = array<i32>} : memref<16x128xi32, #tpu.memory_space<vmem>>, vector<1x16xi32>,
    %get3A_1603 = vector.shape_cast %get3A_1602 : vector<1x16xi32> to vector<16xi32>
    %mul3A_1604 = arith.constant 2 : i32
    %mul3A_1605 = vector.broadcast %mul3A_1604 : i32 to vector<16xi32>
    %mul3A_1606 = arith.muli %get3A_1603, %mul3A_1605 : vector<16xi32>
    %swap3A_1607 = arith.constant 14 : i32
    %swap3A_1608 = arith.index_cast %swap3A_1607 : i32 to index
    %swap3A_1609 = arith.constant 32 : index
    %swap3A_1610 = tpu.vector_load %arg6[%swap3A_1608, %swap3A_1609] {strides = array<i32>} : memref<16x128xi32, #tpu.memory_space<vmem>>, vector<1x16xi32>,
    %swap3A_1611 = vector.shape_cast %swap3A_1610 : vector<1x16xi32> to vector<16xi32>
    %swap3A_1612 = vector.shape_cast %mul3A_1606 : vector<16xi32> to vector<1x16xi32>
    tpu.vector_store %arg6[%swap3A_1608, %swap3A_1609], %swap3A_1612 {strides = array<i32>} : memref<16x128xi32, #tpu.memory_space<vmem>>, vector<1x16xi32>,
    %get3A_1613 = arith.constant 14 : i32
    %get3A_1614 = arith.index_cast %get3A_1613 : i32 to index
    %get3A_1615 = arith.constant 48 : index
    %get3A_1616 = tpu.vector_load %arg5[%get3A_1614, %get3A_1615] {strides = array<i32>} : memref<16x128xi32, #tpu.memory_space<vmem>>, vector<1x16xi32>,
    %get3A_1617 = vector.shape_cast %get3A_1616 : vector<1x16xi32> to vector<16xi32>
    %mul3A_1618 = arith.constant 2 : i32
    %mul3A_1619 = vector.broadcast %mul3A_1618 : i32 to vector<16xi32>
    %mul3A_1620 = arith.muli %get3A_1617, %mul3A_1619 : vector<16xi32>
    %swap3A_1621 = arith.constant 14 : i32
    %swap3A_1622 = arith.index_cast %swap3A_1621 : i32 to index
    %swap3A_1623 = arith.constant 48 : index
    %swap3A_1624 = tpu.vector_load %arg6[%swap3A_1622, %swap3A_1623] {strides = array<i32>} : memref<16x128xi32, #tpu.memory_space<vmem>>, vector<1x16xi32>,
    %swap3A_1625 = vector.shape_cast %swap3A_1624 : vector<1x16xi32> to vector<16xi32>
    %swap3A_1626 = vector.shape_cast %mul3A_1620 : vector<16xi32> to vector<1x16xi32>
    tpu.vector_store %arg6[%swap3A_1622, %swap3A_1623], %swap3A_1626 {strides = array<i32>} : memref<16x128xi32, #tpu.memory_space<vmem>>, vector<1x16xi32>,
    %get3A_1627 = arith.constant 14 : i32
    %get3A_1628 = arith.index_cast %get3A_1627 : i32 to index
    %get3A_1629 = arith.constant 64 : index
    %get3A_1630 = tpu.vector_load %arg5[%get3A_1628, %get3A_1629] {strides = array<i32>} : memref<16x128xi32, #tpu.memory_space<vmem>>, vector<1x16xi32>,
    %get3A_1631 = vector.shape_cast %get3A_1630 : vector<1x16xi32> to vector<16xi32>
    %mul3A_1632 = arith.constant 2 : i32
    %mul3A_1633 = vector.broadcast %mul3A_1632 : i32 to vector<16xi32>
    %mul3A_1634 = arith.muli %get3A_1631, %mul3A_1633 : vector<16xi32>
    %swap3A_1635 = arith.constant 14 : i32
    %swap3A_1636 = arith.index_cast %swap3A_1635 : i32 to index
    %swap3A_1637 = arith.constant 64 : index
    %swap3A_1638 = tpu.vector_load %arg6[%swap3A_1636, %swap3A_1637] {strides = array<i32>} : memref<16x128xi32, #tpu.memory_space<vmem>>, vector<1x16xi32>,
    %swap3A_1639 = vector.shape_cast %swap3A_1638 : vector<1x16xi32> to vector<16xi32>
    %swap3A_1640 = vector.shape_cast %mul3A_1634 : vector<16xi32> to vector<1x16xi32>
    tpu.vector_store %arg6[%swap3A_1636, %swap3A_1637], %swap3A_1640 {strides = array<i32>} : memref<16x128xi32, #tpu.memory_space<vmem>>, vector<1x16xi32>,
    %get3A_1641 = arith.constant 14 : i32
    %get3A_1642 = arith.index_cast %get3A_1641 : i32 to index
    %get3A_1643 = arith.constant 80 : index
    %get3A_1644 = tpu.vector_load %arg5[%get3A_1642, %get3A_1643] {strides = array<i32>} : memref<16x128xi32, #tpu.memory_space<vmem>>, vector<1x16xi32>,
    %get3A_1645 = vector.shape_cast %get3A_1644 : vector<1x16xi32> to vector<16xi32>
    %mul3A_1646 = arith.constant 2 : i32
    %mul3A_1647 = vector.broadcast %mul3A_1646 : i32 to vector<16xi32>
    %mul3A_1648 = arith.muli %get3A_1645, %mul3A_1647 : vector<16xi32>
    %swap3A_1649 = arith.constant 14 : i32
    %swap3A_1650 = arith.index_cast %swap3A_1649 : i32 to index
    %swap3A_1651 = arith.constant 80 : index
    %swap3A_1652 = tpu.vector_load %arg6[%swap3A_1650, %swap3A_1651] {strides = array<i32>} : memref<16x128xi32, #tpu.memory_space<vmem>>, vector<1x16xi32>,
    %swap3A_1653 = vector.shape_cast %swap3A_1652 : vector<1x16xi32> to vector<16xi32>
    %swap3A_1654 = vector.shape_cast %mul3A_1648 : vector<16xi32> to vector<1x16xi32>
    tpu.vector_store %arg6[%swap3A_1650, %swap3A_1651], %swap3A_1654 {strides = array<i32>} : memref<16x128xi32, #tpu.memory_space<vmem>>, vector<1x16xi32>,
    %get3A_1655 = arith.constant 14 : i32
    %get3A_1656 = arith.index_cast %get3A_1655 : i32 to index
    %get3A_1657 = arith.constant 96 : index
    %get3A_1658 = tpu.vector_load %arg5[%get3A_1656, %get3A_1657] {strides = array<i32>} : memref<16x128xi32, #tpu.memory_space<vmem>>, vector<1x16xi32>,
    %get3A_1659 = vector.shape_cast %get3A_1658 : vector<1x16xi32> to vector<16xi32>
    %mul3A_1660 = arith.constant 2 : i32
    %mul3A_1661 = vector.broadcast %mul3A_1660 : i32 to vector<16xi32>
    %mul3A_1662 = arith.muli %get3A_1659, %mul3A_1661 : vector<16xi32>
    %swap3A_1663 = arith.constant 14 : i32
    %swap3A_1664 = arith.index_cast %swap3A_1663 : i32 to index
    %swap3A_1665 = arith.constant 96 : index
    %swap3A_1666 = tpu.vector_load %arg6[%swap3A_1664, %swap3A_1665] {strides = array<i32>} : memref<16x128xi32, #tpu.memory_space<vmem>>, vector<1x16xi32>,
    %swap3A_1667 = vector.shape_cast %swap3A_1666 : vector<1x16xi32> to vector<16xi32>
    %swap3A_1668 = vector.shape_cast %mul3A_1662 : vector<16xi32> to vector<1x16xi32>
    tpu.vector_store %arg6[%swap3A_1664, %swap3A_1665], %swap3A_1668 {strides = array<i32>} : memref<16x128xi32, #tpu.memory_space<vmem>>, vector<1x16xi32>,
    %get3A_1669 = arith.constant 14 : i32
    %get3A_1670 = arith.index_cast %get3A_1669 : i32 to index
    %get3A_1671 = arith.constant 112 : index
    %get3A_1672 = tpu.vector_load %arg5[%get3A_1670, %get3A_1671] {strides = array<i32>} : memref<16x128xi32, #tpu.memory_space<vmem>>, vector<1x16xi32>,
    %get3A_1673 = vector.shape_cast %get3A_1672 : vector<1x16xi32> to vector<16xi32>
    %mul3A_1674 = arith.constant 2 : i32
    %mul3A_1675 = vector.broadcast %mul3A_1674 : i32 to vector<16xi32>
    %mul3A_1676 = arith.muli %get3A_1673, %mul3A_1675 : vector<16xi32>
    %swap3A_1677 = arith.constant 14 : i32
    %swap3A_1678 = arith.index_cast %swap3A_1677 : i32 to index
    %swap3A_1679 = arith.constant 112 : index
    %swap3A_1680 = tpu.vector_load %arg6[%swap3A_1678, %swap3A_1679] {strides = array<i32>} : memref<16x128xi32, #tpu.memory_space<vmem>>, vector<1x16xi32>,
    %swap3A_1681 = vector.shape_cast %swap3A_1680 : vector<1x16xi32> to vector<16xi32>
    %swap3A_1682 = vector.shape_cast %mul3A_1676 : vector<16xi32> to vector<1x16xi32>
    tpu.vector_store %arg6[%swap3A_1678, %swap3A_1679], %swap3A_1682 {strides = array<i32>} : memref<16x128xi32, #tpu.memory_space<vmem>>, vector<1x16xi32>,
    %get3A_1683 = arith.constant 15 : i32
    %get3A_1684 = arith.index_cast %get3A_1683 : i32 to index
    %get3A_1685 = arith.constant 0 : index
    %get3A_1686 = tpu.vector_load %arg5[%get3A_1684, %get3A_1685] {strides = array<i32>} : memref<16x128xi32, #tpu.memory_space<vmem>>, vector<1x16xi32>,
    %get3A_1687 = vector.shape_cast %get3A_1686 : vector<1x16xi32> to vector<16xi32>
    %mul3A_1688 = arith.constant 2 : i32
    %mul3A_1689 = vector.broadcast %mul3A_1688 : i32 to vector<16xi32>
    %mul3A_1690 = arith.muli %get3A_1687, %mul3A_1689 : vector<16xi32>
    %swap3A_1691 = arith.constant 15 : i32
    %swap3A_1692 = arith.index_cast %swap3A_1691 : i32 to index
    %swap3A_1693 = arith.constant 0 : index
    %swap3A_1694 = tpu.vector_load %arg6[%swap3A_1692, %swap3A_1693] {strides = array<i32>} : memref<16x128xi32, #tpu.memory_space<vmem>>, vector<1x16xi32>,
    %swap3A_1695 = vector.shape_cast %swap3A_1694 : vector<1x16xi32> to vector<16xi32>
    %swap3A_1696 = vector.shape_cast %mul3A_1690 : vector<16xi32> to vector<1x16xi32>
    tpu.vector_store %arg6[%swap3A_1692, %swap3A_1693], %swap3A_1696 {strides = array<i32>} : memref<16x128xi32, #tpu.memory_space<vmem>>, vector<1x16xi32>,
    %get3A_1697 = arith.constant 15 : i32
    %get3A_1698 = arith.index_cast %get3A_1697 : i32 to index
    %get3A_1699 = arith.constant 16 : index
    %get3A_1700 = tpu.vector_load %arg5[%get3A_1698, %get3A_1699] {strides = array<i32>} : memref<16x128xi32, #tpu.memory_space<vmem>>, vector<1x16xi32>,
    %get3A_1701 = vector.shape_cast %get3A_1700 : vector<1x16xi32> to vector<16xi32>
    %mul3A_1702 = arith.constant 2 : i32
    %mul3A_1703 = vector.broadcast %mul3A_1702 : i32 to vector<16xi32>
    %mul3A_1704 = arith.muli %get3A_1701, %mul3A_1703 : vector<16xi32>
    %swap3A_1705 = arith.constant 15 : i32
    %swap3A_1706 = arith.index_cast %swap3A_1705 : i32 to index
    %swap3A_1707 = arith.constant 16 : index
    %swap3A_1708 = tpu.vector_load %arg6[%swap3A_1706, %swap3A_1707] {strides = array<i32>} : memref<16x128xi32, #tpu.memory_space<vmem>>, vector<1x16xi32>,
    %swap3A_1709 = vector.shape_cast %swap3A_1708 : vector<1x16xi32> to vector<16xi32>
    %swap3A_1710 = vector.shape_cast %mul3A_1704 : vector<16xi32> to vector<1x16xi32>
    tpu.vector_store %arg6[%swap3A_1706, %swap3A_1707], %swap3A_1710 {strides = array<i32>} : memref<16x128xi32, #tpu.memory_space<vmem>>, vector<1x16xi32>,
    %get3A_1711 = arith.constant 15 : i32
    %get3A_1712 = arith.index_cast %get3A_1711 : i32 to index
    %get3A_1713 = arith.constant 32 : index
    %get3A_1714 = tpu.vector_load %arg5[%get3A_1712, %get3A_1713] {strides = array<i32>} : memref<16x128xi32, #tpu.memory_space<vmem>>, vector<1x16xi32>,
    %get3A_1715 = vector.shape_cast %get3A_1714 : vector<1x16xi32> to vector<16xi32>
    %mul3A_1716 = arith.constant 2 : i32
    %mul3A_1717 = vector.broadcast %mul3A_1716 : i32 to vector<16xi32>
    %mul3A_1718 = arith.muli %get3A_1715, %mul3A_1717 : vector<16xi32>
    %swap3A_1719 = arith.constant 15 : i32
    %swap3A_1720 = arith.index_cast %swap3A_1719 : i32 to index
    %swap3A_1721 = arith.constant 32 : index
    %swap3A_1722 = tpu.vector_load %arg6[%swap3A_1720, %swap3A_1721] {strides = array<i32>} : memref<16x128xi32, #tpu.memory_space<vmem>>, vector<1x16xi32>,
    %swap3A_1723 = vector.shape_cast %swap3A_1722 : vector<1x16xi32> to vector<16xi32>
    %swap3A_1724 = vector.shape_cast %mul3A_1718 : vector<16xi32> to vector<1x16xi32>
    tpu.vector_store %arg6[%swap3A_1720, %swap3A_1721], %swap3A_1724 {strides = array<i32>} : memref<16x128xi32, #tpu.memory_space<vmem>>, vector<1x16xi32>,
    %get3A_1725 = arith.constant 15 : i32
    %get3A_1726 = arith.index_cast %get3A_1725 : i32 to index
    %get3A_1727 = arith.constant 48 : index
    %get3A_1728 = tpu.vector_load %arg5[%get3A_1726, %get3A_1727] {strides = array<i32>} : memref<16x128xi32, #tpu.memory_space<vmem>>, vector<1x16xi32>,
    %get3A_1729 = vector.shape_cast %get3A_1728 : vector<1x16xi32> to vector<16xi32>
    %mul3A_1730 = arith.constant 2 : i32
    %mul3A_1731 = vector.broadcast %mul3A_1730 : i32 to vector<16xi32>
    %mul3A_1732 = arith.muli %get3A_1729, %mul3A_1731 : vector<16xi32>
    %swap3A_1733 = arith.constant 15 : i32
    %swap3A_1734 = arith.index_cast %swap3A_1733 : i32 to index
    %swap3A_1735 = arith.constant 48 : index
    %swap3A_1736 = tpu.vector_load %arg6[%swap3A_1734, %swap3A_1735] {strides = array<i32>} : memref<16x128xi32, #tpu.memory_space<vmem>>, vector<1x16xi32>,
    %swap3A_1737 = vector.shape_cast %swap3A_1736 : vector<1x16xi32> to vector<16xi32>
    %swap3A_1738 = vector.shape_cast %mul3A_1732 : vector<16xi32> to vector<1x16xi32>
    tpu.vector_store %arg6[%swap3A_1734, %swap3A_1735], %swap3A_1738 {strides = array<i32>} : memref<16x128xi32, #tpu.memory_space<vmem>>, vector<1x16xi32>,
    %get3A_1739 = arith.constant 15 : i32
    %get3A_1740 = arith.index_cast %get3A_1739 : i32 to index
    %get3A_1741 = arith.constant 64 : index
    %get3A_1742 = tpu.vector_load %arg5[%get3A_1740, %get3A_1741] {strides = array<i32>} : memref<16x128xi32, #tpu.memory_space<vmem>>, vector<1x16xi32>,
    %get3A_1743 = vector.shape_cast %get3A_1742 : vector<1x16xi32> to vector<16xi32>
    %mul3A_1744 = arith.constant 2 : i32
    %mul3A_1745 = vector.broadcast %mul3A_1744 : i32 to vector<16xi32>
    %mul3A_1746 = arith.muli %get3A_1743, %mul3A_1745 : vector<16xi32>
    %swap3A_1747 = arith.constant 15 : i32
    %swap3A_1748 = arith.index_cast %swap3A_1747 : i32 to index
    %swap3A_1749 = arith.constant 64 : index
    %swap3A_1750 = tpu.vector_load %arg6[%swap3A_1748, %swap3A_1749] {strides = array<i32>} : memref<16x128xi32, #tpu.memory_space<vmem>>, vector<1x16xi32>,
    %swap3A_1751 = vector.shape_cast %swap3A_1750 : vector<1x16xi32> to vector<16xi32>
    %swap3A_1752 = vector.shape_cast %mul3A_1746 : vector<16xi32> to vector<1x16xi32>
    tpu.vector_store %arg6[%swap3A_1748, %swap3A_1749], %swap3A_1752 {strides = array<i32>} : memref<16x128xi32, #tpu.memory_space<vmem>>, vector<1x16xi32>,
    %get3A_1753 = arith.constant 15 : i32
    %get3A_1754 = arith.index_cast %get3A_1753 : i32 to index
    %get3A_1755 = arith.constant 80 : index
    %get3A_1756 = tpu.vector_load %arg5[%get3A_1754, %get3A_1755] {strides = array<i32>} : memref<16x128xi32, #tpu.memory_space<vmem>>, vector<1x16xi32>,
    %get3A_1757 = vector.shape_cast %get3A_1756 : vector<1x16xi32> to vector<16xi32>
    %mul3A_1758 = arith.constant 2 : i32
    %mul3A_1759 = vector.broadcast %mul3A_1758 : i32 to vector<16xi32>
    %mul3A_1760 = arith.muli %get3A_1757, %mul3A_1759 : vector<16xi32>
    %swap3A_1761 = arith.constant 15 : i32
    %swap3A_1762 = arith.index_cast %swap3A_1761 : i32 to index
    %swap3A_1763 = arith.constant 80 : index
    %swap3A_1764 = tpu.vector_load %arg6[%swap3A_1762, %swap3A_1763] {strides = array<i32>} : memref<16x128xi32, #tpu.memory_space<vmem>>, vector<1x16xi32>,
    %swap3A_1765 = vector.shape_cast %swap3A_1764 : vector<1x16xi32> to vector<16xi32>
    %swap3A_1766 = vector.shape_cast %mul3A_1760 : vector<16xi32> to vector<1x16xi32>
    tpu.vector_store %arg6[%swap3A_1762, %swap3A_1763], %swap3A_1766 {strides = array<i32>} : memref<16x128xi32, #tpu.memory_space<vmem>>, vector<1x16xi32>,
    %get3A_1767 = arith.constant 15 : i32
    %get3A_1768 = arith.index_cast %get3A_1767 : i32 to index
    %get3A_1769 = arith.constant 96 : index
    %get3A_1770 = tpu.vector_load %arg5[%get3A_1768, %get3A_1769] {strides = array<i32>} : memref<16x128xi32, #tpu.memory_space<vmem>>, vector<1x16xi32>,
    %get3A_1771 = vector.shape_cast %get3A_1770 : vector<1x16xi32> to vector<16xi32>
    %mul3A_1772 = arith.constant 2 : i32
    %mul3A_1773 = vector.broadcast %mul3A_1772 : i32 to vector<16xi32>
    %mul3A_1774 = arith.muli %get3A_1771, %mul3A_1773 : vector<16xi32>
    %swap3A_1775 = arith.constant 15 : i32
    %swap3A_1776 = arith.index_cast %swap3A_1775 : i32 to index
    %swap3A_1777 = arith.constant 96 : index
    %swap3A_1778 = tpu.vector_load %arg6[%swap3A_1776, %swap3A_1777] {strides = array<i32>} : memref<16x128xi32, #tpu.memory_space<vmem>>, vector<1x16xi32>,
    %swap3A_1779 = vector.shape_cast %swap3A_1778 : vector<1x16xi32> to vector<16xi32>
    %swap3A_1780 = vector.shape_cast %mul3A_1774 : vector<16xi32> to vector<1x16xi32>
    tpu.vector_store %arg6[%swap3A_1776, %swap3A_1777], %swap3A_1780 {strides = array<i32>} : memref<16x128xi32, #tpu.memory_space<vmem>>, vector<1x16xi32>,
    %get3A_1781 = arith.constant 15 : i32
    %get3A_1782 = arith.index_cast %get3A_1781 : i32 to index
    %get3A_1783 = arith.constant 112 : index
    %get3A_1784 = tpu.vector_load %arg5[%get3A_1782, %get3A_1783] {strides = array<i32>} : memref<16x128xi32, #tpu.memory_space<vmem>>, vector<1x16xi32>,
    %get3A_1785 = vector.shape_cast %get3A_1784 : vector<1x16xi32> to vector<16xi32>
    %mul3A_1786 = arith.constant 2 : i32
    %mul3A_1787 = vector.broadcast %mul3A_1786 : i32 to vector<16xi32>
    %mul3A_1788 = arith.muli %get3A_1785, %mul3A_1787 : vector<16xi32>
    %swap3A_1789 = arith.constant 15 : i32
    %swap3A_1790 = arith.index_cast %swap3A_1789 : i32 to index
    %swap3A_1791 = arith.constant 112 : index
    %swap3A_1792 = tpu.vector_load %arg6[%swap3A_1790, %swap3A_1791] {strides = array<i32>} : memref<16x128xi32, #tpu.memory_space<vmem>>, vector<1x16xi32>,
    %swap3A_1793 = vector.shape_cast %swap3A_1792 : vector<1x16xi32> to vector<16xi32>
    %swap3A_1794 = vector.shape_cast %mul3A_1788 : vector<16xi32> to vector<1x16xi32>
    tpu.vector_store %arg6[%swap3A_1790, %swap3A_1791], %swap3A_1794 {strides = array<i32>} : memref<16x128xi32, #tpu.memory_space<vmem>>, vector<1x16xi32>,
    %dma_start3A = arith.constant 0 : i32
    %dma_start3A_1795 = arith.constant 0 : i32
    %dma_start3A_1796 = arith.constant 0 : i32
    %dma_start3A_1797 = arith.constant 0 : i32
    %dma_start3A_1798 = tpu.memref_slice %arg7[%dma_start3A_1795, %dma_start3A_1796, %dma_start3A_1797] : memref<6x128x64xf32, #tpu.memory_space<vmem>> -> memref<1x128x64xf32, #tpu.memory_space<vmem>>
    %dma_start3A_1799 = tpu.memref_squeeze %dma_start3A_1798 : memref<1x128x64xf32, #tpu.memory_space<vmem>> -> memref<128x64xf32, #tpu.memory_space<vmem>>
    %dma_start3A_1800 = arith.constant 0 : i32
    %dma_start3A_1801 = tpu.memref_slice %arg6[%dma_start3A, %dma_start3A_1800] : memref<16x128xi32, #tpu.memory_space<vmem>> -> memref<1x128xi32, #tpu.memory_space<vmem>>
    %dma_start3A_1802 = tpu.memref_squeeze %dma_start3A_1801 : memref<1x128xi32, #tpu.memory_space<vmem>> -> memref<128xi32, #tpu.memory_space<vmem>>
    %dma_start3A_1803 = arith.constant 0 : i32
    %dma_start3A_1804 = arith.constant 0 : i32
    %dma_start3A_1805 = tpu.memref_slice %arg3[%dma_start3A_1803, %dma_start3A_1804] : memref<200000x64xf32, #tpu.memory_space<hbm>> -> memref<200000x64xf32, #tpu.memory_space<hbm>>
    tpu.enqueue_indirect_dma source(%dma_start3A_1805 : memref<200000x64xf32, #tpu.memory_space<hbm>>) target(%dma_start3A_1799 : memref<128x64xf32, #tpu.memory_space<vmem>>) offsets(%dma_start3A_1802 : memref<128xi32, #tpu.memory_space<vmem>>) semaphore(%arg8 : memref<!tpu.dma_semaphore, #tpu.memory_space<semaphore_mem>>)
    %dma_start3A_1806 = arith.constant 1 : i32
    %dma_start3A_1807 = arith.constant 1 : i32
    %dma_start3A_1808 = arith.constant 0 : i32
    %dma_start3A_1809 = arith.constant 0 : i32
    %dma_start3A_1810 = tpu.memref_slice %arg7[%dma_start3A_1807, %dma_start3A_1808, %dma_start3A_1809] : memref<6x128x64xf32, #tpu.memory_space<vmem>> -> memref<1x128x64xf32, #tpu.memory_space<vmem>>
    %dma_start3A_1811 = tpu.memref_squeeze %dma_start3A_1810 : memref<1x128x64xf32, #tpu.memory_space<vmem>> -> memref<128x64xf32, #tpu.memory_space<vmem>>
    %dma_start3A_1812 = arith.constant 0 : i32
    %dma_start3A_1813 = tpu.memref_slice %arg6[%dma_start3A_1806, %dma_start3A_1812] : memref<16x128xi32, #tpu.memory_space<vmem>> -> memref<1x128xi32, #tpu.memory_space<vmem>>
    %dma_start3A_1814 = tpu.memref_squeeze %dma_start3A_1813 : memref<1x128xi32, #tpu.memory_space<vmem>> -> memref<128xi32, #tpu.memory_space<vmem>>
    %dma_start3A_1815 = arith.constant 0 : i32
    %dma_start3A_1816 = arith.constant 0 : i32
    %dma_start3A_1817 = tpu.memref_slice %arg3[%dma_start3A_1815, %dma_start3A_1816] : memref<200000x64xf32, #tpu.memory_space<hbm>> -> memref<200000x64xf32, #tpu.memory_space<hbm>>
    tpu.enqueue_indirect_dma source(%dma_start3A_1817 : memref<200000x64xf32, #tpu.memory_space<hbm>>) target(%dma_start3A_1811 : memref<128x64xf32, #tpu.memory_space<vmem>>) offsets(%dma_start3A_1814 : memref<128xi32, #tpu.memory_space<vmem>>) semaphore(%arg8 : memref<!tpu.dma_semaphore, #tpu.memory_space<semaphore_mem>>)
    %dma_start3A_1818 = arith.constant 2 : i32
    %dma_start3A_1819 = arith.constant 2 : i32
    %dma_start3A_1820 = arith.constant 0 : i32
    %dma_start3A_1821 = arith.constant 0 : i32
    %dma_start3A_1822 = tpu.memref_slice %arg7[%dma_start3A_1819, %dma_start3A_1820, %dma_start3A_1821] : memref<6x128x64xf32, #tpu.memory_space<vmem>> -> memref<1x128x64xf32, #tpu.memory_space<vmem>>
    %dma_start3A_1823 = tpu.memref_squeeze %dma_start3A_1822 : memref<1x128x64xf32, #tpu.memory_space<vmem>> -> memref<128x64xf32, #tpu.memory_space<vmem>>
    %dma_start3A_1824 = arith.constant 0 : i32
    %dma_start3A_1825 = tpu.memref_slice %arg6[%dma_start3A_1818, %dma_start3A_1824] : memref<16x128xi32, #tpu.memory_space<vmem>> -> memref<1x128xi32, #tpu.memory_space<vmem>>
    %dma_start3A_1826 = tpu.memref_squeeze %dma_start3A_1825 : memref<1x128xi32, #tpu.memory_space<vmem>> -> memref<128xi32, #tpu.memory_space<vmem>>
    %dma_start3A_1827 = arith.constant 0 : i32
    %dma_start3A_1828 = arith.constant 0 : i32
    %dma_start3A_1829 = tpu.memref_slice %arg3[%dma_start3A_1827, %dma_start3A_1828] : memref<200000x64xf32, #tpu.memory_space<hbm>> -> memref<200000x64xf32, #tpu.memory_space<hbm>>
    tpu.enqueue_indirect_dma source(%dma_start3A_1829 : memref<200000x64xf32, #tpu.memory_space<hbm>>) target(%dma_start3A_1823 : memref<128x64xf32, #tpu.memory_space<vmem>>) offsets(%dma_start3A_1826 : memref<128xi32, #tpu.memory_space<vmem>>) semaphore(%arg8 : memref<!tpu.dma_semaphore, #tpu.memory_space<semaphore_mem>>)
    %dma_start3A_1830 = arith.constant 3 : i32
    %dma_start3A_1831 = arith.constant 3 : i32
    %dma_start3A_1832 = arith.constant 0 : i32
    %dma_start3A_1833 = arith.constant 0 : i32
    %dma_start3A_1834 = tpu.memref_slice %arg7[%dma_start3A_1831, %dma_start3A_1832, %dma_start3A_1833] : memref<6x128x64xf32, #tpu.memory_space<vmem>> -> memref<1x128x64xf32, #tpu.memory_space<vmem>>
    %dma_start3A_1835 = tpu.memref_squeeze %dma_start3A_1834 : memref<1x128x64xf32, #tpu.memory_space<vmem>> -> memref<128x64xf32, #tpu.memory_space<vmem>>
    %dma_start3A_1836 = arith.constant 0 : i32
    %dma_start3A_1837 = tpu.memref_slice %arg6[%dma_start3A_1830, %dma_start3A_1836] : memref<16x128xi32, #tpu.memory_space<vmem>> -> memref<1x128xi32, #tpu.memory_space<vmem>>
    %dma_start3A_1838 = tpu.memref_squeeze %dma_start3A_1837 : memref<1x128xi32, #tpu.memory_space<vmem>> -> memref<128xi32, #tpu.memory_space<vmem>>
    %dma_start3A_1839 = arith.constant 0 : i32
    %dma_start3A_1840 = arith.constant 0 : i32
    %dma_start3A_1841 = tpu.memref_slice %arg3[%dma_start3A_1839, %dma_start3A_1840] : memref<200000x64xf32, #tpu.memory_space<hbm>> -> memref<200000x64xf32, #tpu.memory_space<hbm>>
    tpu.enqueue_indirect_dma source(%dma_start3A_1841 : memref<200000x64xf32, #tpu.memory_space<hbm>>) target(%dma_start3A_1835 : memref<128x64xf32, #tpu.memory_space<vmem>>) offsets(%dma_start3A_1838 : memref<128xi32, #tpu.memory_space<vmem>>) semaphore(%arg8 : memref<!tpu.dma_semaphore, #tpu.memory_space<semaphore_mem>>)
    %dma_start3A_1842 = arith.constant 4 : i32
    %dma_start3A_1843 = arith.constant 4 : i32
    %dma_start3A_1844 = arith.constant 0 : i32
    %dma_start3A_1845 = arith.constant 0 : i32
    %dma_start3A_1846 = tpu.memref_slice %arg7[%dma_start3A_1843, %dma_start3A_1844, %dma_start3A_1845] : memref<6x128x64xf32, #tpu.memory_space<vmem>> -> memref<1x128x64xf32, #tpu.memory_space<vmem>>
    %dma_start3A_1847 = tpu.memref_squeeze %dma_start3A_1846 : memref<1x128x64xf32, #tpu.memory_space<vmem>> -> memref<128x64xf32, #tpu.memory_space<vmem>>
    %dma_start3A_1848 = arith.constant 0 : i32
    %dma_start3A_1849 = tpu.memref_slice %arg6[%dma_start3A_1842, %dma_start3A_1848] : memref<16x128xi32, #tpu.memory_space<vmem>> -> memref<1x128xi32, #tpu.memory_space<vmem>>
    %dma_start3A_1850 = tpu.memref_squeeze %dma_start3A_1849 : memref<1x128xi32, #tpu.memory_space<vmem>> -> memref<128xi32, #tpu.memory_space<vmem>>
    %dma_start3A_1851 = arith.constant 0 : i32
    %dma_start3A_1852 = arith.constant 0 : i32
    %dma_start3A_1853 = tpu.memref_slice %arg3[%dma_start3A_1851, %dma_start3A_1852] : memref<200000x64xf32, #tpu.memory_space<hbm>> -> memref<200000x64xf32, #tpu.memory_space<hbm>>
    tpu.enqueue_indirect_dma source(%dma_start3A_1853 : memref<200000x64xf32, #tpu.memory_space<hbm>>) target(%dma_start3A_1847 : memref<128x64xf32, #tpu.memory_space<vmem>>) offsets(%dma_start3A_1850 : memref<128xi32, #tpu.memory_space<vmem>>) semaphore(%arg8 : memref<!tpu.dma_semaphore, #tpu.memory_space<semaphore_mem>>)
    %dma_start3A_1854 = arith.constant 5 : i32
    %dma_start3A_1855 = arith.constant 5 : i32
    %dma_start3A_1856 = arith.constant 0 : i32
    %dma_start3A_1857 = arith.constant 0 : i32
    %dma_start3A_1858 = tpu.memref_slice %arg7[%dma_start3A_1855, %dma_start3A_1856, %dma_start3A_1857] : memref<6x128x64xf32, #tpu.memory_space<vmem>> -> memref<1x128x64xf32, #tpu.memory_space<vmem>>
    %dma_start3A_1859 = tpu.memref_squeeze %dma_start3A_1858 : memref<1x128x64xf32, #tpu.memory_space<vmem>> -> memref<128x64xf32, #tpu.memory_space<vmem>>
    %dma_start3A_1860 = arith.constant 0 : i32
    %dma_start3A_1861 = tpu.memref_slice %arg6[%dma_start3A_1854, %dma_start3A_1860] : memref<16x128xi32, #tpu.memory_space<vmem>> -> memref<1x128xi32, #tpu.memory_space<vmem>>
    %dma_start3A_1862 = tpu.memref_squeeze %dma_start3A_1861 : memref<1x128xi32, #tpu.memory_space<vmem>> -> memref<128xi32, #tpu.memory_space<vmem>>
    %dma_start3A_1863 = arith.constant 0 : i32
    %dma_start3A_1864 = arith.constant 0 : i32
    %dma_start3A_1865 = tpu.memref_slice %arg3[%dma_start3A_1863, %dma_start3A_1864] : memref<200000x64xf32, #tpu.memory_space<hbm>> -> memref<200000x64xf32, #tpu.memory_space<hbm>>
    tpu.enqueue_indirect_dma source(%dma_start3A_1865 : memref<200000x64xf32, #tpu.memory_space<hbm>>) target(%dma_start3A_1859 : memref<128x64xf32, #tpu.memory_space<vmem>>) offsets(%dma_start3A_1862 : memref<128xi32, #tpu.memory_space<vmem>>) semaphore(%arg8 : memref<!tpu.dma_semaphore, #tpu.memory_space<semaphore_mem>>)
    %dma_wait3A = arith.constant 0 : i32
    %dma_wait3A_1866 = arith.constant 0 : i32
    %dma_wait3A_1867 = arith.constant 0 : i32
    %dma_wait3A_1868 = arith.constant 0 : i32
    %dma_wait3A_1869 = tpu.memref_slice %arg7[%dma_wait3A_1866, %dma_wait3A_1867, %dma_wait3A_1868] : memref<6x128x64xf32, #tpu.memory_space<vmem>> -> memref<1x128x64xf32, #tpu.memory_space<vmem>>
    %dma_wait3A_1870 = tpu.memref_squeeze %dma_wait3A_1869 : memref<1x128x64xf32, #tpu.memory_space<vmem>> -> memref<128x64xf32, #tpu.memory_space<vmem>>
    %dma_wait3A_1871 = arith.constant 0 : i32
    %dma_wait3A_1872 = tpu.memref_slice %arg6[%dma_wait3A, %dma_wait3A_1871] : memref<16x128xi32, #tpu.memory_space<vmem>> -> memref<1x128xi32, #tpu.memory_space<vmem>>
    %dma_wait3A_1873 = tpu.memref_squeeze %dma_wait3A_1872 : memref<1x128xi32, #tpu.memory_space<vmem>> -> memref<128xi32, #tpu.memory_space<vmem>>
    %dma_wait3A_1874 = arith.constant 0 : i32
    %dma_wait3A_1875 = arith.constant 0 : i32
    %dma_wait3A_1876 = tpu.memref_slice %arg3[%dma_wait3A_1874, %dma_wait3A_1875] : memref<200000x64xf32, #tpu.memory_space<hbm>> -> memref<200000x64xf32, #tpu.memory_space<hbm>>
    tpu.wait_indirect_dma semaphore(%arg8 : memref<!tpu.dma_semaphore, #tpu.memory_space<semaphore_mem>>) src(%dma_wait3A_1876 : memref<200000x64xf32, #tpu.memory_space<hbm>>) dst(%dma_wait3A_1870 : memref<128x64xf32, #tpu.memory_space<vmem>>)
    %add3A_1877 = arith.constant 0 : i32
    %add3A_1878 = arith.addi %mul3A_4, %add3A_1877 : i32
    %dma_start3A_1879 = arith.constant 0 : i32
    %dma_start3A_1880 = arith.constant 0 : i32
    %dma_start3A_1881 = arith.constant 0 : i32
    %dma_start3A_1882 = tpu.memref_slice %arg7[%dma_start3A_1879, %dma_start3A_1880, %dma_start3A_1881] : memref<6x128x64xf32, #tpu.memory_space<vmem>> -> memref<1x128x64xf32, #tpu.memory_space<vmem>>
    %dma_start3A_1883 = tpu.memref_squeeze %dma_start3A_1882 : memref<1x128x64xf32, #tpu.memory_space<vmem>> -> memref<128x64xf32, #tpu.memory_space<vmem>>
    %dma_start3A_1884 = arith.constant 0 : i32
    %dma_start3A_1885 = tpu.memref_slice %arg4[%add3A_1878, %dma_start3A_1884] : memref<65536x128xf32, #tpu.memory_space<hbm>> -> memref<128x64xf32, #tpu.memory_space<hbm>>
    %dma_start3A_1886 = arith.constant 0 : i32
    %dma_start3A_1887 = tpu.memref_slice %arg4[%add3A_1878, %dma_start3A_1886] : memref<65536x128xf32, #tpu.memory_space<hbm>> -> memref<128x64xf32, #tpu.memory_space<hbm>>
    %dma_start3A_1888 = arith.constant 0 : i32
    %dma_start3A_1889 = arith.constant 0 : i32
    %dma_start3A_1890 = tpu.memref_slice %arg7[%dma_start3A_1879, %dma_start3A_1888, %dma_start3A_1889] : memref<6x128x64xf32, #tpu.memory_space<vmem>> -> memref<1x128x64xf32, #tpu.memory_space<vmem>>
    %dma_start3A_1891 = tpu.memref_squeeze %dma_start3A_1890 : memref<1x128x64xf32, #tpu.memory_space<vmem>> -> memref<128x64xf32, #tpu.memory_space<vmem>>
    tpu.enqueue_dma source(%dma_start3A_1891 : memref<128x64xf32, #tpu.memory_space<vmem>>) target(%dma_start3A_1887 : memref<128x64xf32, #tpu.memory_space<hbm>>) target_semaphore(%arg9 : memref<!tpu.dma_semaphore, #tpu.memory_space<semaphore_mem>>)
    %dma_wait3A_1892 = arith.constant 0 : i32
    %dma_wait3A_1893 = arith.constant 0 : i32
    %dma_wait3A_1894 = arith.constant 0 : i32
    %dma_wait3A_1895 = tpu.memref_slice %arg7[%dma_wait3A_1892, %dma_wait3A_1893, %dma_wait3A_1894] : memref<6x128x64xf32, #tpu.memory_space<vmem>> -> memref<1x128x64xf32, #tpu.memory_space<vmem>>
    %dma_wait3A_1896 = tpu.memref_squeeze %dma_wait3A_1895 : memref<1x128x64xf32, #tpu.memory_space<vmem>> -> memref<128x64xf32, #tpu.memory_space<vmem>>
    %dma_wait3A_1897 = arith.constant 0 : i32
    %dma_wait3A_1898 = tpu.memref_slice %arg4[%add3A_1878, %dma_wait3A_1897] : memref<65536x128xf32, #tpu.memory_space<hbm>> -> memref<128x64xf32, #tpu.memory_space<hbm>>
    %dma_wait3A_1899 = arith.constant 0 : i32
    %dma_wait3A_1900 = tpu.memref_slice %arg4[%add3A_1878, %dma_wait3A_1899] : memref<65536x128xf32, #tpu.memory_space<hbm>> -> memref<128x64xf32, #tpu.memory_space<hbm>>
    %dma_wait3A_1901 = arith.constant 0 : i32
    %dma_wait3A_1902 = arith.constant 0 : i32
    %dma_wait3A_1903 = tpu.memref_slice %arg7[%dma_wait3A_1892, %dma_wait3A_1901, %dma_wait3A_1902] : memref<6x128x64xf32, #tpu.memory_space<vmem>> -> memref<1x128x64xf32, #tpu.memory_space<vmem>>
    %dma_wait3A_1904 = tpu.memref_squeeze %dma_wait3A_1903 : memref<1x128x64xf32, #tpu.memory_space<vmem>> -> memref<128x64xf32, #tpu.memory_space<vmem>>
    tpu.wait_dma2 semaphore(%arg9 : memref<!tpu.dma_semaphore, #tpu.memory_space<semaphore_mem>>) src(%dma_wait3A_1904 : memref<128x64xf32, #tpu.memory_space<vmem>>) dst(%dma_wait3A_1900 : memref<128x64xf32, #tpu.memory_space<hbm>>)
    %dma_start3A_1905 = arith.constant 6 : i32
    %dma_start3A_1906 = arith.constant 0 : i32
    %dma_start3A_1907 = arith.constant 0 : i32
    %dma_start3A_1908 = arith.constant 0 : i32
    %dma_start3A_1909 = tpu.memref_slice %arg7[%dma_start3A_1906, %dma_start3A_1907, %dma_start3A_1908] : memref<6x128x64xf32, #tpu.memory_space<vmem>> -> memref<1x128x64xf32, #tpu.memory_space<vmem>>
    %dma_start3A_1910 = tpu.memref_squeeze %dma_start3A_1909 : memref<1x128x64xf32, #tpu.memory_space<vmem>> -> memref<128x64xf32, #tpu.memory_space<vmem>>
    %dma_start3A_1911 = arith.constant 0 : i32
    %dma_start3A_1912 = tpu.memref_slice %arg6[%dma_start3A_1905, %dma_start3A_1911] : memref<16x128xi32, #tpu.memory_space<vmem>> -> memref<1x128xi32, #tpu.memory_space<vmem>>
    %dma_start3A_1913 = tpu.memref_squeeze %dma_start3A_1912 : memref<1x128xi32, #tpu.memory_space<vmem>> -> memref<128xi32, #tpu.memory_space<vmem>>
    %dma_start3A_1914 = arith.constant 0 : i32
    %dma_start3A_1915 = arith.constant 0 : i32
    %dma_start3A_1916 = tpu.memref_slice %arg3[%dma_start3A_1914, %dma_start3A_1915] : memref<200000x64xf32, #tpu.memory_space<hbm>> -> memref<200000x64xf32, #tpu.memory_space<hbm>>
    tpu.enqueue_indirect_dma source(%dma_start3A_1916 : memref<200000x64xf32, #tpu.memory_space<hbm>>) target(%dma_start3A_1910 : memref<128x64xf32, #tpu.memory_space<vmem>>) offsets(%dma_start3A_1913 : memref<128xi32, #tpu.memory_space<vmem>>) semaphore(%arg8 : memref<!tpu.dma_semaphore, #tpu.memory_space<semaphore_mem>>)
    %dma_wait3A_1917 = arith.constant 1 : i32
    %dma_wait3A_1918 = arith.constant 1 : i32
    %dma_wait3A_1919 = arith.constant 0 : i32
    %dma_wait3A_1920 = arith.constant 0 : i32
    %dma_wait3A_1921 = tpu.memref_slice %arg7[%dma_wait3A_1918, %dma_wait3A_1919, %dma_wait3A_1920] : memref<6x128x64xf32, #tpu.memory_space<vmem>> -> memref<1x128x64xf32, #tpu.memory_space<vmem>>
    %dma_wait3A_1922 = tpu.memref_squeeze %dma_wait3A_1921 : memref<1x128x64xf32, #tpu.memory_space<vmem>> -> memref<128x64xf32, #tpu.memory_space<vmem>>
    %dma_wait3A_1923 = arith.constant 0 : i32
    %dma_wait3A_1924 = tpu.memref_slice %arg6[%dma_wait3A_1917, %dma_wait3A_1923] : memref<16x128xi32, #tpu.memory_space<vmem>> -> memref<1x128xi32, #tpu.memory_space<vmem>>
    %dma_wait3A_1925 = tpu.memref_squeeze %dma_wait3A_1924 : memref<1x128xi32, #tpu.memory_space<vmem>> -> memref<128xi32, #tpu.memory_space<vmem>>
    %dma_wait3A_1926 = arith.constant 0 : i32
    %dma_wait3A_1927 = arith.constant 0 : i32
    %dma_wait3A_1928 = tpu.memref_slice %arg3[%dma_wait3A_1926, %dma_wait3A_1927] : memref<200000x64xf32, #tpu.memory_space<hbm>> -> memref<200000x64xf32, #tpu.memory_space<hbm>>
    tpu.wait_indirect_dma semaphore(%arg8 : memref<!tpu.dma_semaphore, #tpu.memory_space<semaphore_mem>>) src(%dma_wait3A_1928 : memref<200000x64xf32, #tpu.memory_space<hbm>>) dst(%dma_wait3A_1922 : memref<128x64xf32, #tpu.memory_space<vmem>>)
    %add3A_1929 = arith.constant 128 : i32
    %add3A_1930 = arith.addi %mul3A_4, %add3A_1929 : i32
    %dma_start3A_1931 = arith.constant 1 : i32
    %dma_start3A_1932 = arith.constant 0 : i32
    %dma_start3A_1933 = arith.constant 0 : i32
    %dma_start3A_1934 = tpu.memref_slice %arg7[%dma_start3A_1931, %dma_start3A_1932, %dma_start3A_1933] : memref<6x128x64xf32, #tpu.memory_space<vmem>> -> memref<1x128x64xf32, #tpu.memory_space<vmem>>
    %dma_start3A_1935 = tpu.memref_squeeze %dma_start3A_1934 : memref<1x128x64xf32, #tpu.memory_space<vmem>> -> memref<128x64xf32, #tpu.memory_space<vmem>>
    %dma_start3A_1936 = arith.constant 0 : i32
    %dma_start3A_1937 = tpu.memref_slice %arg4[%add3A_1930, %dma_start3A_1936] : memref<65536x128xf32, #tpu.memory_space<hbm>> -> memref<128x64xf32, #tpu.memory_space<hbm>>
    %dma_start3A_1938 = arith.constant 0 : i32
    %dma_start3A_1939 = tpu.memref_slice %arg4[%add3A_1930, %dma_start3A_1938] : memref<65536x128xf32, #tpu.memory_space<hbm>> -> memref<128x64xf32, #tpu.memory_space<hbm>>
    %dma_start3A_1940 = arith.constant 0 : i32
    %dma_start3A_1941 = arith.constant 0 : i32
    %dma_start3A_1942 = tpu.memref_slice %arg7[%dma_start3A_1931, %dma_start3A_1940, %dma_start3A_1941] : memref<6x128x64xf32, #tpu.memory_space<vmem>> -> memref<1x128x64xf32, #tpu.memory_space<vmem>>
    %dma_start3A_1943 = tpu.memref_squeeze %dma_start3A_1942 : memref<1x128x64xf32, #tpu.memory_space<vmem>> -> memref<128x64xf32, #tpu.memory_space<vmem>>
    tpu.enqueue_dma source(%dma_start3A_1943 : memref<128x64xf32, #tpu.memory_space<vmem>>) target(%dma_start3A_1939 : memref<128x64xf32, #tpu.memory_space<hbm>>) target_semaphore(%arg9 : memref<!tpu.dma_semaphore, #tpu.memory_space<semaphore_mem>>)
    %dma_wait3A_1944 = arith.constant 1 : i32
    %dma_wait3A_1945 = arith.constant 0 : i32
    %dma_wait3A_1946 = arith.constant 0 : i32
    %dma_wait3A_1947 = tpu.memref_slice %arg7[%dma_wait3A_1944, %dma_wait3A_1945, %dma_wait3A_1946] : memref<6x128x64xf32, #tpu.memory_space<vmem>> -> memref<1x128x64xf32, #tpu.memory_space<vmem>>
    %dma_wait3A_1948 = tpu.memref_squeeze %dma_wait3A_1947 : memref<1x128x64xf32, #tpu.memory_space<vmem>> -> memref<128x64xf32, #tpu.memory_space<vmem>>
    %dma_wait3A_1949 = arith.constant 0 : i32
    %dma_wait3A_1950 = tpu.memref_slice %arg4[%add3A_1930, %dma_wait3A_1949] : memref<65536x128xf32, #tpu.memory_space<hbm>> -> memref<128x64xf32, #tpu.memory_space<hbm>>
    %dma_wait3A_1951 = arith.constant 0 : i32
    %dma_wait3A_1952 = tpu.memref_slice %arg4[%add3A_1930, %dma_wait3A_1951] : memref<65536x128xf32, #tpu.memory_space<hbm>> -> memref<128x64xf32, #tpu.memory_space<hbm>>
    %dma_wait3A_1953 = arith.constant 0 : i32
    %dma_wait3A_1954 = arith.constant 0 : i32
    %dma_wait3A_1955 = tpu.memref_slice %arg7[%dma_wait3A_1944, %dma_wait3A_1953, %dma_wait3A_1954] : memref<6x128x64xf32, #tpu.memory_space<vmem>> -> memref<1x128x64xf32, #tpu.memory_space<vmem>>
    %dma_wait3A_1956 = tpu.memref_squeeze %dma_wait3A_1955 : memref<1x128x64xf32, #tpu.memory_space<vmem>> -> memref<128x64xf32, #tpu.memory_space<vmem>>
    tpu.wait_dma2 semaphore(%arg9 : memref<!tpu.dma_semaphore, #tpu.memory_space<semaphore_mem>>) src(%dma_wait3A_1956 : memref<128x64xf32, #tpu.memory_space<vmem>>) dst(%dma_wait3A_1952 : memref<128x64xf32, #tpu.memory_space<hbm>>)
    %dma_start3A_1957 = arith.constant 7 : i32
    %dma_start3A_1958 = arith.constant 1 : i32
    %dma_start3A_1959 = arith.constant 0 : i32
    %dma_start3A_1960 = arith.constant 0 : i32
    %dma_start3A_1961 = tpu.memref_slice %arg7[%dma_start3A_1958, %dma_start3A_1959, %dma_start3A_1960] : memref<6x128x64xf32, #tpu.memory_space<vmem>> -> memref<1x128x64xf32, #tpu.memory_space<vmem>>
    %dma_start3A_1962 = tpu.memref_squeeze %dma_start3A_1961 : memref<1x128x64xf32, #tpu.memory_space<vmem>> -> memref<128x64xf32, #tpu.memory_space<vmem>>
    %dma_start3A_1963 = arith.constant 0 : i32
    %dma_start3A_1964 = tpu.memref_slice %arg6[%dma_start3A_1957, %dma_start3A_1963] : memref<16x128xi32, #tpu.memory_space<vmem>> -> memref<1x128xi32, #tpu.memory_space<vmem>>
    %dma_start3A_1965 = tpu.memref_squeeze %dma_start3A_1964 : memref<1x128xi32, #tpu.memory_space<vmem>> -> memref<128xi32, #tpu.memory_space<vmem>>
    %dma_start3A_1966 = arith.constant 0 : i32
    %dma_start3A_1967 = arith.constant 0 : i32
    %dma_start3A_1968 = tpu.memref_slice %arg3[%dma_start3A_1966, %dma_start3A_1967] : memref<200000x64xf32, #tpu.memory_space<hbm>> -> memref<200000x64xf32, #tpu.memory_space<hbm>>
    tpu.enqueue_indirect_dma source(%dma_start3A_1968 : memref<200000x64xf32, #tpu.memory_space<hbm>>) target(%dma_start3A_1962 : memref<128x64xf32, #tpu.memory_space<vmem>>) offsets(%dma_start3A_1965 : memref<128xi32, #tpu.memory_space<vmem>>) semaphore(%arg8 : memref<!tpu.dma_semaphore, #tpu.memory_space<semaphore_mem>>)
    %dma_wait3A_1969 = arith.constant 2 : i32
    %dma_wait3A_1970 = arith.constant 2 : i32
    %dma_wait3A_1971 = arith.constant 0 : i32
    %dma_wait3A_1972 = arith.constant 0 : i32
    %dma_wait3A_1973 = tpu.memref_slice %arg7[%dma_wait3A_1970, %dma_wait3A_1971, %dma_wait3A_1972] : memref<6x128x64xf32, #tpu.memory_space<vmem>> -> memref<1x128x64xf32, #tpu.memory_space<vmem>>
    %dma_wait3A_1974 = tpu.memref_squeeze %dma_wait3A_1973 : memref<1x128x64xf32, #tpu.memory_space<vmem>> -> memref<128x64xf32, #tpu.memory_space<vmem>>
    %dma_wait3A_1975 = arith.constant 0 : i32
    %dma_wait3A_1976 = tpu.memref_slice %arg6[%dma_wait3A_1969, %dma_wait3A_1975] : memref<16x128xi32, #tpu.memory_space<vmem>> -> memref<1x128xi32, #tpu.memory_space<vmem>>
    %dma_wait3A_1977 = tpu.memref_squeeze %dma_wait3A_1976 : memref<1x128xi32, #tpu.memory_space<vmem>> -> memref<128xi32, #tpu.memory_space<vmem>>
    %dma_wait3A_1978 = arith.constant 0 : i32
    %dma_wait3A_1979 = arith.constant 0 : i32
    %dma_wait3A_1980 = tpu.memref_slice %arg3[%dma_wait3A_1978, %dma_wait3A_1979] : memref<200000x64xf32, #tpu.memory_space<hbm>> -> memref<200000x64xf32, #tpu.memory_space<hbm>>
    tpu.wait_indirect_dma semaphore(%arg8 : memref<!tpu.dma_semaphore, #tpu.memory_space<semaphore_mem>>) src(%dma_wait3A_1980 : memref<200000x64xf32, #tpu.memory_space<hbm>>) dst(%dma_wait3A_1974 : memref<128x64xf32, #tpu.memory_space<vmem>>)
    %add3A_1981 = arith.constant 256 : i32
    %add3A_1982 = arith.addi %mul3A_4, %add3A_1981 : i32
    %dma_start3A_1983 = arith.constant 2 : i32
    %dma_start3A_1984 = arith.constant 0 : i32
    %dma_start3A_1985 = arith.constant 0 : i32
    %dma_start3A_1986 = tpu.memref_slice %arg7[%dma_start3A_1983, %dma_start3A_1984, %dma_start3A_1985] : memref<6x128x64xf32, #tpu.memory_space<vmem>> -> memref<1x128x64xf32, #tpu.memory_space<vmem>>
    %dma_start3A_1987 = tpu.memref_squeeze %dma_start3A_1986 : memref<1x128x64xf32, #tpu.memory_space<vmem>> -> memref<128x64xf32, #tpu.memory_space<vmem>>
    %dma_start3A_1988 = arith.constant 0 : i32
    %dma_start3A_1989 = tpu.memref_slice %arg4[%add3A_1982, %dma_start3A_1988] : memref<65536x128xf32, #tpu.memory_space<hbm>> -> memref<128x64xf32, #tpu.memory_space<hbm>>
    %dma_start3A_1990 = arith.constant 0 : i32
    %dma_start3A_1991 = tpu.memref_slice %arg4[%add3A_1982, %dma_start3A_1990] : memref<65536x128xf32, #tpu.memory_space<hbm>> -> memref<128x64xf32, #tpu.memory_space<hbm>>
    %dma_start3A_1992 = arith.constant 0 : i32
    %dma_start3A_1993 = arith.constant 0 : i32
    %dma_start3A_1994 = tpu.memref_slice %arg7[%dma_start3A_1983, %dma_start3A_1992, %dma_start3A_1993] : memref<6x128x64xf32, #tpu.memory_space<vmem>> -> memref<1x128x64xf32, #tpu.memory_space<vmem>>
    %dma_start3A_1995 = tpu.memref_squeeze %dma_start3A_1994 : memref<1x128x64xf32, #tpu.memory_space<vmem>> -> memref<128x64xf32, #tpu.memory_space<vmem>>
    tpu.enqueue_dma source(%dma_start3A_1995 : memref<128x64xf32, #tpu.memory_space<vmem>>) target(%dma_start3A_1991 : memref<128x64xf32, #tpu.memory_space<hbm>>) target_semaphore(%arg9 : memref<!tpu.dma_semaphore, #tpu.memory_space<semaphore_mem>>)
    %dma_wait3A_1996 = arith.constant 2 : i32
    %dma_wait3A_1997 = arith.constant 0 : i32
    %dma_wait3A_1998 = arith.constant 0 : i32
    %dma_wait3A_1999 = tpu.memref_slice %arg7[%dma_wait3A_1996, %dma_wait3A_1997, %dma_wait3A_1998] : memref<6x128x64xf32, #tpu.memory_space<vmem>> -> memref<1x128x64xf32, #tpu.memory_space<vmem>>
    %dma_wait3A_2000 = tpu.memref_squeeze %dma_wait3A_1999 : memref<1x128x64xf32, #tpu.memory_space<vmem>> -> memref<128x64xf32, #tpu.memory_space<vmem>>
    %dma_wait3A_2001 = arith.constant 0 : i32
    %dma_wait3A_2002 = tpu.memref_slice %arg4[%add3A_1982, %dma_wait3A_2001] : memref<65536x128xf32, #tpu.memory_space<hbm>> -> memref<128x64xf32, #tpu.memory_space<hbm>>
    %dma_wait3A_2003 = arith.constant 0 : i32
    %dma_wait3A_2004 = tpu.memref_slice %arg4[%add3A_1982, %dma_wait3A_2003] : memref<65536x128xf32, #tpu.memory_space<hbm>> -> memref<128x64xf32, #tpu.memory_space<hbm>>
    %dma_wait3A_2005 = arith.constant 0 : i32
    %dma_wait3A_2006 = arith.constant 0 : i32
    %dma_wait3A_2007 = tpu.memref_slice %arg7[%dma_wait3A_1996, %dma_wait3A_2005, %dma_wait3A_2006] : memref<6x128x64xf32, #tpu.memory_space<vmem>> -> memref<1x128x64xf32, #tpu.memory_space<vmem>>
    %dma_wait3A_2008 = tpu.memref_squeeze %dma_wait3A_2007 : memref<1x128x64xf32, #tpu.memory_space<vmem>> -> memref<128x64xf32, #tpu.memory_space<vmem>>
    tpu.wait_dma2 semaphore(%arg9 : memref<!tpu.dma_semaphore, #tpu.memory_space<semaphore_mem>>) src(%dma_wait3A_2008 : memref<128x64xf32, #tpu.memory_space<vmem>>) dst(%dma_wait3A_2004 : memref<128x64xf32, #tpu.memory_space<hbm>>)
    %dma_start3A_2009 = arith.constant 8 : i32
    %dma_start3A_2010 = arith.constant 2 : i32
    %dma_start3A_2011 = arith.constant 0 : i32
    %dma_start3A_2012 = arith.constant 0 : i32
    %dma_start3A_2013 = tpu.memref_slice %arg7[%dma_start3A_2010, %dma_start3A_2011, %dma_start3A_2012] : memref<6x128x64xf32, #tpu.memory_space<vmem>> -> memref<1x128x64xf32, #tpu.memory_space<vmem>>
    %dma_start3A_2014 = tpu.memref_squeeze %dma_start3A_2013 : memref<1x128x64xf32, #tpu.memory_space<vmem>> -> memref<128x64xf32, #tpu.memory_space<vmem>>
    %dma_start3A_2015 = arith.constant 0 : i32
    %dma_start3A_2016 = tpu.memref_slice %arg6[%dma_start3A_2009, %dma_start3A_2015] : memref<16x128xi32, #tpu.memory_space<vmem>> -> memref<1x128xi32, #tpu.memory_space<vmem>>
    %dma_start3A_2017 = tpu.memref_squeeze %dma_start3A_2016 : memref<1x128xi32, #tpu.memory_space<vmem>> -> memref<128xi32, #tpu.memory_space<vmem>>
    %dma_start3A_2018 = arith.constant 0 : i32
    %dma_start3A_2019 = arith.constant 0 : i32
    %dma_start3A_2020 = tpu.memref_slice %arg3[%dma_start3A_2018, %dma_start3A_2019] : memref<200000x64xf32, #tpu.memory_space<hbm>> -> memref<200000x64xf32, #tpu.memory_space<hbm>>
    tpu.enqueue_indirect_dma source(%dma_start3A_2020 : memref<200000x64xf32, #tpu.memory_space<hbm>>) target(%dma_start3A_2014 : memref<128x64xf32, #tpu.memory_space<vmem>>) offsets(%dma_start3A_2017 : memref<128xi32, #tpu.memory_space<vmem>>) semaphore(%arg8 : memref<!tpu.dma_semaphore, #tpu.memory_space<semaphore_mem>>)
    %dma_wait3A_2021 = arith.constant 3 : i32
    %dma_wait3A_2022 = arith.constant 3 : i32
    %dma_wait3A_2023 = arith.constant 0 : i32
    %dma_wait3A_2024 = arith.constant 0 : i32
    %dma_wait3A_2025 = tpu.memref_slice %arg7[%dma_wait3A_2022, %dma_wait3A_2023, %dma_wait3A_2024] : memref<6x128x64xf32, #tpu.memory_space<vmem>> -> memref<1x128x64xf32, #tpu.memory_space<vmem>>
    %dma_wait3A_2026 = tpu.memref_squeeze %dma_wait3A_2025 : memref<1x128x64xf32, #tpu.memory_space<vmem>> -> memref<128x64xf32, #tpu.memory_space<vmem>>
    %dma_wait3A_2027 = arith.constant 0 : i32
    %dma_wait3A_2028 = tpu.memref_slice %arg6[%dma_wait3A_2021, %dma_wait3A_2027] : memref<16x128xi32, #tpu.memory_space<vmem>> -> memref<1x128xi32, #tpu.memory_space<vmem>>
    %dma_wait3A_2029 = tpu.memref_squeeze %dma_wait3A_2028 : memref<1x128xi32, #tpu.memory_space<vmem>> -> memref<128xi32, #tpu.memory_space<vmem>>
    %dma_wait3A_2030 = arith.constant 0 : i32
    %dma_wait3A_2031 = arith.constant 0 : i32
    %dma_wait3A_2032 = tpu.memref_slice %arg3[%dma_wait3A_2030, %dma_wait3A_2031] : memref<200000x64xf32, #tpu.memory_space<hbm>> -> memref<200000x64xf32, #tpu.memory_space<hbm>>
    tpu.wait_indirect_dma semaphore(%arg8 : memref<!tpu.dma_semaphore, #tpu.memory_space<semaphore_mem>>) src(%dma_wait3A_2032 : memref<200000x64xf32, #tpu.memory_space<hbm>>) dst(%dma_wait3A_2026 : memref<128x64xf32, #tpu.memory_space<vmem>>)
    %add3A_2033 = arith.constant 384 : i32
    %add3A_2034 = arith.addi %mul3A_4, %add3A_2033 : i32
    %dma_start3A_2035 = arith.constant 3 : i32
    %dma_start3A_2036 = arith.constant 0 : i32
    %dma_start3A_2037 = arith.constant 0 : i32
    %dma_start3A_2038 = tpu.memref_slice %arg7[%dma_start3A_2035, %dma_start3A_2036, %dma_start3A_2037] : memref<6x128x64xf32, #tpu.memory_space<vmem>> -> memref<1x128x64xf32, #tpu.memory_space<vmem>>
    %dma_start3A_2039 = tpu.memref_squeeze %dma_start3A_2038 : memref<1x128x64xf32, #tpu.memory_space<vmem>> -> memref<128x64xf32, #tpu.memory_space<vmem>>
    %dma_start3A_2040 = arith.constant 0 : i32
    %dma_start3A_2041 = tpu.memref_slice %arg4[%add3A_2034, %dma_start3A_2040] : memref<65536x128xf32, #tpu.memory_space<hbm>> -> memref<128x64xf32, #tpu.memory_space<hbm>>
    %dma_start3A_2042 = arith.constant 0 : i32
    %dma_start3A_2043 = tpu.memref_slice %arg4[%add3A_2034, %dma_start3A_2042] : memref<65536x128xf32, #tpu.memory_space<hbm>> -> memref<128x64xf32, #tpu.memory_space<hbm>>
    %dma_start3A_2044 = arith.constant 0 : i32
    %dma_start3A_2045 = arith.constant 0 : i32
    %dma_start3A_2046 = tpu.memref_slice %arg7[%dma_start3A_2035, %dma_start3A_2044, %dma_start3A_2045] : memref<6x128x64xf32, #tpu.memory_space<vmem>> -> memref<1x128x64xf32, #tpu.memory_space<vmem>>
    %dma_start3A_2047 = tpu.memref_squeeze %dma_start3A_2046 : memref<1x128x64xf32, #tpu.memory_space<vmem>> -> memref<128x64xf32, #tpu.memory_space<vmem>>
    tpu.enqueue_dma source(%dma_start3A_2047 : memref<128x64xf32, #tpu.memory_space<vmem>>) target(%dma_start3A_2043 : memref<128x64xf32, #tpu.memory_space<hbm>>) target_semaphore(%arg9 : memref<!tpu.dma_semaphore, #tpu.memory_space<semaphore_mem>>)
    %dma_wait3A_2048 = arith.constant 3 : i32
    %dma_wait3A_2049 = arith.constant 0 : i32
    %dma_wait3A_2050 = arith.constant 0 : i32
    %dma_wait3A_2051 = tpu.memref_slice %arg7[%dma_wait3A_2048, %dma_wait3A_2049, %dma_wait3A_2050] : memref<6x128x64xf32, #tpu.memory_space<vmem>> -> memref<1x128x64xf32, #tpu.memory_space<vmem>>
    %dma_wait3A_2052 = tpu.memref_squeeze %dma_wait3A_2051 : memref<1x128x64xf32, #tpu.memory_space<vmem>> -> memref<128x64xf32, #tpu.memory_space<vmem>>
    %dma_wait3A_2053 = arith.constant 0 : i32
    %dma_wait3A_2054 = tpu.memref_slice %arg4[%add3A_2034, %dma_wait3A_2053] : memref<65536x128xf32, #tpu.memory_space<hbm>> -> memref<128x64xf32, #tpu.memory_space<hbm>>
    %dma_wait3A_2055 = arith.constant 0 : i32
    %dma_wait3A_2056 = tpu.memref_slice %arg4[%add3A_2034, %dma_wait3A_2055] : memref<65536x128xf32, #tpu.memory_space<hbm>> -> memref<128x64xf32, #tpu.memory_space<hbm>>
    %dma_wait3A_2057 = arith.constant 0 : i32
    %dma_wait3A_2058 = arith.constant 0 : i32
    %dma_wait3A_2059 = tpu.memref_slice %arg7[%dma_wait3A_2048, %dma_wait3A_2057, %dma_wait3A_2058] : memref<6x128x64xf32, #tpu.memory_space<vmem>> -> memref<1x128x64xf32, #tpu.memory_space<vmem>>
    %dma_wait3A_2060 = tpu.memref_squeeze %dma_wait3A_2059 : memref<1x128x64xf32, #tpu.memory_space<vmem>> -> memref<128x64xf32, #tpu.memory_space<vmem>>
    tpu.wait_dma2 semaphore(%arg9 : memref<!tpu.dma_semaphore, #tpu.memory_space<semaphore_mem>>) src(%dma_wait3A_2060 : memref<128x64xf32, #tpu.memory_space<vmem>>) dst(%dma_wait3A_2056 : memref<128x64xf32, #tpu.memory_space<hbm>>)
    %dma_start3A_2061 = arith.constant 9 : i32
    %dma_start3A_2062 = arith.constant 3 : i32
    %dma_start3A_2063 = arith.constant 0 : i32
    %dma_start3A_2064 = arith.constant 0 : i32
    %dma_start3A_2065 = tpu.memref_slice %arg7[%dma_start3A_2062, %dma_start3A_2063, %dma_start3A_2064] : memref<6x128x64xf32, #tpu.memory_space<vmem>> -> memref<1x128x64xf32, #tpu.memory_space<vmem>>
    %dma_start3A_2066 = tpu.memref_squeeze %dma_start3A_2065 : memref<1x128x64xf32, #tpu.memory_space<vmem>> -> memref<128x64xf32, #tpu.memory_space<vmem>>
    %dma_start3A_2067 = arith.constant 0 : i32
    %dma_start3A_2068 = tpu.memref_slice %arg6[%dma_start3A_2061, %dma_start3A_2067] : memref<16x128xi32, #tpu.memory_space<vmem>> -> memref<1x128xi32, #tpu.memory_space<vmem>>
    %dma_start3A_2069 = tpu.memref_squeeze %dma_start3A_2068 : memref<1x128xi32, #tpu.memory_space<vmem>> -> memref<128xi32, #tpu.memory_space<vmem>>
    %dma_start3A_2070 = arith.constant 0 : i32
    %dma_start3A_2071 = arith.constant 0 : i32
    %dma_start3A_2072 = tpu.memref_slice %arg3[%dma_start3A_2070, %dma_start3A_2071] : memref<200000x64xf32, #tpu.memory_space<hbm>> -> memref<200000x64xf32, #tpu.memory_space<hbm>>
    tpu.enqueue_indirect_dma source(%dma_start3A_2072 : memref<200000x64xf32, #tpu.memory_space<hbm>>) target(%dma_start3A_2066 : memref<128x64xf32, #tpu.memory_space<vmem>>) offsets(%dma_start3A_2069 : memref<128xi32, #tpu.memory_space<vmem>>) semaphore(%arg8 : memref<!tpu.dma_semaphore, #tpu.memory_space<semaphore_mem>>)
    %dma_wait3A_2073 = arith.constant 4 : i32
    %dma_wait3A_2074 = arith.constant 4 : i32
    %dma_wait3A_2075 = arith.constant 0 : i32
    %dma_wait3A_2076 = arith.constant 0 : i32
    %dma_wait3A_2077 = tpu.memref_slice %arg7[%dma_wait3A_2074, %dma_wait3A_2075, %dma_wait3A_2076] : memref<6x128x64xf32, #tpu.memory_space<vmem>> -> memref<1x128x64xf32, #tpu.memory_space<vmem>>
    %dma_wait3A_2078 = tpu.memref_squeeze %dma_wait3A_2077 : memref<1x128x64xf32, #tpu.memory_space<vmem>> -> memref<128x64xf32, #tpu.memory_space<vmem>>
    %dma_wait3A_2079 = arith.constant 0 : i32
    %dma_wait3A_2080 = tpu.memref_slice %arg6[%dma_wait3A_2073, %dma_wait3A_2079] : memref<16x128xi32, #tpu.memory_space<vmem>> -> memref<1x128xi32, #tpu.memory_space<vmem>>
    %dma_wait3A_2081 = tpu.memref_squeeze %dma_wait3A_2080 : memref<1x128xi32, #tpu.memory_space<vmem>> -> memref<128xi32, #tpu.memory_space<vmem>>
    %dma_wait3A_2082 = arith.constant 0 : i32
    %dma_wait3A_2083 = arith.constant 0 : i32
    %dma_wait3A_2084 = tpu.memref_slice %arg3[%dma_wait3A_2082, %dma_wait3A_2083] : memref<200000x64xf32, #tpu.memory_space<hbm>> -> memref<200000x64xf32, #tpu.memory_space<hbm>>
    tpu.wait_indirect_dma semaphore(%arg8 : memref<!tpu.dma_semaphore, #tpu.memory_space<semaphore_mem>>) src(%dma_wait3A_2084 : memref<200000x64xf32, #tpu.memory_space<hbm>>) dst(%dma_wait3A_2078 : memref<128x64xf32, #tpu.memory_space<vmem>>)
    %add3A_2085 = arith.constant 512 : i32
    %add3A_2086 = arith.addi %mul3A_4, %add3A_2085 : i32
    %dma_start3A_2087 = arith.constant 4 : i32
    %dma_start3A_2088 = arith.constant 0 : i32
    %dma_start3A_2089 = arith.constant 0 : i32
    %dma_start3A_2090 = tpu.memref_slice %arg7[%dma_start3A_2087, %dma_start3A_2088, %dma_start3A_2089] : memref<6x128x64xf32, #tpu.memory_space<vmem>> -> memref<1x128x64xf32, #tpu.memory_space<vmem>>
    %dma_start3A_2091 = tpu.memref_squeeze %dma_start3A_2090 : memref<1x128x64xf32, #tpu.memory_space<vmem>> -> memref<128x64xf32, #tpu.memory_space<vmem>>
    %dma_start3A_2092 = arith.constant 0 : i32
    %dma_start3A_2093 = tpu.memref_slice %arg4[%add3A_2086, %dma_start3A_2092] : memref<65536x128xf32, #tpu.memory_space<hbm>> -> memref<128x64xf32, #tpu.memory_space<hbm>>
    %dma_start3A_2094 = arith.constant 0 : i32
    %dma_start3A_2095 = tpu.memref_slice %arg4[%add3A_2086, %dma_start3A_2094] : memref<65536x128xf32, #tpu.memory_space<hbm>> -> memref<128x64xf32, #tpu.memory_space<hbm>>
    %dma_start3A_2096 = arith.constant 0 : i32
    %dma_start3A_2097 = arith.constant 0 : i32
    %dma_start3A_2098 = tpu.memref_slice %arg7[%dma_start3A_2087, %dma_start3A_2096, %dma_start3A_2097] : memref<6x128x64xf32, #tpu.memory_space<vmem>> -> memref<1x128x64xf32, #tpu.memory_space<vmem>>
    %dma_start3A_2099 = tpu.memref_squeeze %dma_start3A_2098 : memref<1x128x64xf32, #tpu.memory_space<vmem>> -> memref<128x64xf32, #tpu.memory_space<vmem>>
    tpu.enqueue_dma source(%dma_start3A_2099 : memref<128x64xf32, #tpu.memory_space<vmem>>) target(%dma_start3A_2095 : memref<128x64xf32, #tpu.memory_space<hbm>>) target_semaphore(%arg9 : memref<!tpu.dma_semaphore, #tpu.memory_space<semaphore_mem>>)
    %dma_wait3A_2100 = arith.constant 4 : i32
    %dma_wait3A_2101 = arith.constant 0 : i32
    %dma_wait3A_2102 = arith.constant 0 : i32
    %dma_wait3A_2103 = tpu.memref_slice %arg7[%dma_wait3A_2100, %dma_wait3A_2101, %dma_wait3A_2102] : memref<6x128x64xf32, #tpu.memory_space<vmem>> -> memref<1x128x64xf32, #tpu.memory_space<vmem>>
    %dma_wait3A_2104 = tpu.memref_squeeze %dma_wait3A_2103 : memref<1x128x64xf32, #tpu.memory_space<vmem>> -> memref<128x64xf32, #tpu.memory_space<vmem>>
    %dma_wait3A_2105 = arith.constant 0 : i32
    %dma_wait3A_2106 = tpu.memref_slice %arg4[%add3A_2086, %dma_wait3A_2105] : memref<65536x128xf32, #tpu.memory_space<hbm>> -> memref<128x64xf32, #tpu.memory_space<hbm>>
    %dma_wait3A_2107 = arith.constant 0 : i32
    %dma_wait3A_2108 = tpu.memref_slice %arg4[%add3A_2086, %dma_wait3A_2107] : memref<65536x128xf32, #tpu.memory_space<hbm>> -> memref<128x64xf32, #tpu.memory_space<hbm>>
    %dma_wait3A_2109 = arith.constant 0 : i32
    %dma_wait3A_2110 = arith.constant 0 : i32
    %dma_wait3A_2111 = tpu.memref_slice %arg7[%dma_wait3A_2100, %dma_wait3A_2109, %dma_wait3A_2110] : memref<6x128x64xf32, #tpu.memory_space<vmem>> -> memref<1x128x64xf32, #tpu.memory_space<vmem>>
    %dma_wait3A_2112 = tpu.memref_squeeze %dma_wait3A_2111 : memref<1x128x64xf32, #tpu.memory_space<vmem>> -> memref<128x64xf32, #tpu.memory_space<vmem>>
    tpu.wait_dma2 semaphore(%arg9 : memref<!tpu.dma_semaphore, #tpu.memory_space<semaphore_mem>>) src(%dma_wait3A_2112 : memref<128x64xf32, #tpu.memory_space<vmem>>) dst(%dma_wait3A_2108 : memref<128x64xf32, #tpu.memory_space<hbm>>)
    %dma_start3A_2113 = arith.constant 10 : i32
    %dma_start3A_2114 = arith.constant 4 : i32
    %dma_start3A_2115 = arith.constant 0 : i32
    %dma_start3A_2116 = arith.constant 0 : i32
    %dma_start3A_2117 = tpu.memref_slice %arg7[%dma_start3A_2114, %dma_start3A_2115, %dma_start3A_2116] : memref<6x128x64xf32, #tpu.memory_space<vmem>> -> memref<1x128x64xf32, #tpu.memory_space<vmem>>
    %dma_start3A_2118 = tpu.memref_squeeze %dma_start3A_2117 : memref<1x128x64xf32, #tpu.memory_space<vmem>> -> memref<128x64xf32, #tpu.memory_space<vmem>>
    %dma_start3A_2119 = arith.constant 0 : i32
    %dma_start3A_2120 = tpu.memref_slice %arg6[%dma_start3A_2113, %dma_start3A_2119] : memref<16x128xi32, #tpu.memory_space<vmem>> -> memref<1x128xi32, #tpu.memory_space<vmem>>
    %dma_start3A_2121 = tpu.memref_squeeze %dma_start3A_2120 : memref<1x128xi32, #tpu.memory_space<vmem>> -> memref<128xi32, #tpu.memory_space<vmem>>
    %dma_start3A_2122 = arith.constant 0 : i32
    %dma_start3A_2123 = arith.constant 0 : i32
    %dma_start3A_2124 = tpu.memref_slice %arg3[%dma_start3A_2122, %dma_start3A_2123] : memref<200000x64xf32, #tpu.memory_space<hbm>> -> memref<200000x64xf32, #tpu.memory_space<hbm>>
    tpu.enqueue_indirect_dma source(%dma_start3A_2124 : memref<200000x64xf32, #tpu.memory_space<hbm>>) target(%dma_start3A_2118 : memref<128x64xf32, #tpu.memory_space<vmem>>) offsets(%dma_start3A_2121 : memref<128xi32, #tpu.memory_space<vmem>>) semaphore(%arg8 : memref<!tpu.dma_semaphore, #tpu.memory_space<semaphore_mem>>)
    %dma_wait3A_2125 = arith.constant 5 : i32
    %dma_wait3A_2126 = arith.constant 5 : i32
    %dma_wait3A_2127 = arith.constant 0 : i32
    %dma_wait3A_2128 = arith.constant 0 : i32
    %dma_wait3A_2129 = tpu.memref_slice %arg7[%dma_wait3A_2126, %dma_wait3A_2127, %dma_wait3A_2128] : memref<6x128x64xf32, #tpu.memory_space<vmem>> -> memref<1x128x64xf32, #tpu.memory_space<vmem>>
    %dma_wait3A_2130 = tpu.memref_squeeze %dma_wait3A_2129 : memref<1x128x64xf32, #tpu.memory_space<vmem>> -> memref<128x64xf32, #tpu.memory_space<vmem>>
    %dma_wait3A_2131 = arith.constant 0 : i32
    %dma_wait3A_2132 = tpu.memref_slice %arg6[%dma_wait3A_2125, %dma_wait3A_2131] : memref<16x128xi32, #tpu.memory_space<vmem>> -> memref<1x128xi32, #tpu.memory_space<vmem>>
    %dma_wait3A_2133 = tpu.memref_squeeze %dma_wait3A_2132 : memref<1x128xi32, #tpu.memory_space<vmem>> -> memref<128xi32, #tpu.memory_space<vmem>>
    %dma_wait3A_2134 = arith.constant 0 : i32
    %dma_wait3A_2135 = arith.constant 0 : i32
    %dma_wait3A_2136 = tpu.memref_slice %arg3[%dma_wait3A_2134, %dma_wait3A_2135] : memref<200000x64xf32, #tpu.memory_space<hbm>> -> memref<200000x64xf32, #tpu.memory_space<hbm>>
    tpu.wait_indirect_dma semaphore(%arg8 : memref<!tpu.dma_semaphore, #tpu.memory_space<semaphore_mem>>) src(%dma_wait3A_2136 : memref<200000x64xf32, #tpu.memory_space<hbm>>) dst(%dma_wait3A_2130 : memref<128x64xf32, #tpu.memory_space<vmem>>)
    %add3A_2137 = arith.constant 640 : i32
    %add3A_2138 = arith.addi %mul3A_4, %add3A_2137 : i32
    %dma_start3A_2139 = arith.constant 5 : i32
    %dma_start3A_2140 = arith.constant 0 : i32
    %dma_start3A_2141 = arith.constant 0 : i32
    %dma_start3A_2142 = tpu.memref_slice %arg7[%dma_start3A_2139, %dma_start3A_2140, %dma_start3A_2141] : memref<6x128x64xf32, #tpu.memory_space<vmem>> -> memref<1x128x64xf32, #tpu.memory_space<vmem>>
    %dma_start3A_2143 = tpu.memref_squeeze %dma_start3A_2142 : memref<1x128x64xf32, #tpu.memory_space<vmem>> -> memref<128x64xf32, #tpu.memory_space<vmem>>
    %dma_start3A_2144 = arith.constant 0 : i32
    %dma_start3A_2145 = tpu.memref_slice %arg4[%add3A_2138, %dma_start3A_2144] : memref<65536x128xf32, #tpu.memory_space<hbm>> -> memref<128x64xf32, #tpu.memory_space<hbm>>
    %dma_start3A_2146 = arith.constant 0 : i32
    %dma_start3A_2147 = tpu.memref_slice %arg4[%add3A_2138, %dma_start3A_2146] : memref<65536x128xf32, #tpu.memory_space<hbm>> -> memref<128x64xf32, #tpu.memory_space<hbm>>
    %dma_start3A_2148 = arith.constant 0 : i32
    %dma_start3A_2149 = arith.constant 0 : i32
    %dma_start3A_2150 = tpu.memref_slice %arg7[%dma_start3A_2139, %dma_start3A_2148, %dma_start3A_2149] : memref<6x128x64xf32, #tpu.memory_space<vmem>> -> memref<1x128x64xf32, #tpu.memory_space<vmem>>
    %dma_start3A_2151 = tpu.memref_squeeze %dma_start3A_2150 : memref<1x128x64xf32, #tpu.memory_space<vmem>> -> memref<128x64xf32, #tpu.memory_space<vmem>>
    tpu.enqueue_dma source(%dma_start3A_2151 : memref<128x64xf32, #tpu.memory_space<vmem>>) target(%dma_start3A_2147 : memref<128x64xf32, #tpu.memory_space<hbm>>) target_semaphore(%arg9 : memref<!tpu.dma_semaphore, #tpu.memory_space<semaphore_mem>>)
    %dma_wait3A_2152 = arith.constant 5 : i32
    %dma_wait3A_2153 = arith.constant 0 : i32
    %dma_wait3A_2154 = arith.constant 0 : i32
    %dma_wait3A_2155 = tpu.memref_slice %arg7[%dma_wait3A_2152, %dma_wait3A_2153, %dma_wait3A_2154] : memref<6x128x64xf32, #tpu.memory_space<vmem>> -> memref<1x128x64xf32, #tpu.memory_space<vmem>>
    %dma_wait3A_2156 = tpu.memref_squeeze %dma_wait3A_2155 : memref<1x128x64xf32, #tpu.memory_space<vmem>> -> memref<128x64xf32, #tpu.memory_space<vmem>>
    %dma_wait3A_2157 = arith.constant 0 : i32
    %dma_wait3A_2158 = tpu.memref_slice %arg4[%add3A_2138, %dma_wait3A_2157] : memref<65536x128xf32, #tpu.memory_space<hbm>> -> memref<128x64xf32, #tpu.memory_space<hbm>>
    %dma_wait3A_2159 = arith.constant 0 : i32
    %dma_wait3A_2160 = tpu.memref_slice %arg4[%add3A_2138, %dma_wait3A_2159] : memref<65536x128xf32, #tpu.memory_space<hbm>> -> memref<128x64xf32, #tpu.memory_space<hbm>>
    %dma_wait3A_2161 = arith.constant 0 : i32
    %dma_wait3A_2162 = arith.constant 0 : i32
    %dma_wait3A_2163 = tpu.memref_slice %arg7[%dma_wait3A_2152, %dma_wait3A_2161, %dma_wait3A_2162] : memref<6x128x64xf32, #tpu.memory_space<vmem>> -> memref<1x128x64xf32, #tpu.memory_space<vmem>>
    %dma_wait3A_2164 = tpu.memref_squeeze %dma_wait3A_2163 : memref<1x128x64xf32, #tpu.memory_space<vmem>> -> memref<128x64xf32, #tpu.memory_space<vmem>>
    tpu.wait_dma2 semaphore(%arg9 : memref<!tpu.dma_semaphore, #tpu.memory_space<semaphore_mem>>) src(%dma_wait3A_2164 : memref<128x64xf32, #tpu.memory_space<vmem>>) dst(%dma_wait3A_2160 : memref<128x64xf32, #tpu.memory_space<hbm>>)
    %dma_start3A_2165 = arith.constant 11 : i32
    %dma_start3A_2166 = arith.constant 5 : i32
    %dma_start3A_2167 = arith.constant 0 : i32
    %dma_start3A_2168 = arith.constant 0 : i32
    %dma_start3A_2169 = tpu.memref_slice %arg7[%dma_start3A_2166, %dma_start3A_2167, %dma_start3A_2168] : memref<6x128x64xf32, #tpu.memory_space<vmem>> -> memref<1x128x64xf32, #tpu.memory_space<vmem>>
    %dma_start3A_2170 = tpu.memref_squeeze %dma_start3A_2169 : memref<1x128x64xf32, #tpu.memory_space<vmem>> -> memref<128x64xf32, #tpu.memory_space<vmem>>
    %dma_start3A_2171 = arith.constant 0 : i32
    %dma_start3A_2172 = tpu.memref_slice %arg6[%dma_start3A_2165, %dma_start3A_2171] : memref<16x128xi32, #tpu.memory_space<vmem>> -> memref<1x128xi32, #tpu.memory_space<vmem>>
    %dma_start3A_2173 = tpu.memref_squeeze %dma_start3A_2172 : memref<1x128xi32, #tpu.memory_space<vmem>> -> memref<128xi32, #tpu.memory_space<vmem>>
    %dma_start3A_2174 = arith.constant 0 : i32
    %dma_start3A_2175 = arith.constant 0 : i32
    %dma_start3A_2176 = tpu.memref_slice %arg3[%dma_start3A_2174, %dma_start3A_2175] : memref<200000x64xf32, #tpu.memory_space<hbm>> -> memref<200000x64xf32, #tpu.memory_space<hbm>>
    tpu.enqueue_indirect_dma source(%dma_start3A_2176 : memref<200000x64xf32, #tpu.memory_space<hbm>>) target(%dma_start3A_2170 : memref<128x64xf32, #tpu.memory_space<vmem>>) offsets(%dma_start3A_2173 : memref<128xi32, #tpu.memory_space<vmem>>) semaphore(%arg8 : memref<!tpu.dma_semaphore, #tpu.memory_space<semaphore_mem>>)
    %dma_wait3A_2177 = arith.constant 6 : i32
    %dma_wait3A_2178 = arith.constant 0 : i32
    %dma_wait3A_2179 = arith.constant 0 : i32
    %dma_wait3A_2180 = arith.constant 0 : i32
    %dma_wait3A_2181 = tpu.memref_slice %arg7[%dma_wait3A_2178, %dma_wait3A_2179, %dma_wait3A_2180] : memref<6x128x64xf32, #tpu.memory_space<vmem>> -> memref<1x128x64xf32, #tpu.memory_space<vmem>>
    %dma_wait3A_2182 = tpu.memref_squeeze %dma_wait3A_2181 : memref<1x128x64xf32, #tpu.memory_space<vmem>> -> memref<128x64xf32, #tpu.memory_space<vmem>>
    %dma_wait3A_2183 = arith.constant 0 : i32
    %dma_wait3A_2184 = tpu.memref_slice %arg6[%dma_wait3A_2177, %dma_wait3A_2183] : memref<16x128xi32, #tpu.memory_space<vmem>> -> memref<1x128xi32, #tpu.memory_space<vmem>>
    %dma_wait3A_2185 = tpu.memref_squeeze %dma_wait3A_2184 : memref<1x128xi32, #tpu.memory_space<vmem>> -> memref<128xi32, #tpu.memory_space<vmem>>
    %dma_wait3A_2186 = arith.constant 0 : i32
    %dma_wait3A_2187 = arith.constant 0 : i32
    %dma_wait3A_2188 = tpu.memref_slice %arg3[%dma_wait3A_2186, %dma_wait3A_2187] : memref<200000x64xf32, #tpu.memory_space<hbm>> -> memref<200000x64xf32, #tpu.memory_space<hbm>>
    tpu.wait_indirect_dma semaphore(%arg8 : memref<!tpu.dma_semaphore, #tpu.memory_space<semaphore_mem>>) src(%dma_wait3A_2188 : memref<200000x64xf32, #tpu.memory_space<hbm>>) dst(%dma_wait3A_2182 : memref<128x64xf32, #tpu.memory_space<vmem>>)
    %add3A_2189 = arith.constant 768 : i32
    %add3A_2190 = arith.addi %mul3A_4, %add3A_2189 : i32
    %dma_start3A_2191 = arith.constant 0 : i32
    %dma_start3A_2192 = arith.constant 0 : i32
    %dma_start3A_2193 = arith.constant 0 : i32
    %dma_start3A_2194 = tpu.memref_slice %arg7[%dma_start3A_2191, %dma_start3A_2192, %dma_start3A_2193] : memref<6x128x64xf32, #tpu.memory_space<vmem>> -> memref<1x128x64xf32, #tpu.memory_space<vmem>>
    %dma_start3A_2195 = tpu.memref_squeeze %dma_start3A_2194 : memref<1x128x64xf32, #tpu.memory_space<vmem>> -> memref<128x64xf32, #tpu.memory_space<vmem>>
    %dma_start3A_2196 = arith.constant 0 : i32
    %dma_start3A_2197 = tpu.memref_slice %arg4[%add3A_2190, %dma_start3A_2196] : memref<65536x128xf32, #tpu.memory_space<hbm>> -> memref<128x64xf32, #tpu.memory_space<hbm>>
    %dma_start3A_2198 = arith.constant 0 : i32
    %dma_start3A_2199 = tpu.memref_slice %arg4[%add3A_2190, %dma_start3A_2198] : memref<65536x128xf32, #tpu.memory_space<hbm>> -> memref<128x64xf32, #tpu.memory_space<hbm>>
    %dma_start3A_2200 = arith.constant 0 : i32
    %dma_start3A_2201 = arith.constant 0 : i32
    %dma_start3A_2202 = tpu.memref_slice %arg7[%dma_start3A_2191, %dma_start3A_2200, %dma_start3A_2201] : memref<6x128x64xf32, #tpu.memory_space<vmem>> -> memref<1x128x64xf32, #tpu.memory_space<vmem>>
    %dma_start3A_2203 = tpu.memref_squeeze %dma_start3A_2202 : memref<1x128x64xf32, #tpu.memory_space<vmem>> -> memref<128x64xf32, #tpu.memory_space<vmem>>
    tpu.enqueue_dma source(%dma_start3A_2203 : memref<128x64xf32, #tpu.memory_space<vmem>>) target(%dma_start3A_2199 : memref<128x64xf32, #tpu.memory_space<hbm>>) target_semaphore(%arg9 : memref<!tpu.dma_semaphore, #tpu.memory_space<semaphore_mem>>)
    %dma_wait3A_2204 = arith.constant 0 : i32
    %dma_wait3A_2205 = arith.constant 0 : i32
    %dma_wait3A_2206 = arith.constant 0 : i32
    %dma_wait3A_2207 = tpu.memref_slice %arg7[%dma_wait3A_2204, %dma_wait3A_2205, %dma_wait3A_2206] : memref<6x128x64xf32, #tpu.memory_space<vmem>> -> memref<1x128x64xf32, #tpu.memory_space<vmem>>
    %dma_wait3A_2208 = tpu.memref_squeeze %dma_wait3A_2207 : memref<1x128x64xf32, #tpu.memory_space<vmem>> -> memref<128x64xf32, #tpu.memory_space<vmem>>
    %dma_wait3A_2209 = arith.constant 0 : i32
    %dma_wait3A_2210 = tpu.memref_slice %arg4[%add3A_2190, %dma_wait3A_2209] : memref<65536x128xf32, #tpu.memory_space<hbm>> -> memref<128x64xf32, #tpu.memory_space<hbm>>
    %dma_wait3A_2211 = arith.constant 0 : i32
    %dma_wait3A_2212 = tpu.memref_slice %arg4[%add3A_2190, %dma_wait3A_2211] : memref<65536x128xf32, #tpu.memory_space<hbm>> -> memref<128x64xf32, #tpu.memory_space<hbm>>
    %dma_wait3A_2213 = arith.constant 0 : i32
    %dma_wait3A_2214 = arith.constant 0 : i32
    %dma_wait3A_2215 = tpu.memref_slice %arg7[%dma_wait3A_2204, %dma_wait3A_2213, %dma_wait3A_2214] : memref<6x128x64xf32, #tpu.memory_space<vmem>> -> memref<1x128x64xf32, #tpu.memory_space<vmem>>
    %dma_wait3A_2216 = tpu.memref_squeeze %dma_wait3A_2215 : memref<1x128x64xf32, #tpu.memory_space<vmem>> -> memref<128x64xf32, #tpu.memory_space<vmem>>
    tpu.wait_dma2 semaphore(%arg9 : memref<!tpu.dma_semaphore, #tpu.memory_space<semaphore_mem>>) src(%dma_wait3A_2216 : memref<128x64xf32, #tpu.memory_space<vmem>>) dst(%dma_wait3A_2212 : memref<128x64xf32, #tpu.memory_space<hbm>>)
    %dma_start3A_2217 = arith.constant 12 : i32
    %dma_start3A_2218 = arith.constant 0 : i32
    %dma_start3A_2219 = arith.constant 0 : i32
    %dma_start3A_2220 = arith.constant 0 : i32
    %dma_start3A_2221 = tpu.memref_slice %arg7[%dma_start3A_2218, %dma_start3A_2219, %dma_start3A_2220] : memref<6x128x64xf32, #tpu.memory_space<vmem>> -> memref<1x128x64xf32, #tpu.memory_space<vmem>>
    %dma_start3A_2222 = tpu.memref_squeeze %dma_start3A_2221 : memref<1x128x64xf32, #tpu.memory_space<vmem>> -> memref<128x64xf32, #tpu.memory_space<vmem>>
    %dma_start3A_2223 = arith.constant 0 : i32
    %dma_start3A_2224 = tpu.memref_slice %arg6[%dma_start3A_2217, %dma_start3A_2223] : memref<16x128xi32, #tpu.memory_space<vmem>> -> memref<1x128xi32, #tpu.memory_space<vmem>>
    %dma_start3A_2225 = tpu.memref_squeeze %dma_start3A_2224 : memref<1x128xi32, #tpu.memory_space<vmem>> -> memref<128xi32, #tpu.memory_space<vmem>>
    %dma_start3A_2226 = arith.constant 0 : i32
    %dma_start3A_2227 = arith.constant 0 : i32
    %dma_start3A_2228 = tpu.memref_slice %arg3[%dma_start3A_2226, %dma_start3A_2227] : memref<200000x64xf32, #tpu.memory_space<hbm>> -> memref<200000x64xf32, #tpu.memory_space<hbm>>
    tpu.enqueue_indirect_dma source(%dma_start3A_2228 : memref<200000x64xf32, #tpu.memory_space<hbm>>) target(%dma_start3A_2222 : memref<128x64xf32, #tpu.memory_space<vmem>>) offsets(%dma_start3A_2225 : memref<128xi32, #tpu.memory_space<vmem>>) semaphore(%arg8 : memref<!tpu.dma_semaphore, #tpu.memory_space<semaphore_mem>>)
    %dma_wait3A_2229 = arith.constant 7 : i32
    %dma_wait3A_2230 = arith.constant 1 : i32
    %dma_wait3A_2231 = arith.constant 0 : i32
    %dma_wait3A_2232 = arith.constant 0 : i32
    %dma_wait3A_2233 = tpu.memref_slice %arg7[%dma_wait3A_2230, %dma_wait3A_2231, %dma_wait3A_2232] : memref<6x128x64xf32, #tpu.memory_space<vmem>> -> memref<1x128x64xf32, #tpu.memory_space<vmem>>
    %dma_wait3A_2234 = tpu.memref_squeeze %dma_wait3A_2233 : memref<1x128x64xf32, #tpu.memory_space<vmem>> -> memref<128x64xf32, #tpu.memory_space<vmem>>
    %dma_wait3A_2235 = arith.constant 0 : i32
    %dma_wait3A_2236 = tpu.memref_slice %arg6[%dma_wait3A_2229, %dma_wait3A_2235] : memref<16x128xi32, #tpu.memory_space<vmem>> -> memref<1x128xi32, #tpu.memory_space<vmem>>
    %dma_wait3A_2237 = tpu.memref_squeeze %dma_wait3A_2236 : memref<1x128xi32, #tpu.memory_space<vmem>> -> memref<128xi32, #tpu.memory_space<vmem>>
    %dma_wait3A_2238 = arith.constant 0 : i32
    %dma_wait3A_2239 = arith.constant 0 : i32
    %dma_wait3A_2240 = tpu.memref_slice %arg3[%dma_wait3A_2238, %dma_wait3A_2239] : memref<200000x64xf32, #tpu.memory_space<hbm>> -> memref<200000x64xf32, #tpu.memory_space<hbm>>
    tpu.wait_indirect_dma semaphore(%arg8 : memref<!tpu.dma_semaphore, #tpu.memory_space<semaphore_mem>>) src(%dma_wait3A_2240 : memref<200000x64xf32, #tpu.memory_space<hbm>>) dst(%dma_wait3A_2234 : memref<128x64xf32, #tpu.memory_space<vmem>>)
    %add3A_2241 = arith.constant 896 : i32
    %add3A_2242 = arith.addi %mul3A_4, %add3A_2241 : i32
    %dma_start3A_2243 = arith.constant 1 : i32
    %dma_start3A_2244 = arith.constant 0 : i32
    %dma_start3A_2245 = arith.constant 0 : i32
    %dma_start3A_2246 = tpu.memref_slice %arg7[%dma_start3A_2243, %dma_start3A_2244, %dma_start3A_2245] : memref<6x128x64xf32, #tpu.memory_space<vmem>> -> memref<1x128x64xf32, #tpu.memory_space<vmem>>
    %dma_start3A_2247 = tpu.memref_squeeze %dma_start3A_2246 : memref<1x128x64xf32, #tpu.memory_space<vmem>> -> memref<128x64xf32, #tpu.memory_space<vmem>>
    %dma_start3A_2248 = arith.constant 0 : i32
    %dma_start3A_2249 = tpu.memref_slice %arg4[%add3A_2242, %dma_start3A_2248] : memref<65536x128xf32, #tpu.memory_space<hbm>> -> memref<128x64xf32, #tpu.memory_space<hbm>>
    %dma_start3A_2250 = arith.constant 0 : i32
    %dma_start3A_2251 = tpu.memref_slice %arg4[%add3A_2242, %dma_start3A_2250] : memref<65536x128xf32, #tpu.memory_space<hbm>> -> memref<128x64xf32, #tpu.memory_space<hbm>>
    %dma_start3A_2252 = arith.constant 0 : i32
    %dma_start3A_2253 = arith.constant 0 : i32
    %dma_start3A_2254 = tpu.memref_slice %arg7[%dma_start3A_2243, %dma_start3A_2252, %dma_start3A_2253] : memref<6x128x64xf32, #tpu.memory_space<vmem>> -> memref<1x128x64xf32, #tpu.memory_space<vmem>>
    %dma_start3A_2255 = tpu.memref_squeeze %dma_start3A_2254 : memref<1x128x64xf32, #tpu.memory_space<vmem>> -> memref<128x64xf32, #tpu.memory_space<vmem>>
    tpu.enqueue_dma source(%dma_start3A_2255 : memref<128x64xf32, #tpu.memory_space<vmem>>) target(%dma_start3A_2251 : memref<128x64xf32, #tpu.memory_space<hbm>>) target_semaphore(%arg9 : memref<!tpu.dma_semaphore, #tpu.memory_space<semaphore_mem>>)
    %dma_wait3A_2256 = arith.constant 1 : i32
    %dma_wait3A_2257 = arith.constant 0 : i32
    %dma_wait3A_2258 = arith.constant 0 : i32
    %dma_wait3A_2259 = tpu.memref_slice %arg7[%dma_wait3A_2256, %dma_wait3A_2257, %dma_wait3A_2258] : memref<6x128x64xf32, #tpu.memory_space<vmem>> -> memref<1x128x64xf32, #tpu.memory_space<vmem>>
    %dma_wait3A_2260 = tpu.memref_squeeze %dma_wait3A_2259 : memref<1x128x64xf32, #tpu.memory_space<vmem>> -> memref<128x64xf32, #tpu.memory_space<vmem>>
    %dma_wait3A_2261 = arith.constant 0 : i32
    %dma_wait3A_2262 = tpu.memref_slice %arg4[%add3A_2242, %dma_wait3A_2261] : memref<65536x128xf32, #tpu.memory_space<hbm>> -> memref<128x64xf32, #tpu.memory_space<hbm>>
    %dma_wait3A_2263 = arith.constant 0 : i32
    %dma_wait3A_2264 = tpu.memref_slice %arg4[%add3A_2242, %dma_wait3A_2263] : memref<65536x128xf32, #tpu.memory_space<hbm>> -> memref<128x64xf32, #tpu.memory_space<hbm>>
    %dma_wait3A_2265 = arith.constant 0 : i32
    %dma_wait3A_2266 = arith.constant 0 : i32
    %dma_wait3A_2267 = tpu.memref_slice %arg7[%dma_wait3A_2256, %dma_wait3A_2265, %dma_wait3A_2266] : memref<6x128x64xf32, #tpu.memory_space<vmem>> -> memref<1x128x64xf32, #tpu.memory_space<vmem>>
    %dma_wait3A_2268 = tpu.memref_squeeze %dma_wait3A_2267 : memref<1x128x64xf32, #tpu.memory_space<vmem>> -> memref<128x64xf32, #tpu.memory_space<vmem>>
    tpu.wait_dma2 semaphore(%arg9 : memref<!tpu.dma_semaphore, #tpu.memory_space<semaphore_mem>>) src(%dma_wait3A_2268 : memref<128x64xf32, #tpu.memory_space<vmem>>) dst(%dma_wait3A_2264 : memref<128x64xf32, #tpu.memory_space<hbm>>)
    %dma_start3A_2269 = arith.constant 13 : i32
    %dma_start3A_2270 = arith.constant 1 : i32
    %dma_start3A_2271 = arith.constant 0 : i32
    %dma_start3A_2272 = arith.constant 0 : i32
    %dma_start3A_2273 = tpu.memref_slice %arg7[%dma_start3A_2270, %dma_start3A_2271, %dma_start3A_2272] : memref<6x128x64xf32, #tpu.memory_space<vmem>> -> memref<1x128x64xf32, #tpu.memory_space<vmem>>
    %dma_start3A_2274 = tpu.memref_squeeze %dma_start3A_2273 : memref<1x128x64xf32, #tpu.memory_space<vmem>> -> memref<128x64xf32, #tpu.memory_space<vmem>>
    %dma_start3A_2275 = arith.constant 0 : i32
    %dma_start3A_2276 = tpu.memref_slice %arg6[%dma_start3A_2269, %dma_start3A_2275] : memref<16x128xi32, #tpu.memory_space<vmem>> -> memref<1x128xi32, #tpu.memory_space<vmem>>
    %dma_start3A_2277 = tpu.memref_squeeze %dma_start3A_2276 : memref<1x128xi32, #tpu.memory_space<vmem>> -> memref<128xi32, #tpu.memory_space<vmem>>
    %dma_start3A_2278 = arith.constant 0 : i32
    %dma_start3A_2279 = arith.constant 0 : i32
    %dma_start3A_2280 = tpu.memref_slice %arg3[%dma_start3A_2278, %dma_start3A_2279] : memref<200000x64xf32, #tpu.memory_space<hbm>> -> memref<200000x64xf32, #tpu.memory_space<hbm>>
    tpu.enqueue_indirect_dma source(%dma_start3A_2280 : memref<200000x64xf32, #tpu.memory_space<hbm>>) target(%dma_start3A_2274 : memref<128x64xf32, #tpu.memory_space<vmem>>) offsets(%dma_start3A_2277 : memref<128xi32, #tpu.memory_space<vmem>>) semaphore(%arg8 : memref<!tpu.dma_semaphore, #tpu.memory_space<semaphore_mem>>)
    %dma_wait3A_2281 = arith.constant 8 : i32
    %dma_wait3A_2282 = arith.constant 2 : i32
    %dma_wait3A_2283 = arith.constant 0 : i32
    %dma_wait3A_2284 = arith.constant 0 : i32
    %dma_wait3A_2285 = tpu.memref_slice %arg7[%dma_wait3A_2282, %dma_wait3A_2283, %dma_wait3A_2284] : memref<6x128x64xf32, #tpu.memory_space<vmem>> -> memref<1x128x64xf32, #tpu.memory_space<vmem>>
    %dma_wait3A_2286 = tpu.memref_squeeze %dma_wait3A_2285 : memref<1x128x64xf32, #tpu.memory_space<vmem>> -> memref<128x64xf32, #tpu.memory_space<vmem>>
    %dma_wait3A_2287 = arith.constant 0 : i32
    %dma_wait3A_2288 = tpu.memref_slice %arg6[%dma_wait3A_2281, %dma_wait3A_2287] : memref<16x128xi32, #tpu.memory_space<vmem>> -> memref<1x128xi32, #tpu.memory_space<vmem>>
    %dma_wait3A_2289 = tpu.memref_squeeze %dma_wait3A_2288 : memref<1x128xi32, #tpu.memory_space<vmem>> -> memref<128xi32, #tpu.memory_space<vmem>>
    %dma_wait3A_2290 = arith.constant 0 : i32
    %dma_wait3A_2291 = arith.constant 0 : i32
    %dma_wait3A_2292 = tpu.memref_slice %arg3[%dma_wait3A_2290, %dma_wait3A_2291] : memref<200000x64xf32, #tpu.memory_space<hbm>> -> memref<200000x64xf32, #tpu.memory_space<hbm>>
    tpu.wait_indirect_dma semaphore(%arg8 : memref<!tpu.dma_semaphore, #tpu.memory_space<semaphore_mem>>) src(%dma_wait3A_2292 : memref<200000x64xf32, #tpu.memory_space<hbm>>) dst(%dma_wait3A_2286 : memref<128x64xf32, #tpu.memory_space<vmem>>)
    %add3A_2293 = arith.constant 1024 : i32
    %add3A_2294 = arith.addi %mul3A_4, %add3A_2293 : i32
    %dma_start3A_2295 = arith.constant 2 : i32
    %dma_start3A_2296 = arith.constant 0 : i32
    %dma_start3A_2297 = arith.constant 0 : i32
    %dma_start3A_2298 = tpu.memref_slice %arg7[%dma_start3A_2295, %dma_start3A_2296, %dma_start3A_2297] : memref<6x128x64xf32, #tpu.memory_space<vmem>> -> memref<1x128x64xf32, #tpu.memory_space<vmem>>
    %dma_start3A_2299 = tpu.memref_squeeze %dma_start3A_2298 : memref<1x128x64xf32, #tpu.memory_space<vmem>> -> memref<128x64xf32, #tpu.memory_space<vmem>>
    %dma_start3A_2300 = arith.constant 0 : i32
    %dma_start3A_2301 = tpu.memref_slice %arg4[%add3A_2294, %dma_start3A_2300] : memref<65536x128xf32, #tpu.memory_space<hbm>> -> memref<128x64xf32, #tpu.memory_space<hbm>>
    %dma_start3A_2302 = arith.constant 0 : i32
    %dma_start3A_2303 = tpu.memref_slice %arg4[%add3A_2294, %dma_start3A_2302] : memref<65536x128xf32, #tpu.memory_space<hbm>> -> memref<128x64xf32, #tpu.memory_space<hbm>>
    %dma_start3A_2304 = arith.constant 0 : i32
    %dma_start3A_2305 = arith.constant 0 : i32
    %dma_start3A_2306 = tpu.memref_slice %arg7[%dma_start3A_2295, %dma_start3A_2304, %dma_start3A_2305] : memref<6x128x64xf32, #tpu.memory_space<vmem>> -> memref<1x128x64xf32, #tpu.memory_space<vmem>>
    %dma_start3A_2307 = tpu.memref_squeeze %dma_start3A_2306 : memref<1x128x64xf32, #tpu.memory_space<vmem>> -> memref<128x64xf32, #tpu.memory_space<vmem>>
    tpu.enqueue_dma source(%dma_start3A_2307 : memref<128x64xf32, #tpu.memory_space<vmem>>) target(%dma_start3A_2303 : memref<128x64xf32, #tpu.memory_space<hbm>>) target_semaphore(%arg9 : memref<!tpu.dma_semaphore, #tpu.memory_space<semaphore_mem>>)
    %dma_wait3A_2308 = arith.constant 2 : i32
    %dma_wait3A_2309 = arith.constant 0 : i32
    %dma_wait3A_2310 = arith.constant 0 : i32
    %dma_wait3A_2311 = tpu.memref_slice %arg7[%dma_wait3A_2308, %dma_wait3A_2309, %dma_wait3A_2310] : memref<6x128x64xf32, #tpu.memory_space<vmem>> -> memref<1x128x64xf32, #tpu.memory_space<vmem>>
    %dma_wait3A_2312 = tpu.memref_squeeze %dma_wait3A_2311 : memref<1x128x64xf32, #tpu.memory_space<vmem>> -> memref<128x64xf32, #tpu.memory_space<vmem>>
    %dma_wait3A_2313 = arith.constant 0 : i32
    %dma_wait3A_2314 = tpu.memref_slice %arg4[%add3A_2294, %dma_wait3A_2313] : memref<65536x128xf32, #tpu.memory_space<hbm>> -> memref<128x64xf32, #tpu.memory_space<hbm>>
    %dma_wait3A_2315 = arith.constant 0 : i32
    %dma_wait3A_2316 = tpu.memref_slice %arg4[%add3A_2294, %dma_wait3A_2315] : memref<65536x128xf32, #tpu.memory_space<hbm>> -> memref<128x64xf32, #tpu.memory_space<hbm>>
    %dma_wait3A_2317 = arith.constant 0 : i32
    %dma_wait3A_2318 = arith.constant 0 : i32
    %dma_wait3A_2319 = tpu.memref_slice %arg7[%dma_wait3A_2308, %dma_wait3A_2317, %dma_wait3A_2318] : memref<6x128x64xf32, #tpu.memory_space<vmem>> -> memref<1x128x64xf32, #tpu.memory_space<vmem>>
    %dma_wait3A_2320 = tpu.memref_squeeze %dma_wait3A_2319 : memref<1x128x64xf32, #tpu.memory_space<vmem>> -> memref<128x64xf32, #tpu.memory_space<vmem>>
    tpu.wait_dma2 semaphore(%arg9 : memref<!tpu.dma_semaphore, #tpu.memory_space<semaphore_mem>>) src(%dma_wait3A_2320 : memref<128x64xf32, #tpu.memory_space<vmem>>) dst(%dma_wait3A_2316 : memref<128x64xf32, #tpu.memory_space<hbm>>)
    %dma_start3A_2321 = arith.constant 14 : i32
    %dma_start3A_2322 = arith.constant 2 : i32
    %dma_start3A_2323 = arith.constant 0 : i32
    %dma_start3A_2324 = arith.constant 0 : i32
    %dma_start3A_2325 = tpu.memref_slice %arg7[%dma_start3A_2322, %dma_start3A_2323, %dma_start3A_2324] : memref<6x128x64xf32, #tpu.memory_space<vmem>> -> memref<1x128x64xf32, #tpu.memory_space<vmem>>
    %dma_start3A_2326 = tpu.memref_squeeze %dma_start3A_2325 : memref<1x128x64xf32, #tpu.memory_space<vmem>> -> memref<128x64xf32, #tpu.memory_space<vmem>>
    %dma_start3A_2327 = arith.constant 0 : i32
    %dma_start3A_2328 = tpu.memref_slice %arg6[%dma_start3A_2321, %dma_start3A_2327] : memref<16x128xi32, #tpu.memory_space<vmem>> -> memref<1x128xi32, #tpu.memory_space<vmem>>
    %dma_start3A_2329 = tpu.memref_squeeze %dma_start3A_2328 : memref<1x128xi32, #tpu.memory_space<vmem>> -> memref<128xi32, #tpu.memory_space<vmem>>
    %dma_start3A_2330 = arith.constant 0 : i32
    %dma_start3A_2331 = arith.constant 0 : i32
    %dma_start3A_2332 = tpu.memref_slice %arg3[%dma_start3A_2330, %dma_start3A_2331] : memref<200000x64xf32, #tpu.memory_space<hbm>> -> memref<200000x64xf32, #tpu.memory_space<hbm>>
    tpu.enqueue_indirect_dma source(%dma_start3A_2332 : memref<200000x64xf32, #tpu.memory_space<hbm>>) target(%dma_start3A_2326 : memref<128x64xf32, #tpu.memory_space<vmem>>) offsets(%dma_start3A_2329 : memref<128xi32, #tpu.memory_space<vmem>>) semaphore(%arg8 : memref<!tpu.dma_semaphore, #tpu.memory_space<semaphore_mem>>)
    %dma_wait3A_2333 = arith.constant 9 : i32
    %dma_wait3A_2334 = arith.constant 3 : i32
    %dma_wait3A_2335 = arith.constant 0 : i32
    %dma_wait3A_2336 = arith.constant 0 : i32
    %dma_wait3A_2337 = tpu.memref_slice %arg7[%dma_wait3A_2334, %dma_wait3A_2335, %dma_wait3A_2336] : memref<6x128x64xf32, #tpu.memory_space<vmem>> -> memref<1x128x64xf32, #tpu.memory_space<vmem>>
    %dma_wait3A_2338 = tpu.memref_squeeze %dma_wait3A_2337 : memref<1x128x64xf32, #tpu.memory_space<vmem>> -> memref<128x64xf32, #tpu.memory_space<vmem>>
    %dma_wait3A_2339 = arith.constant 0 : i32
    %dma_wait3A_2340 = tpu.memref_slice %arg6[%dma_wait3A_2333, %dma_wait3A_2339] : memref<16x128xi32, #tpu.memory_space<vmem>> -> memref<1x128xi32, #tpu.memory_space<vmem>>
    %dma_wait3A_2341 = tpu.memref_squeeze %dma_wait3A_2340 : memref<1x128xi32, #tpu.memory_space<vmem>> -> memref<128xi32, #tpu.memory_space<vmem>>
    %dma_wait3A_2342 = arith.constant 0 : i32
    %dma_wait3A_2343 = arith.constant 0 : i32
    %dma_wait3A_2344 = tpu.memref_slice %arg3[%dma_wait3A_2342, %dma_wait3A_2343] : memref<200000x64xf32, #tpu.memory_space<hbm>> -> memref<200000x64xf32, #tpu.memory_space<hbm>>
    tpu.wait_indirect_dma semaphore(%arg8 : memref<!tpu.dma_semaphore, #tpu.memory_space<semaphore_mem>>) src(%dma_wait3A_2344 : memref<200000x64xf32, #tpu.memory_space<hbm>>) dst(%dma_wait3A_2338 : memref<128x64xf32, #tpu.memory_space<vmem>>)
    %add3A_2345 = arith.constant 1152 : i32
    %add3A_2346 = arith.addi %mul3A_4, %add3A_2345 : i32
    %dma_start3A_2347 = arith.constant 3 : i32
    %dma_start3A_2348 = arith.constant 0 : i32
    %dma_start3A_2349 = arith.constant 0 : i32
    %dma_start3A_2350 = tpu.memref_slice %arg7[%dma_start3A_2347, %dma_start3A_2348, %dma_start3A_2349] : memref<6x128x64xf32, #tpu.memory_space<vmem>> -> memref<1x128x64xf32, #tpu.memory_space<vmem>>
    %dma_start3A_2351 = tpu.memref_squeeze %dma_start3A_2350 : memref<1x128x64xf32, #tpu.memory_space<vmem>> -> memref<128x64xf32, #tpu.memory_space<vmem>>
    %dma_start3A_2352 = arith.constant 0 : i32
    %dma_start3A_2353 = tpu.memref_slice %arg4[%add3A_2346, %dma_start3A_2352] : memref<65536x128xf32, #tpu.memory_space<hbm>> -> memref<128x64xf32, #tpu.memory_space<hbm>>
    %dma_start3A_2354 = arith.constant 0 : i32
    %dma_start3A_2355 = tpu.memref_slice %arg4[%add3A_2346, %dma_start3A_2354] : memref<65536x128xf32, #tpu.memory_space<hbm>> -> memref<128x64xf32, #tpu.memory_space<hbm>>
    %dma_start3A_2356 = arith.constant 0 : i32
    %dma_start3A_2357 = arith.constant 0 : i32
    %dma_start3A_2358 = tpu.memref_slice %arg7[%dma_start3A_2347, %dma_start3A_2356, %dma_start3A_2357] : memref<6x128x64xf32, #tpu.memory_space<vmem>> -> memref<1x128x64xf32, #tpu.memory_space<vmem>>
    %dma_start3A_2359 = tpu.memref_squeeze %dma_start3A_2358 : memref<1x128x64xf32, #tpu.memory_space<vmem>> -> memref<128x64xf32, #tpu.memory_space<vmem>>
    tpu.enqueue_dma source(%dma_start3A_2359 : memref<128x64xf32, #tpu.memory_space<vmem>>) target(%dma_start3A_2355 : memref<128x64xf32, #tpu.memory_space<hbm>>) target_semaphore(%arg9 : memref<!tpu.dma_semaphore, #tpu.memory_space<semaphore_mem>>)
    %dma_wait3A_2360 = arith.constant 3 : i32
    %dma_wait3A_2361 = arith.constant 0 : i32
    %dma_wait3A_2362 = arith.constant 0 : i32
    %dma_wait3A_2363 = tpu.memref_slice %arg7[%dma_wait3A_2360, %dma_wait3A_2361, %dma_wait3A_2362] : memref<6x128x64xf32, #tpu.memory_space<vmem>> -> memref<1x128x64xf32, #tpu.memory_space<vmem>>
    %dma_wait3A_2364 = tpu.memref_squeeze %dma_wait3A_2363 : memref<1x128x64xf32, #tpu.memory_space<vmem>> -> memref<128x64xf32, #tpu.memory_space<vmem>>
    %dma_wait3A_2365 = arith.constant 0 : i32
    %dma_wait3A_2366 = tpu.memref_slice %arg4[%add3A_2346, %dma_wait3A_2365] : memref<65536x128xf32, #tpu.memory_space<hbm>> -> memref<128x64xf32, #tpu.memory_space<hbm>>
    %dma_wait3A_2367 = arith.constant 0 : i32
    %dma_wait3A_2368 = tpu.memref_slice %arg4[%add3A_2346, %dma_wait3A_2367] : memref<65536x128xf32, #tpu.memory_space<hbm>> -> memref<128x64xf32, #tpu.memory_space<hbm>>
    %dma_wait3A_2369 = arith.constant 0 : i32
    %dma_wait3A_2370 = arith.constant 0 : i32
    %dma_wait3A_2371 = tpu.memref_slice %arg7[%dma_wait3A_2360, %dma_wait3A_2369, %dma_wait3A_2370] : memref<6x128x64xf32, #tpu.memory_space<vmem>> -> memref<1x128x64xf32, #tpu.memory_space<vmem>>
    %dma_wait3A_2372 = tpu.memref_squeeze %dma_wait3A_2371 : memref<1x128x64xf32, #tpu.memory_space<vmem>> -> memref<128x64xf32, #tpu.memory_space<vmem>>
    tpu.wait_dma2 semaphore(%arg9 : memref<!tpu.dma_semaphore, #tpu.memory_space<semaphore_mem>>) src(%dma_wait3A_2372 : memref<128x64xf32, #tpu.memory_space<vmem>>) dst(%dma_wait3A_2368 : memref<128x64xf32, #tpu.memory_space<hbm>>)
    %dma_start3A_2373 = arith.constant 15 : i32
    %dma_start3A_2374 = arith.constant 3 : i32
    %dma_start3A_2375 = arith.constant 0 : i32
    %dma_start3A_2376 = arith.constant 0 : i32
    %dma_start3A_2377 = tpu.memref_slice %arg7[%dma_start3A_2374, %dma_start3A_2375, %dma_start3A_2376] : memref<6x128x64xf32, #tpu.memory_space<vmem>> -> memref<1x128x64xf32, #tpu.memory_space<vmem>>
    %dma_start3A_2378 = tpu.memref_squeeze %dma_start3A_2377 : memref<1x128x64xf32, #tpu.memory_space<vmem>> -> memref<128x64xf32, #tpu.memory_space<vmem>>
    %dma_start3A_2379 = arith.constant 0 : i32
    %dma_start3A_2380 = tpu.memref_slice %arg6[%dma_start3A_2373, %dma_start3A_2379] : memref<16x128xi32, #tpu.memory_space<vmem>> -> memref<1x128xi32, #tpu.memory_space<vmem>>
    %dma_start3A_2381 = tpu.memref_squeeze %dma_start3A_2380 : memref<1x128xi32, #tpu.memory_space<vmem>> -> memref<128xi32, #tpu.memory_space<vmem>>
    %dma_start3A_2382 = arith.constant 0 : i32
    %dma_start3A_2383 = arith.constant 0 : i32
    %dma_start3A_2384 = tpu.memref_slice %arg3[%dma_start3A_2382, %dma_start3A_2383] : memref<200000x64xf32, #tpu.memory_space<hbm>> -> memref<200000x64xf32, #tpu.memory_space<hbm>>
    tpu.enqueue_indirect_dma source(%dma_start3A_2384 : memref<200000x64xf32, #tpu.memory_space<hbm>>) target(%dma_start3A_2378 : memref<128x64xf32, #tpu.memory_space<vmem>>) offsets(%dma_start3A_2381 : memref<128xi32, #tpu.memory_space<vmem>>) semaphore(%arg8 : memref<!tpu.dma_semaphore, #tpu.memory_space<semaphore_mem>>)
    %dma_wait3A_2385 = arith.constant 10 : i32
    %dma_wait3A_2386 = arith.constant 4 : i32
    %dma_wait3A_2387 = arith.constant 0 : i32
    %dma_wait3A_2388 = arith.constant 0 : i32
    %dma_wait3A_2389 = tpu.memref_slice %arg7[%dma_wait3A_2386, %dma_wait3A_2387, %dma_wait3A_2388] : memref<6x128x64xf32, #tpu.memory_space<vmem>> -> memref<1x128x64xf32, #tpu.memory_space<vmem>>
    %dma_wait3A_2390 = tpu.memref_squeeze %dma_wait3A_2389 : memref<1x128x64xf32, #tpu.memory_space<vmem>> -> memref<128x64xf32, #tpu.memory_space<vmem>>
    %dma_wait3A_2391 = arith.constant 0 : i32
    %dma_wait3A_2392 = tpu.memref_slice %arg6[%dma_wait3A_2385, %dma_wait3A_2391] : memref<16x128xi32, #tpu.memory_space<vmem>> -> memref<1x128xi32, #tpu.memory_space<vmem>>
    %dma_wait3A_2393 = tpu.memref_squeeze %dma_wait3A_2392 : memref<1x128xi32, #tpu.memory_space<vmem>> -> memref<128xi32, #tpu.memory_space<vmem>>
    %dma_wait3A_2394 = arith.constant 0 : i32
    %dma_wait3A_2395 = arith.constant 0 : i32
    %dma_wait3A_2396 = tpu.memref_slice %arg3[%dma_wait3A_2394, %dma_wait3A_2395] : memref<200000x64xf32, #tpu.memory_space<hbm>> -> memref<200000x64xf32, #tpu.memory_space<hbm>>
    tpu.wait_indirect_dma semaphore(%arg8 : memref<!tpu.dma_semaphore, #tpu.memory_space<semaphore_mem>>) src(%dma_wait3A_2396 : memref<200000x64xf32, #tpu.memory_space<hbm>>) dst(%dma_wait3A_2390 : memref<128x64xf32, #tpu.memory_space<vmem>>)
    %add3A_2397 = arith.constant 1280 : i32
    %add3A_2398 = arith.addi %mul3A_4, %add3A_2397 : i32
    %dma_start3A_2399 = arith.constant 4 : i32
    %dma_start3A_2400 = arith.constant 0 : i32
    %dma_start3A_2401 = arith.constant 0 : i32
    %dma_start3A_2402 = tpu.memref_slice %arg7[%dma_start3A_2399, %dma_start3A_2400, %dma_start3A_2401] : memref<6x128x64xf32, #tpu.memory_space<vmem>> -> memref<1x128x64xf32, #tpu.memory_space<vmem>>
    %dma_start3A_2403 = tpu.memref_squeeze %dma_start3A_2402 : memref<1x128x64xf32, #tpu.memory_space<vmem>> -> memref<128x64xf32, #tpu.memory_space<vmem>>
    %dma_start3A_2404 = arith.constant 0 : i32
    %dma_start3A_2405 = tpu.memref_slice %arg4[%add3A_2398, %dma_start3A_2404] : memref<65536x128xf32, #tpu.memory_space<hbm>> -> memref<128x64xf32, #tpu.memory_space<hbm>>
    %dma_start3A_2406 = arith.constant 0 : i32
    %dma_start3A_2407 = tpu.memref_slice %arg4[%add3A_2398, %dma_start3A_2406] : memref<65536x128xf32, #tpu.memory_space<hbm>> -> memref<128x64xf32, #tpu.memory_space<hbm>>
    %dma_start3A_2408 = arith.constant 0 : i32
    %dma_start3A_2409 = arith.constant 0 : i32
    %dma_start3A_2410 = tpu.memref_slice %arg7[%dma_start3A_2399, %dma_start3A_2408, %dma_start3A_2409] : memref<6x128x64xf32, #tpu.memory_space<vmem>> -> memref<1x128x64xf32, #tpu.memory_space<vmem>>
    %dma_start3A_2411 = tpu.memref_squeeze %dma_start3A_2410 : memref<1x128x64xf32, #tpu.memory_space<vmem>> -> memref<128x64xf32, #tpu.memory_space<vmem>>
    tpu.enqueue_dma source(%dma_start3A_2411 : memref<128x64xf32, #tpu.memory_space<vmem>>) target(%dma_start3A_2407 : memref<128x64xf32, #tpu.memory_space<hbm>>) target_semaphore(%arg9 : memref<!tpu.dma_semaphore, #tpu.memory_space<semaphore_mem>>)
    %dma_wait3A_2412 = arith.constant 11 : i32
    %dma_wait3A_2413 = arith.constant 5 : i32
    %dma_wait3A_2414 = arith.constant 0 : i32
    %dma_wait3A_2415 = arith.constant 0 : i32
    %dma_wait3A_2416 = tpu.memref_slice %arg7[%dma_wait3A_2413, %dma_wait3A_2414, %dma_wait3A_2415] : memref<6x128x64xf32, #tpu.memory_space<vmem>> -> memref<1x128x64xf32, #tpu.memory_space<vmem>>
    %dma_wait3A_2417 = tpu.memref_squeeze %dma_wait3A_2416 : memref<1x128x64xf32, #tpu.memory_space<vmem>> -> memref<128x64xf32, #tpu.memory_space<vmem>>
    %dma_wait3A_2418 = arith.constant 0 : i32
    %dma_wait3A_2419 = tpu.memref_slice %arg6[%dma_wait3A_2412, %dma_wait3A_2418] : memref<16x128xi32, #tpu.memory_space<vmem>> -> memref<1x128xi32, #tpu.memory_space<vmem>>
    %dma_wait3A_2420 = tpu.memref_squeeze %dma_wait3A_2419 : memref<1x128xi32, #tpu.memory_space<vmem>> -> memref<128xi32, #tpu.memory_space<vmem>>
    %dma_wait3A_2421 = arith.constant 0 : i32
    %dma_wait3A_2422 = arith.constant 0 : i32
    %dma_wait3A_2423 = tpu.memref_slice %arg3[%dma_wait3A_2421, %dma_wait3A_2422] : memref<200000x64xf32, #tpu.memory_space<hbm>> -> memref<200000x64xf32, #tpu.memory_space<hbm>>
    tpu.wait_indirect_dma semaphore(%arg8 : memref<!tpu.dma_semaphore, #tpu.memory_space<semaphore_mem>>) src(%dma_wait3A_2423 : memref<200000x64xf32, #tpu.memory_space<hbm>>) dst(%dma_wait3A_2417 : memref<128x64xf32, #tpu.memory_space<vmem>>)
    %add3A_2424 = arith.constant 1408 : i32
    %add3A_2425 = arith.addi %mul3A_4, %add3A_2424 : i32
    %dma_start3A_2426 = arith.constant 5 : i32
    %dma_start3A_2427 = arith.constant 0 : i32
    %dma_start3A_2428 = arith.constant 0 : i32
    %dma_start3A_2429 = tpu.memref_slice %arg7[%dma_start3A_2426, %dma_start3A_2427, %dma_start3A_2428] : memref<6x128x64xf32, #tpu.memory_space<vmem>> -> memref<1x128x64xf32, #tpu.memory_space<vmem>>
    %dma_start3A_2430 = tpu.memref_squeeze %dma_start3A_2429 : memref<1x128x64xf32, #tpu.memory_space<vmem>> -> memref<128x64xf32, #tpu.memory_space<vmem>>
    %dma_start3A_2431 = arith.constant 0 : i32
    %dma_start3A_2432 = tpu.memref_slice %arg4[%add3A_2425, %dma_start3A_2431] : memref<65536x128xf32, #tpu.memory_space<hbm>> -> memref<128x64xf32, #tpu.memory_space<hbm>>
    %dma_start3A_2433 = arith.constant 0 : i32
    %dma_start3A_2434 = tpu.memref_slice %arg4[%add3A_2425, %dma_start3A_2433] : memref<65536x128xf32, #tpu.memory_space<hbm>> -> memref<128x64xf32, #tpu.memory_space<hbm>>
    %dma_start3A_2435 = arith.constant 0 : i32
    %dma_start3A_2436 = arith.constant 0 : i32
    %dma_start3A_2437 = tpu.memref_slice %arg7[%dma_start3A_2426, %dma_start3A_2435, %dma_start3A_2436] : memref<6x128x64xf32, #tpu.memory_space<vmem>> -> memref<1x128x64xf32, #tpu.memory_space<vmem>>
    %dma_start3A_2438 = tpu.memref_squeeze %dma_start3A_2437 : memref<1x128x64xf32, #tpu.memory_space<vmem>> -> memref<128x64xf32, #tpu.memory_space<vmem>>
    tpu.enqueue_dma source(%dma_start3A_2438 : memref<128x64xf32, #tpu.memory_space<vmem>>) target(%dma_start3A_2434 : memref<128x64xf32, #tpu.memory_space<hbm>>) target_semaphore(%arg9 : memref<!tpu.dma_semaphore, #tpu.memory_space<semaphore_mem>>)
    %dma_wait3A_2439 = arith.constant 12 : i32
    %dma_wait3A_2440 = arith.constant 0 : i32
    %dma_wait3A_2441 = arith.constant 0 : i32
    %dma_wait3A_2442 = arith.constant 0 : i32
    %dma_wait3A_2443 = tpu.memref_slice %arg7[%dma_wait3A_2440, %dma_wait3A_2441, %dma_wait3A_2442] : memref<6x128x64xf32, #tpu.memory_space<vmem>> -> memref<1x128x64xf32, #tpu.memory_space<vmem>>
    %dma_wait3A_2444 = tpu.memref_squeeze %dma_wait3A_2443 : memref<1x128x64xf32, #tpu.memory_space<vmem>> -> memref<128x64xf32, #tpu.memory_space<vmem>>
    %dma_wait3A_2445 = arith.constant 0 : i32
    %dma_wait3A_2446 = tpu.memref_slice %arg6[%dma_wait3A_2439, %dma_wait3A_2445] : memref<16x128xi32, #tpu.memory_space<vmem>> -> memref<1x128xi32, #tpu.memory_space<vmem>>
    %dma_wait3A_2447 = tpu.memref_squeeze %dma_wait3A_2446 : memref<1x128xi32, #tpu.memory_space<vmem>> -> memref<128xi32, #tpu.memory_space<vmem>>
    %dma_wait3A_2448 = arith.constant 0 : i32
    %dma_wait3A_2449 = arith.constant 0 : i32
    %dma_wait3A_2450 = tpu.memref_slice %arg3[%dma_wait3A_2448, %dma_wait3A_2449] : memref<200000x64xf32, #tpu.memory_space<hbm>> -> memref<200000x64xf32, #tpu.memory_space<hbm>>
    tpu.wait_indirect_dma semaphore(%arg8 : memref<!tpu.dma_semaphore, #tpu.memory_space<semaphore_mem>>) src(%dma_wait3A_2450 : memref<200000x64xf32, #tpu.memory_space<hbm>>) dst(%dma_wait3A_2444 : memref<128x64xf32, #tpu.memory_space<vmem>>)
    %add3A_2451 = arith.constant 1536 : i32
    %add3A_2452 = arith.addi %mul3A_4, %add3A_2451 : i32
    %dma_start3A_2453 = arith.constant 0 : i32
    %dma_start3A_2454 = arith.constant 0 : i32
    %dma_start3A_2455 = arith.constant 0 : i32
    %dma_start3A_2456 = tpu.memref_slice %arg7[%dma_start3A_2453, %dma_start3A_2454, %dma_start3A_2455] : memref<6x128x64xf32, #tpu.memory_space<vmem>> -> memref<1x128x64xf32, #tpu.memory_space<vmem>>
    %dma_start3A_2457 = tpu.memref_squeeze %dma_start3A_2456 : memref<1x128x64xf32, #tpu.memory_space<vmem>> -> memref<128x64xf32, #tpu.memory_space<vmem>>
    %dma_start3A_2458 = arith.constant 0 : i32
    %dma_start3A_2459 = tpu.memref_slice %arg4[%add3A_2452, %dma_start3A_2458] : memref<65536x128xf32, #tpu.memory_space<hbm>> -> memref<128x64xf32, #tpu.memory_space<hbm>>
    %dma_start3A_2460 = arith.constant 0 : i32
    %dma_start3A_2461 = tpu.memref_slice %arg4[%add3A_2452, %dma_start3A_2460] : memref<65536x128xf32, #tpu.memory_space<hbm>> -> memref<128x64xf32, #tpu.memory_space<hbm>>
    %dma_start3A_2462 = arith.constant 0 : i32
    %dma_start3A_2463 = arith.constant 0 : i32
    %dma_start3A_2464 = tpu.memref_slice %arg7[%dma_start3A_2453, %dma_start3A_2462, %dma_start3A_2463] : memref<6x128x64xf32, #tpu.memory_space<vmem>> -> memref<1x128x64xf32, #tpu.memory_space<vmem>>
    %dma_start3A_2465 = tpu.memref_squeeze %dma_start3A_2464 : memref<1x128x64xf32, #tpu.memory_space<vmem>> -> memref<128x64xf32, #tpu.memory_space<vmem>>
    tpu.enqueue_dma source(%dma_start3A_2465 : memref<128x64xf32, #tpu.memory_space<vmem>>) target(%dma_start3A_2461 : memref<128x64xf32, #tpu.memory_space<hbm>>) target_semaphore(%arg9 : memref<!tpu.dma_semaphore, #tpu.memory_space<semaphore_mem>>)
    %dma_wait3A_2466 = arith.constant 13 : i32
    %dma_wait3A_2467 = arith.constant 1 : i32
    %dma_wait3A_2468 = arith.constant 0 : i32
    %dma_wait3A_2469 = arith.constant 0 : i32
    %dma_wait3A_2470 = tpu.memref_slice %arg7[%dma_wait3A_2467, %dma_wait3A_2468, %dma_wait3A_2469] : memref<6x128x64xf32, #tpu.memory_space<vmem>> -> memref<1x128x64xf32, #tpu.memory_space<vmem>>
    %dma_wait3A_2471 = tpu.memref_squeeze %dma_wait3A_2470 : memref<1x128x64xf32, #tpu.memory_space<vmem>> -> memref<128x64xf32, #tpu.memory_space<vmem>>
    %dma_wait3A_2472 = arith.constant 0 : i32
    %dma_wait3A_2473 = tpu.memref_slice %arg6[%dma_wait3A_2466, %dma_wait3A_2472] : memref<16x128xi32, #tpu.memory_space<vmem>> -> memref<1x128xi32, #tpu.memory_space<vmem>>
    %dma_wait3A_2474 = tpu.memref_squeeze %dma_wait3A_2473 : memref<1x128xi32, #tpu.memory_space<vmem>> -> memref<128xi32, #tpu.memory_space<vmem>>
    %dma_wait3A_2475 = arith.constant 0 : i32
    %dma_wait3A_2476 = arith.constant 0 : i32
    %dma_wait3A_2477 = tpu.memref_slice %arg3[%dma_wait3A_2475, %dma_wait3A_2476] : memref<200000x64xf32, #tpu.memory_space<hbm>> -> memref<200000x64xf32, #tpu.memory_space<hbm>>
    tpu.wait_indirect_dma semaphore(%arg8 : memref<!tpu.dma_semaphore, #tpu.memory_space<semaphore_mem>>) src(%dma_wait3A_2477 : memref<200000x64xf32, #tpu.memory_space<hbm>>) dst(%dma_wait3A_2471 : memref<128x64xf32, #tpu.memory_space<vmem>>)
    %add3A_2478 = arith.constant 1664 : i32
    %add3A_2479 = arith.addi %mul3A_4, %add3A_2478 : i32
    %dma_start3A_2480 = arith.constant 1 : i32
    %dma_start3A_2481 = arith.constant 0 : i32
    %dma_start3A_2482 = arith.constant 0 : i32
    %dma_start3A_2483 = tpu.memref_slice %arg7[%dma_start3A_2480, %dma_start3A_2481, %dma_start3A_2482] : memref<6x128x64xf32, #tpu.memory_space<vmem>> -> memref<1x128x64xf32, #tpu.memory_space<vmem>>
    %dma_start3A_2484 = tpu.memref_squeeze %dma_start3A_2483 : memref<1x128x64xf32, #tpu.memory_space<vmem>> -> memref<128x64xf32, #tpu.memory_space<vmem>>
    %dma_start3A_2485 = arith.constant 0 : i32
    %dma_start3A_2486 = tpu.memref_slice %arg4[%add3A_2479, %dma_start3A_2485] : memref<65536x128xf32, #tpu.memory_space<hbm>> -> memref<128x64xf32, #tpu.memory_space<hbm>>
    %dma_start3A_2487 = arith.constant 0 : i32
    %dma_start3A_2488 = tpu.memref_slice %arg4[%add3A_2479, %dma_start3A_2487] : memref<65536x128xf32, #tpu.memory_space<hbm>> -> memref<128x64xf32, #tpu.memory_space<hbm>>
    %dma_start3A_2489 = arith.constant 0 : i32
    %dma_start3A_2490 = arith.constant 0 : i32
    %dma_start3A_2491 = tpu.memref_slice %arg7[%dma_start3A_2480, %dma_start3A_2489, %dma_start3A_2490] : memref<6x128x64xf32, #tpu.memory_space<vmem>> -> memref<1x128x64xf32, #tpu.memory_space<vmem>>
    %dma_start3A_2492 = tpu.memref_squeeze %dma_start3A_2491 : memref<1x128x64xf32, #tpu.memory_space<vmem>> -> memref<128x64xf32, #tpu.memory_space<vmem>>
    tpu.enqueue_dma source(%dma_start3A_2492 : memref<128x64xf32, #tpu.memory_space<vmem>>) target(%dma_start3A_2488 : memref<128x64xf32, #tpu.memory_space<hbm>>) target_semaphore(%arg9 : memref<!tpu.dma_semaphore, #tpu.memory_space<semaphore_mem>>)
    %dma_wait3A_2493 = arith.constant 14 : i32
    %dma_wait3A_2494 = arith.constant 2 : i32
    %dma_wait3A_2495 = arith.constant 0 : i32
    %dma_wait3A_2496 = arith.constant 0 : i32
    %dma_wait3A_2497 = tpu.memref_slice %arg7[%dma_wait3A_2494, %dma_wait3A_2495, %dma_wait3A_2496] : memref<6x128x64xf32, #tpu.memory_space<vmem>> -> memref<1x128x64xf32, #tpu.memory_space<vmem>>
    %dma_wait3A_2498 = tpu.memref_squeeze %dma_wait3A_2497 : memref<1x128x64xf32, #tpu.memory_space<vmem>> -> memref<128x64xf32, #tpu.memory_space<vmem>>
    %dma_wait3A_2499 = arith.constant 0 : i32
    %dma_wait3A_2500 = tpu.memref_slice %arg6[%dma_wait3A_2493, %dma_wait3A_2499] : memref<16x128xi32, #tpu.memory_space<vmem>> -> memref<1x128xi32, #tpu.memory_space<vmem>>
    %dma_wait3A_2501 = tpu.memref_squeeze %dma_wait3A_2500 : memref<1x128xi32, #tpu.memory_space<vmem>> -> memref<128xi32, #tpu.memory_space<vmem>>
    %dma_wait3A_2502 = arith.constant 0 : i32
    %dma_wait3A_2503 = arith.constant 0 : i32
    %dma_wait3A_2504 = tpu.memref_slice %arg3[%dma_wait3A_2502, %dma_wait3A_2503] : memref<200000x64xf32, #tpu.memory_space<hbm>> -> memref<200000x64xf32, #tpu.memory_space<hbm>>
    tpu.wait_indirect_dma semaphore(%arg8 : memref<!tpu.dma_semaphore, #tpu.memory_space<semaphore_mem>>) src(%dma_wait3A_2504 : memref<200000x64xf32, #tpu.memory_space<hbm>>) dst(%dma_wait3A_2498 : memref<128x64xf32, #tpu.memory_space<vmem>>)
    %add3A_2505 = arith.constant 1792 : i32
    %add3A_2506 = arith.addi %mul3A_4, %add3A_2505 : i32
    %dma_start3A_2507 = arith.constant 2 : i32
    %dma_start3A_2508 = arith.constant 0 : i32
    %dma_start3A_2509 = arith.constant 0 : i32
    %dma_start3A_2510 = tpu.memref_slice %arg7[%dma_start3A_2507, %dma_start3A_2508, %dma_start3A_2509] : memref<6x128x64xf32, #tpu.memory_space<vmem>> -> memref<1x128x64xf32, #tpu.memory_space<vmem>>
    %dma_start3A_2511 = tpu.memref_squeeze %dma_start3A_2510 : memref<1x128x64xf32, #tpu.memory_space<vmem>> -> memref<128x64xf32, #tpu.memory_space<vmem>>
    %dma_start3A_2512 = arith.constant 0 : i32
    %dma_start3A_2513 = tpu.memref_slice %arg4[%add3A_2506, %dma_start3A_2512] : memref<65536x128xf32, #tpu.memory_space<hbm>> -> memref<128x64xf32, #tpu.memory_space<hbm>>
    %dma_start3A_2514 = arith.constant 0 : i32
    %dma_start3A_2515 = tpu.memref_slice %arg4[%add3A_2506, %dma_start3A_2514] : memref<65536x128xf32, #tpu.memory_space<hbm>> -> memref<128x64xf32, #tpu.memory_space<hbm>>
    %dma_start3A_2516 = arith.constant 0 : i32
    %dma_start3A_2517 = arith.constant 0 : i32
    %dma_start3A_2518 = tpu.memref_slice %arg7[%dma_start3A_2507, %dma_start3A_2516, %dma_start3A_2517] : memref<6x128x64xf32, #tpu.memory_space<vmem>> -> memref<1x128x64xf32, #tpu.memory_space<vmem>>
    %dma_start3A_2519 = tpu.memref_squeeze %dma_start3A_2518 : memref<1x128x64xf32, #tpu.memory_space<vmem>> -> memref<128x64xf32, #tpu.memory_space<vmem>>
    tpu.enqueue_dma source(%dma_start3A_2519 : memref<128x64xf32, #tpu.memory_space<vmem>>) target(%dma_start3A_2515 : memref<128x64xf32, #tpu.memory_space<hbm>>) target_semaphore(%arg9 : memref<!tpu.dma_semaphore, #tpu.memory_space<semaphore_mem>>)
    %dma_wait3A_2520 = arith.constant 15 : i32
    %dma_wait3A_2521 = arith.constant 3 : i32
    %dma_wait3A_2522 = arith.constant 0 : i32
    %dma_wait3A_2523 = arith.constant 0 : i32
    %dma_wait3A_2524 = tpu.memref_slice %arg7[%dma_wait3A_2521, %dma_wait3A_2522, %dma_wait3A_2523] : memref<6x128x64xf32, #tpu.memory_space<vmem>> -> memref<1x128x64xf32, #tpu.memory_space<vmem>>
    %dma_wait3A_2525 = tpu.memref_squeeze %dma_wait3A_2524 : memref<1x128x64xf32, #tpu.memory_space<vmem>> -> memref<128x64xf32, #tpu.memory_space<vmem>>
    %dma_wait3A_2526 = arith.constant 0 : i32
    %dma_wait3A_2527 = tpu.memref_slice %arg6[%dma_wait3A_2520, %dma_wait3A_2526] : memref<16x128xi32, #tpu.memory_space<vmem>> -> memref<1x128xi32, #tpu.memory_space<vmem>>
    %dma_wait3A_2528 = tpu.memref_squeeze %dma_wait3A_2527 : memref<1x128xi32, #tpu.memory_space<vmem>> -> memref<128xi32, #tpu.memory_space<vmem>>
    %dma_wait3A_2529 = arith.constant 0 : i32
    %dma_wait3A_2530 = arith.constant 0 : i32
    %dma_wait3A_2531 = tpu.memref_slice %arg3[%dma_wait3A_2529, %dma_wait3A_2530] : memref<200000x64xf32, #tpu.memory_space<hbm>> -> memref<200000x64xf32, #tpu.memory_space<hbm>>
    tpu.wait_indirect_dma semaphore(%arg8 : memref<!tpu.dma_semaphore, #tpu.memory_space<semaphore_mem>>) src(%dma_wait3A_2531 : memref<200000x64xf32, #tpu.memory_space<hbm>>) dst(%dma_wait3A_2525 : memref<128x64xf32, #tpu.memory_space<vmem>>)
    %add3A_2532 = arith.constant 1920 : i32
    %add3A_2533 = arith.addi %mul3A_4, %add3A_2532 : i32
    %dma_start3A_2534 = arith.constant 3 : i32
    %dma_start3A_2535 = arith.constant 0 : i32
    %dma_start3A_2536 = arith.constant 0 : i32
    %dma_start3A_2537 = tpu.memref_slice %arg7[%dma_start3A_2534, %dma_start3A_2535, %dma_start3A_2536] : memref<6x128x64xf32, #tpu.memory_space<vmem>> -> memref<1x128x64xf32, #tpu.memory_space<vmem>>
    %dma_start3A_2538 = tpu.memref_squeeze %dma_start3A_2537 : memref<1x128x64xf32, #tpu.memory_space<vmem>> -> memref<128x64xf32, #tpu.memory_space<vmem>>
    %dma_start3A_2539 = arith.constant 0 : i32
    %dma_start3A_2540 = tpu.memref_slice %arg4[%add3A_2533, %dma_start3A_2539] : memref<65536x128xf32, #tpu.memory_space<hbm>> -> memref<128x64xf32, #tpu.memory_space<hbm>>
    %dma_start3A_2541 = arith.constant 0 : i32
    %dma_start3A_2542 = tpu.memref_slice %arg4[%add3A_2533, %dma_start3A_2541] : memref<65536x128xf32, #tpu.memory_space<hbm>> -> memref<128x64xf32, #tpu.memory_space<hbm>>
    %dma_start3A_2543 = arith.constant 0 : i32
    %dma_start3A_2544 = arith.constant 0 : i32
    %dma_start3A_2545 = tpu.memref_slice %arg7[%dma_start3A_2534, %dma_start3A_2543, %dma_start3A_2544] : memref<6x128x64xf32, #tpu.memory_space<vmem>> -> memref<1x128x64xf32, #tpu.memory_space<vmem>>
    %dma_start3A_2546 = tpu.memref_squeeze %dma_start3A_2545 : memref<1x128x64xf32, #tpu.memory_space<vmem>> -> memref<128x64xf32, #tpu.memory_space<vmem>>
    tpu.enqueue_dma source(%dma_start3A_2546 : memref<128x64xf32, #tpu.memory_space<vmem>>) target(%dma_start3A_2542 : memref<128x64xf32, #tpu.memory_space<hbm>>) target_semaphore(%arg9 : memref<!tpu.dma_semaphore, #tpu.memory_space<semaphore_mem>>)
    %dma_wait3A_2547 = arith.constant 4 : i32
    %dma_wait3A_2548 = arith.constant 0 : i32
    %dma_wait3A_2549 = arith.constant 0 : i32
    %dma_wait3A_2550 = tpu.memref_slice %arg7[%dma_wait3A_2547, %dma_wait3A_2548, %dma_wait3A_2549] : memref<6x128x64xf32, #tpu.memory_space<vmem>> -> memref<1x128x64xf32, #tpu.memory_space<vmem>>
    %dma_wait3A_2551 = tpu.memref_squeeze %dma_wait3A_2550 : memref<1x128x64xf32, #tpu.memory_space<vmem>> -> memref<128x64xf32, #tpu.memory_space<vmem>>
    %dma_wait3A_2552 = arith.constant 0 : i32
    %dma_wait3A_2553 = tpu.memref_slice %arg4[%add3A_2398, %dma_wait3A_2552] : memref<65536x128xf32, #tpu.memory_space<hbm>> -> memref<128x64xf32, #tpu.memory_space<hbm>>
    %dma_wait3A_2554 = arith.constant 0 : i32
    %dma_wait3A_2555 = tpu.memref_slice %arg4[%add3A_2398, %dma_wait3A_2554] : memref<65536x128xf32, #tpu.memory_space<hbm>> -> memref<128x64xf32, #tpu.memory_space<hbm>>
    %dma_wait3A_2556 = arith.constant 0 : i32
    %dma_wait3A_2557 = arith.constant 0 : i32
    %dma_wait3A_2558 = tpu.memref_slice %arg7[%dma_wait3A_2547, %dma_wait3A_2556, %dma_wait3A_2557] : memref<6x128x64xf32, #tpu.memory_space<vmem>> -> memref<1x128x64xf32, #tpu.memory_space<vmem>>
    %dma_wait3A_2559 = tpu.memref_squeeze %dma_wait3A_2558 : memref<1x128x64xf32, #tpu.memory_space<vmem>> -> memref<128x64xf32, #tpu.memory_space<vmem>>
    tpu.wait_dma2 semaphore(%arg9 : memref<!tpu.dma_semaphore, #tpu.memory_space<semaphore_mem>>) src(%dma_wait3A_2559 : memref<128x64xf32, #tpu.memory_space<vmem>>) dst(%dma_wait3A_2555 : memref<128x64xf32, #tpu.memory_space<hbm>>)
    %dma_wait3A_2560 = arith.constant 5 : i32
    %dma_wait3A_2561 = arith.constant 0 : i32
    %dma_wait3A_2562 = arith.constant 0 : i32
    %dma_wait3A_2563 = tpu.memref_slice %arg7[%dma_wait3A_2560, %dma_wait3A_2561, %dma_wait3A_2562] : memref<6x128x64xf32, #tpu.memory_space<vmem>> -> memref<1x128x64xf32, #tpu.memory_space<vmem>>
    %dma_wait3A_2564 = tpu.memref_squeeze %dma_wait3A_2563 : memref<1x128x64xf32, #tpu.memory_space<vmem>> -> memref<128x64xf32, #tpu.memory_space<vmem>>
    %dma_wait3A_2565 = arith.constant 0 : i32
    %dma_wait3A_2566 = tpu.memref_slice %arg4[%add3A_2425, %dma_wait3A_2565] : memref<65536x128xf32, #tpu.memory_space<hbm>> -> memref<128x64xf32, #tpu.memory_space<hbm>>
    %dma_wait3A_2567 = arith.constant 0 : i32
    %dma_wait3A_2568 = tpu.memref_slice %arg4[%add3A_2425, %dma_wait3A_2567] : memref<65536x128xf32, #tpu.memory_space<hbm>> -> memref<128x64xf32, #tpu.memory_space<hbm>>
    %dma_wait3A_2569 = arith.constant 0 : i32
    %dma_wait3A_2570 = arith.constant 0 : i32
    %dma_wait3A_2571 = tpu.memref_slice %arg7[%dma_wait3A_2560, %dma_wait3A_2569, %dma_wait3A_2570] : memref<6x128x64xf32, #tpu.memory_space<vmem>> -> memref<1x128x64xf32, #tpu.memory_space<vmem>>
    %dma_wait3A_2572 = tpu.memref_squeeze %dma_wait3A_2571 : memref<1x128x64xf32, #tpu.memory_space<vmem>> -> memref<128x64xf32, #tpu.memory_space<vmem>>
    tpu.wait_dma2 semaphore(%arg9 : memref<!tpu.dma_semaphore, #tpu.memory_space<semaphore_mem>>) src(%dma_wait3A_2572 : memref<128x64xf32, #tpu.memory_space<vmem>>) dst(%dma_wait3A_2568 : memref<128x64xf32, #tpu.memory_space<hbm>>)
    %dma_wait3A_2573 = arith.constant 0 : i32
    %dma_wait3A_2574 = arith.constant 0 : i32
    %dma_wait3A_2575 = arith.constant 0 : i32
    %dma_wait3A_2576 = tpu.memref_slice %arg7[%dma_wait3A_2573, %dma_wait3A_2574, %dma_wait3A_2575] : memref<6x128x64xf32, #tpu.memory_space<vmem>> -> memref<1x128x64xf32, #tpu.memory_space<vmem>>
    %dma_wait3A_2577 = tpu.memref_squeeze %dma_wait3A_2576 : memref<1x128x64xf32, #tpu.memory_space<vmem>> -> memref<128x64xf32, #tpu.memory_space<vmem>>
    %dma_wait3A_2578 = arith.constant 0 : i32
    %dma_wait3A_2579 = tpu.memref_slice %arg4[%add3A_2452, %dma_wait3A_2578] : memref<65536x128xf32, #tpu.memory_space<hbm>> -> memref<128x64xf32, #tpu.memory_space<hbm>>
    %dma_wait3A_2580 = arith.constant 0 : i32
    %dma_wait3A_2581 = tpu.memref_slice %arg4[%add3A_2452, %dma_wait3A_2580] : memref<65536x128xf32, #tpu.memory_space<hbm>> -> memref<128x64xf32, #tpu.memory_space<hbm>>
    %dma_wait3A_2582 = arith.constant 0 : i32
    %dma_wait3A_2583 = arith.constant 0 : i32
    %dma_wait3A_2584 = tpu.memref_slice %arg7[%dma_wait3A_2573, %dma_wait3A_2582, %dma_wait3A_2583] : memref<6x128x64xf32, #tpu.memory_space<vmem>> -> memref<1x128x64xf32, #tpu.memory_space<vmem>>
    %dma_wait3A_2585 = tpu.memref_squeeze %dma_wait3A_2584 : memref<1x128x64xf32, #tpu.memory_space<vmem>> -> memref<128x64xf32, #tpu.memory_space<vmem>>
    tpu.wait_dma2 semaphore(%arg9 : memref<!tpu.dma_semaphore, #tpu.memory_space<semaphore_mem>>) src(%dma_wait3A_2585 : memref<128x64xf32, #tpu.memory_space<vmem>>) dst(%dma_wait3A_2581 : memref<128x64xf32, #tpu.memory_space<hbm>>)
    %dma_wait3A_2586 = arith.constant 1 : i32
    %dma_wait3A_2587 = arith.constant 0 : i32
    %dma_wait3A_2588 = arith.constant 0 : i32
    %dma_wait3A_2589 = tpu.memref_slice %arg7[%dma_wait3A_2586, %dma_wait3A_2587, %dma_wait3A_2588] : memref<6x128x64xf32, #tpu.memory_space<vmem>> -> memref<1x128x64xf32, #tpu.memory_space<vmem>>
    %dma_wait3A_2590 = tpu.memref_squeeze %dma_wait3A_2589 : memref<1x128x64xf32, #tpu.memory_space<vmem>> -> memref<128x64xf32, #tpu.memory_space<vmem>>
    %dma_wait3A_2591 = arith.constant 0 : i32
    %dma_wait3A_2592 = tpu.memref_slice %arg4[%add3A_2479, %dma_wait3A_2591] : memref<65536x128xf32, #tpu.memory_space<hbm>> -> memref<128x64xf32, #tpu.memory_space<hbm>>
    %dma_wait3A_2593 = arith.constant 0 : i32
    %dma_wait3A_2594 = tpu.memref_slice %arg4[%add3A_2479, %dma_wait3A_2593] : memref<65536x128xf32, #tpu.memory_space<hbm>> -> memref<128x64xf32, #tpu.memory_space<hbm>>
    %dma_wait3A_2595 = arith.constant 0 : i32
    %dma_wait3A_2596 = arith.constant 0 : i32
    %dma_wait3A_2597 = tpu.memref_slice %arg7[%dma_wait3A_2586, %dma_wait3A_2595, %dma_wait3A_2596] : memref<6x128x64xf32, #tpu.memory_space<vmem>> -> memref<1x128x64xf32, #tpu.memory_space<vmem>>
    %dma_wait3A_2598 = tpu.memref_squeeze %dma_wait3A_2597 : memref<1x128x64xf32, #tpu.memory_space<vmem>> -> memref<128x64xf32, #tpu.memory_space<vmem>>
    tpu.wait_dma2 semaphore(%arg9 : memref<!tpu.dma_semaphore, #tpu.memory_space<semaphore_mem>>) src(%dma_wait3A_2598 : memref<128x64xf32, #tpu.memory_space<vmem>>) dst(%dma_wait3A_2594 : memref<128x64xf32, #tpu.memory_space<hbm>>)
    %dma_wait3A_2599 = arith.constant 2 : i32
    %dma_wait3A_2600 = arith.constant 0 : i32
    %dma_wait3A_2601 = arith.constant 0 : i32
    %dma_wait3A_2602 = tpu.memref_slice %arg7[%dma_wait3A_2599, %dma_wait3A_2600, %dma_wait3A_2601] : memref<6x128x64xf32, #tpu.memory_space<vmem>> -> memref<1x128x64xf32, #tpu.memory_space<vmem>>
    %dma_wait3A_2603 = tpu.memref_squeeze %dma_wait3A_2602 : memref<1x128x64xf32, #tpu.memory_space<vmem>> -> memref<128x64xf32, #tpu.memory_space<vmem>>
    %dma_wait3A_2604 = arith.constant 0 : i32
    %dma_wait3A_2605 = tpu.memref_slice %arg4[%add3A_2506, %dma_wait3A_2604] : memref<65536x128xf32, #tpu.memory_space<hbm>> -> memref<128x64xf32, #tpu.memory_space<hbm>>
    %dma_wait3A_2606 = arith.constant 0 : i32
    %dma_wait3A_2607 = tpu.memref_slice %arg4[%add3A_2506, %dma_wait3A_2606] : memref<65536x128xf32, #tpu.memory_space<hbm>> -> memref<128x64xf32, #tpu.memory_space<hbm>>
    %dma_wait3A_2608 = arith.constant 0 : i32
    %dma_wait3A_2609 = arith.constant 0 : i32
    %dma_wait3A_2610 = tpu.memref_slice %arg7[%dma_wait3A_2599, %dma_wait3A_2608, %dma_wait3A_2609] : memref<6x128x64xf32, #tpu.memory_space<vmem>> -> memref<1x128x64xf32, #tpu.memory_space<vmem>>
    %dma_wait3A_2611 = tpu.memref_squeeze %dma_wait3A_2610 : memref<1x128x64xf32, #tpu.memory_space<vmem>> -> memref<128x64xf32, #tpu.memory_space<vmem>>
    tpu.wait_dma2 semaphore(%arg9 : memref<!tpu.dma_semaphore, #tpu.memory_space<semaphore_mem>>) src(%dma_wait3A_2611 : memref<128x64xf32, #tpu.memory_space<vmem>>) dst(%dma_wait3A_2607 : memref<128x64xf32, #tpu.memory_space<hbm>>)
    %dma_wait3A_2612 = arith.constant 3 : i32
    %dma_wait3A_2613 = arith.constant 0 : i32
    %dma_wait3A_2614 = arith.constant 0 : i32
    %dma_wait3A_2615 = tpu.memref_slice %arg7[%dma_wait3A_2612, %dma_wait3A_2613, %dma_wait3A_2614] : memref<6x128x64xf32, #tpu.memory_space<vmem>> -> memref<1x128x64xf32, #tpu.memory_space<vmem>>
    %dma_wait3A_2616 = tpu.memref_squeeze %dma_wait3A_2615 : memref<1x128x64xf32, #tpu.memory_space<vmem>> -> memref<128x64xf32, #tpu.memory_space<vmem>>
    %dma_wait3A_2617 = arith.constant 0 : i32
    %dma_wait3A_2618 = tpu.memref_slice %arg4[%add3A_2533, %dma_wait3A_2617] : memref<65536x128xf32, #tpu.memory_space<hbm>> -> memref<128x64xf32, #tpu.memory_space<hbm>>
    %dma_wait3A_2619 = arith.constant 0 : i32
    %dma_wait3A_2620 = tpu.memref_slice %arg4[%add3A_2533, %dma_wait3A_2619] : memref<65536x128xf32, #tpu.memory_space<hbm>> -> memref<128x64xf32, #tpu.memory_space<hbm>>
    %dma_wait3A_2621 = arith.constant 0 : i32
    %dma_wait3A_2622 = arith.constant 0 : i32
    %dma_wait3A_2623 = tpu.memref_slice %arg7[%dma_wait3A_2612, %dma_wait3A_2621, %dma_wait3A_2622] : memref<6x128x64xf32, #tpu.memory_space<vmem>> -> memref<1x128x64xf32, #tpu.memory_space<vmem>>
    %dma_wait3A_2624 = tpu.memref_squeeze %dma_wait3A_2623 : memref<1x128x64xf32, #tpu.memory_space<vmem>> -> memref<128x64xf32, #tpu.memory_space<vmem>>
    tpu.wait_dma2 semaphore(%arg9 : memref<!tpu.dma_semaphore, #tpu.memory_space<semaphore_mem>>) src(%dma_wait3A_2624 : memref<128x64xf32, #tpu.memory_space<vmem>>) dst(%dma_wait3A_2620 : memref<128x64xf32, #tpu.memory_space<hbm>>)
    return
  }
}

</mosaic_0001>

<sc_bundles>
// kernel: kernel.3.cloned.1.call-start
scs
__scs_entry_jumppad:
0x0: {  	(pc) =	sbr.rel $0x88, $3  }
0x1: {  	(tag) =	ssettag $0x0;
	lr =	simm.s32 $0x1  }
0x2: {  	[smem:$0x3F9F] =	sst lr;
	_ =	strace $0xD0000000  }
0x3: {  	_ = 	snop  }
0x4: {  	_ = 	snop  }
0x5: {  	_ = 	snop  }
0x6: {  	_ = 	snop  }
0x7: {  	_ = 	snop  }
__scs_overlays_trampoline_lowered:
0x8: {  	[smem:$0x3FAE] =	sst s0  }
0x9: {  	[smem:$0x3FAF] =	sst s1  }
0xa: {  	[smem:$0x3FB0] =	sst s2  }
0xb: {  	[smem:$0x3FB1] =	sst s3  }
0xc: {  	[smem:$0x3FB2] =	sst s4  }
0xd: {  	[smem:$0x3FB3] =	sst s5  }
0xe: {  	[smem:$0x3FB4] =	sst s6  }
0xf: {  	[smem:$0x3FB5] =	sst s7  }
0x10: {  	[smem:$0x3FB6] =	sst s8  }
0x11: {  	[smem:$0x3FB7] =	sst s9;
	s0 =	simm.s32 @!p0 $0x0  }
0x12: {  	s1 =	sld [smem:$0x3F9D];
	s0 =	simm.s32 @p0 $0x1  }
0x13: {  	[smem:$0x3FB8] =	sst s0;
	s0 =	simm.s32 @!p1 $0x0  }
0x14: {  	s2 =	sld [smem:$0x3F9C];
	s0 =	simm.s32 @p1 $0x1  }
0x15: {  	[smem:$0x3FB9] =	sst s0;
	s0 =	simm.s32 @!p2 $0x0  }
0x16: {  	s3 =	sld [smem:$0x3FDB];
	s0 =	simm.s32 @p2 $0x1  }
0x17: {  	s4 =	simm.s32 $0x1BF5;
	[smem:$0x3FBB] =	sst s0  }
0x18: {  	s0 =	sld [smem:$0x3F9E];
	_ =	swait.ge [sflag:s4], $0x0  }
0x19: {  	s7 =	sld [smem:$0x3F9F]  }
0x1a: {  	s8 =	sadd.s32 $0xFFFFE003, lr  }
0x1b: {  	s9 =	sadd.s32 $0xFFFFFEF7, lr;
	s5 =	simm.s32 $0xFFFFFFFF;
	p2 =	slt.u32 s8, $0xFFFFF086  }
0x1c: {  	p1 =	slt.u32 s9, $0xF7A;
	s5 =	simm.s32 @!p2 $0x0  }
0x1d: {  	s5 =	simm.s32 @p1 $0x1;
	p0 =	seq.s32 s7, s2  }
0x1e: {  	s7 =	smul.u32 @!p0 $0xF7A, s2;
	p2 =	seq.s32 @!p0 s5, $0x0  }
0x1f: {  	s9 =	smul.u32 $0xF7A, s1;
	s8 =	simm.s32 @!p0 $0x1BF5;
	p2 =	por !p2, p0  }
0x20: {  	[sflag:s8] =	ssyncset.s32 @!p0 $0xFFFFF086;
	s6 =	sadd.s32 @!p0 s3, s7;
	s7 =	simm.s32 @!p0 $0x108  }
0x21: {  	s3 =	sadd.s32 s3, s9;
	s6 =	sadd.s32 @!p0 $0x88, s6;
	s7 =	simm.s32 @p2 $0x1082  }
0x22: {  	[simem:s7], [sflag:s8] =	dma.local @!p0 [hbm:s6], $0xF7A  }
0x23: {  	s9 =	sor.u32 $0xD0000000, s2;
	s6 =	simm.s32 $0x108;
	_ =	swait.ge @!p0 [sflag:s8], $0x0  }
0x24: {  	s3 =	sadd.s32 $0x88, s3;
	s6 =	simm.s32 @!p1 $0x1082;
	[sflag:s4] =	ssyncset.s32 $0xFFFFF086  }
0x25: {  	[simem:s6], [sflag:s4] =	dma.local [hbm:s3], $0xF7A  }
0x26: {  	[smem:$0x3F9F] =	sst s1;
	(tag) =	ssettag s2;
	_ =	strace s9  }
0x27: {  	s1 =	sld [smem:$0x3FAF]  }
0x28: {  	s2 =	sld [smem:$0x3FB0]  }
0x29: {  	s4 =	sld [smem:$0x3FB2]  }
0x2a: {  	p0 =	seq.s32 s5, $0x0;
	s5 =	sld [smem:$0x3FB3]  }
0x2b: {  	s6 =	sld [smem:$0x3FB4]  }
0x2c: {  	s7 =	sld [smem:$0x3FB5]  }
0x2d: {  	s3 =	simm.s32 $0x108;
	s8 =	sld [smem:$0x3FB6]  }
0x2e: {  	s3 =	simm.s32 @!p0 $0x1082;
	s9 =	sld [smem:$0x3FB7]  }
0x2f: {  	lr =	sadd.s32 s0, s3;
	s0 =	sld [smem:$0x3FAE]  }
0x30: {  	s3 =	sld [smem:$0x3FB1]  }
0x31: {  	[smem:$0x3FBA] =	sst s10  }
0x32: {  	s10 =	sld [smem:$0x3FB8];
	_ =	sdelay $0x3  }
0x33: {  	p0 =	seq.s32 s10, $0x1;
	s10 =	sld [smem:$0x3FBA];
	_ =	sdelay $0x3  }
0x34: {  	[smem:$0x3FBA] =	sst s10  }
0x35: {  	s10 =	sld [smem:$0x3FB9];
	_ =	sdelay $0x3  }
0x36: {  	p1 =	seq.s32 s10, $0x1;
	s10 =	sld [smem:$0x3FBA];
	_ =	sdelay $0x3  }
0x37: {  	[smem:$0x3FBA] =	sst s10  }
0x38: {  	s10 =	sld [smem:$0x3FBB]  }
0x39: {  	_ = 	snop;
	(pc) =	sbr.ind lr, $3  }
0x3a: {  	_ = 	snop  }
0x3b: {  	_ = 	snop  }
0x3c: {  	p2 =	seq.s32 s10, $0x1;
	s10 =	sld [smem:$0x3FBA]  }
0x3d: {  	_ =	shalt  }
0x3e: {  	_ =	shalt  }
0x3f: {  	_ =	shalt  }
0x40: {  	_ =	shalt  }
0x41: {  	_ =	shalt  }
0x42: {  	_ =	shalt  }
0x43: {  	_ =	shalt  }
0x44: {  	_ =	shalt  }
0x45: {  	_ =	shalt  }
0x46: {  	_ =	shalt  }
0x47: {  	_ =	shalt  }
0x48: {  	_ =	shalt  }
0x49: {  	_ =	shalt  }
0x4a: {  	_ =	shalt  }
0x4b: {  	_ =	shalt  }
0x4c: {  	_ =	shalt  }
0x4d: {  	_ =	shalt  }
0x4e: {  	_ =	shalt  }
0x4f: {  	_ =	shalt  }
0x50: {  	_ =	shalt  }
0x51: {  	_ =	shalt  }
0x52: {  	_ =	shalt  }
0x53: {  	_ =	shalt  }
0x54: {  	_ =	shalt  }
0x55: {  	_ =	shalt  }
0x56: {  	_ =	shalt  }
0x57: {  	_ =	shalt  }
0x58: {  	_ =	shalt  }
0x59: {  	_ =	shalt  }
0x5a: {  	_ =	shalt  }
0x5b: {  	_ =	shalt  }
0x5c: {  	_ =	shalt  }
0x5d: {  	_ =	shalt  }
0x5e: {  	_ =	shalt  }
0x5f: {  	_ =	shalt  }
0x60: {  	_ =	shalt  }
0x61: {  	_ =	shalt  }
0x62: {  	_ =	shalt  }
0x63: {  	_ =	shalt  }
0x64: {  	_ =	shalt  }
0x65: {  	_ =	shalt  }
0x66: {  	_ =	shalt  }
0x67: {  	_ =	shalt  }
0x68: {  	_ =	shalt  }
0x69: {  	_ =	shalt  }
0x6a: {  	_ =	shalt  }
0x6b: {  	_ =	shalt  }
0x6c: {  	_ =	shalt  }
0x6d: {  	_ =	shalt  }
0x6e: {  	_ =	shalt  }
0x6f: {  	_ =	shalt  }
0x70: {  	_ =	shalt  }
0x71: {  	_ =	shalt  }
0x72: {  	_ =	shalt  }
0x73: {  	_ =	shalt  }
0x74: {  	_ =	shalt  }
0x75: {  	_ =	shalt  }
0x76: {  	_ =	shalt  }
0x77: {  	_ =	shalt  }
0x78: {  	_ =	shalt  }
0x79: {  	_ =	shalt  }
0x7a: {  	_ =	shalt  }
0x7b: {  	_ =	shalt  }
0x7c: {  	_ =	shalt  }
0x7d: {  	_ =	shalt  }
0x7e: {  	_ =	shalt  }
0x7f: {  	_ =	shalt  }
0x80: {  	_ =	shalt  }
0x81: {  	_ =	shalt  }
0x82: {  	_ =	shalt  }
0x83: {  	_ =	shalt  }
0x84: {  	_ =	shalt  }
0x85: {  	_ =	shalt  }
0x86: {  	_ =	shalt  }
0x87: {  	_ =	shalt  }
.Lfunc_end0:
.L_simem_size_0:
called_computation_lowered:
.L_overlay_start_0:
0x88: {  	s2 =	sld [smem:$0x3FD9]  }
0x89: {  	s3 =	sld [smem:$0x3FFE];
	_ =	sdelay $0x1  }
0x8a: {  	s1 =	srdreg.scid  }
0x8b: {  	s0 =	sand.u32 $0x1, s1  }
0x8c: {  	s17 =	sshll.u32 s0, $0xA;
	s2 =	sadd.s32 s3, s2  }
0x8d: {  	s2 =	sadd.s32 s2, s17  }
0x8e: {  	[smem:$0x3FC6] =	sst s2  }
0x8f: {  	_ = 	snop  }
0x90: {  	s2 =	sld [smem:$0x3FD0];
	(tm) =	ssettm $0x1  }
0x91: {  	s18 =	sld [smem:$0x3FFB];
	_ =	sdelay $0x3  }
0x92: {  	_ =	strace s18  }
0x93: {  	s3 =	sld [smem:$0x3FFC];
	_ =	sdelay $0x3  }
0x94: {  	_ =	strace s3  }
0x95: {  	s3 =	sld [smem:$0x3FFD];
	_ =	sdelay $0x3  }
0x96: {  	_ =	strace s3  }
0x97: {  	_ =	strace $0x8FFFFFFF  }
0x98: {  	s19 =	sld [smem:$0x3FDB];
	_ =	sdelay $0x1  }
0x99: {  	s4 =	simm.s32 $_scs_section_size  }
0x9a: {  	s5 =	simm.s32 $_size__tile_overlayer_lowered;
	s6 =	simm.s32 $_tile_overlayer_lowered  }
0x9b: {  	s22 =	simm.s32 $0x1BFF;
	s21 =	sshll.u32 s6, $0x1;
	s3 =	sadd.s32 s4, s19  }
0x9c: {  	s7 =	simm.s32 $0x0;
	s20 =	sshll.u32 s5, $0x1;
	s5 =	sadd.s32 s21, s3  }
0x9d: {  	[timem:s7], [sflag:s22] =	dma.local [hbm:s5], s20  }
0x9e: {  	_ =	swait.ge [sflag:s22], s20  }
0x9f: {  	s4 =	ssub.s32 $0x0, s20;
	[sflag:s22] =	ssyncset.done $0x0  }
0xa0: {  	[sflag:s22] =	ssyncadd.s32 s4;
	_ =	sdelay $0x1  }
0xa1: {  	s23 =	simm.s32 $0x1B8B  }
0xa2: {  	_ =	swait.ge [sflag:s23], $0x1  }
0xa3: {  	[sflag:s23] =	ssyncset.done $0x0  }
0xa4: {  	s25 =	simm.s32 $0x1B8E;
	s24 =	sld [smem:$0x3FFE];
	[sflag:s23] =	ssyncadd.s32 $0xFFFFFFFF  }
0xa5: {  	s26 =	simm.s32 $execute0_lowered;
	[smem:$0x3FD2] =	sst s25  }
0xa6: {  	s5 =	sshll.u32 s26, $0x1;
	_ =	strace $0x80000046;
	[dreg:$0x1] =	wrdreg $0xFFFFFFFF  }
0xa7: {  	s28 =	simm.s32 $_size_execute0_lowered;
	s3 =	sadd.s32 s3, s5;
	[dreg:$0x0] =	wrdreg $0x0  }
0xa8: {  	s5 =	sshll.u32 s28, $0x1;
	[dreg:$0x2] =	wrdreg s3  }
0xa9: {  	[dreg:$0x3] =	wrdreg s5  }
0xaa: {  	[dreg:$0x4] =	wrdreg $0xC0  }
0xab: {  	_ =	task [dreg:s7], $0x5FFFF  }
0xac: {  	[dreg:$0x1] =	wrdreg $0xFFFFFFFF  }
0xad: {  	[dreg:$0x0] =	wrdreg $0x60  }
0xae: {  	[dreg:$0x2] =	wrdreg s24  }
0xaf: {  	[dreg:$0x3] =	wrdreg s2  }
0xb0: {  	[dreg:$0x4] =	wrdreg $0x9  }
0xb1: {  	_ =	task.clear_ibuf [dreg:s7], $0x5FFFF;
	_ =	strace $0x90000046  }
0xb2: {  	s29 =	simm.s32 $0x9;
	_ =	strace $0x80000048  }
0xb3: {  	_ =	swait.ge [sflag:s29], $0x1  }
0xb4: {  	[sflag:s29] =	ssyncadd.s32 $0xFFFFFFFF  }
0xb5: {  	_ =	strace $0x90000048  }
0xb6: {  	_ =	sfence  }
0xb7: {  	s30 =	sld [smem:$0x0];
	_ =	sdelay $0x2  }
0xb8: {  	s31 =	sshll.u32 s1, $0xD;
	s1 =	sshrl.u32 s1, $0x2  }
0xb9: {  	s3 =	sand.u32 $0x4000, s31;
	s1 =	sadd.s32 s1, s30  }
0xba: {  	s0 =	sor.u32 s3, s0;
	s1 =	sshll.u32 s1, $0x11  }
0xbb: {  	s0 =	sor.u32 s1, s0  }
0xbc: {  	s0 =	sadd.s32 $0x8F2B, s0  }
0xbd: {  	[sflag:s0] =	ssyncadd.remote.s32 $0x1  }
0xbe: {  	_ =	sfence.sel $0xFFFF  }
0xbf: {  	[dreg:$0x0] =	wrdreg $0xFFFFFFFF;
	(pc) =	sbr.abs _section_cstart, $3  }
0xc0: {  	[dreg:$0x1] =	wrdreg $0xFFFFFFFF  }
0xc1: {  	_ =	task.clear_ibuf [dreg:s7], $0x2FFFF;
	_ =	strace $0x9FFFFFFF  }
0xc2: {  	(tm) =	ssettm $0x7FFFFFFF  }
0xc3: {  	_ =	shalt  }
tec
execute0_lowered:
.L_overlay_start_1:
0x0: {  	(tag) =	ssettag $0x1  }
0x1: {  	s1 =	srdreg.scid;
	s0 =	stileid.u32  }
0x2: {  	s4 =	rddreg [dreg:$0x0];
	s1 =	sand.u32 $0x1, s1;
	s2 =	sshll.u32 s0, $0x1  }
0x3: {  	s3 =	rddreg [dreg:$0x1];
	s5 =	sor.u32 s1, s2;
	s2 =	simm.s32 $0x0  }
0x4: {  	s26 =	simm.s32 $0x800;
	s6 =	sshll.u32 s5, $0x8;
	[smem:$0x7FF] =	sst s2  }
0x5: {  	s5 =	sshll.u32 s5, $0xF;
	s6 =	sadd.s32 s6, s4;
	_ =	strace $0x80000047  }
0x6: {  	s3 =	sadd.s32 s3, s5;
	[dreg:$0x13] =	wrdreg s26;
	s6 =	sadd.s32 $0x187000, s6  }
0x7: {  	s5 =	sadd.s32 $0x800, s3;
	[dreg:$0x3] =	wrdreg s6  }
0x8: {  	s7 =	simm.s32 $0x80;
	s11 =	sadd.s32 $0x1000, s3;
	[dreg:$0x4] =	wrdreg s5  }
0x9: {  	s8 =	simm.s32 $0x1000;
	s12 =	sadd.s32 $0x1800, s3;
	[dreg:$0x5] =	wrdreg s11  }
0xa: {  	s9 =	simm.s32 $0x880;
	s13 =	sadd.s32 $0x2000, s3;
	[dreg:$0x6] =	wrdreg s12  }
0xb: {  	s10 =	simm.s32 $0x3000;
	s14 =	sadd.s32 $0x2800, s3;
	[dreg:$0x7] =	wrdreg s13  }
0xc: {  	s28 =	simm.s32 $0xD80;
	s15 =	sadd.s32 $0x3000, s3;
	[dreg:$0x8] =	wrdreg s14  }
0xd: {  	s29 =	simm.s32 $0xE00;
	s16 =	sadd.s32 $0x3800, s3;
	[dreg:$0x9] =	wrdreg s15  }
0xe: {  	s30 =	simm.s32 $0xE80;
	s17 =	sadd.s32 $0x4000, s3;
	[dreg:$0xa] =	wrdreg s16  }
0xf: {  	s31 =	simm.s32 $0xF00;
	s18 =	sadd.s32 $0x4800, s3;
	[dreg:$0xb] =	wrdreg s17  }
0x10: {  	s1 =	ssub.s32 $0x2, s1;
	s19 =	sadd.s32 $0x5000, s3;
	[dreg:$0xc] =	wrdreg s18  }
0x11: {  	s23 =	sshrl.u32 s1, $0x1;
	s20 =	sadd.s32 $0x5800, s3;
	[dreg:$0xd] =	wrdreg s19  }
0x12: {  	s4 =	sadd.s32 $0x189000, s4;
	s21 =	sadd.s32 $0x6000, s3;
	[dreg:$0xe] =	wrdreg s20  }
0x13: {  	s1 =	ssub.s32 s1, s23;
	s22 =	sadd.s32 $0x6800, s3;
	[dreg:$0xf] =	wrdreg s21  }
0x14: {  	s23 =	simm.s32 $0xB80;
	s24 =	sadd.s32 $0x7000, s3;
	[dreg:$0x10] =	wrdreg s22  }
0x15: {  	s26 =	simm.s32 $0xD00;
	s25 =	sadd.s32 $0x7800, s3;
	[dreg:$0x11] =	wrdreg s24  }
0x16: {  	[dreg:$0x12] =	wrdreg s25;
	s5 =	smax.u32 s1, $0x1;
	s6 =	simm.s32 $0x3  }
0x17: {  	s11 =	simm.s32 $0x900;
	s12 =	simm.s32 $0x5000;
	s13 =	simm.s32 $0x980  }
0x18: {  	s14 =	simm.s32 $0x7000;
	s15 =	simm.s32 $0xA00;
	s16 =	simm.s32 $0x9000  }
0x19: {  	s17 =	simm.s32 $0xA80;
	s18 =	simm.s32 $0xB000;
	s19 =	simm.s32 $0x1  }
0x1a: {  	s20 =	simm.s32 $0x40;
	s21 =	simm.s32 $0x2;
	s22 =	simm.s32 $0xB00  }
0x1b: {  	s24 =	simm.s32 $0xC00;
	s25 =	simm.s32 $0xC80;
	s1 =	simm.s32 $0xF80  }
.LBB2_1:
0x1c: {  	s0 =	rddreg [dreg:$0x3]  }
0x1d: {  	[tilespmem:s2], [sflag:$0x3] =	stream.linear.gather [hbm4b:s0+s2], $0x800, $0x38;
	[tilespmem:$0xD000] =	vst v63  }
0x1e: {  	_ =	swait.ge [sflag:s6], $0x800  }
0x1f: {  	[sflag:s6] =	ssyncset.done $0x0  }
0x20: {  	[sflag:s6] =	ssyncadd.s32 $0xFFFFF800  }
0x21: {  	v0 =	vld [tilespmem:$0x0]  }
0x22: {  	v1 =	vld [tilespmem:$0x10]  }
0x23: {  	v2 =	vld [tilespmem:$0x20]  }
0x24: {  	v3 =	vld [tilespmem:$0x30]  }
0x25: {  	v4 =	vld [tilespmem:$0x40]  }
0x26: {  	v5 =	vld [tilespmem:$0x50];
	v0 =	vshll.u32 v0, $0x1  }
0x27: {  	v41 =	vld [tilespmem:$0x60];
	v40 =	vshll.u32 v1, $0x1;
	[tilespmem:$0x800] =	vst v0  }
0x28: {  	v43 =	vld [tilespmem:$0x70];
	v42 =	vshll.u32 v2, $0x1;
	[tilespmem:$0x810] =	vst v40  }
0x29: {  	v45 =	vld [tilespmem:$0x80];
	v44 =	vshll.u32 v3, $0x1;
	[tilespmem:$0x820] =	vst v42  }
0x2a: {  	v47 =	vld [tilespmem:$0x90];
	v46 =	vshll.u32 v4, $0x1;
	[tilespmem:$0x830] =	vst v44  }
0x2b: {  	v49 =	vld [tilespmem:$0xA0];
	v48 =	vshll.u32 v5, $0x1;
	[tilespmem:$0x840] =	vst v46  }
0x2c: {  	v51 =	vld [tilespmem:$0xB0];
	v50 =	vshll.u32 v41, $0x1;
	[tilespmem:$0x850] =	vst v48  }
0x2d: {  	v53 =	vld [tilespmem:$0xC0];
	v52 =	vshll.u32 v43, $0x1;
	[tilespmem:$0x860] =	vst v50  }
0x2e: {  	v55 =	vld [tilespmem:$0xD0];
	v54 =	vshll.u32 v45, $0x1;
	[tilespmem:$0x870] =	vst v52  }
0x2f: {  	v57 =	vld [tilespmem:$0xE0];
	v56 =	vshll.u32 v47, $0x1;
	[tilespmem:$0x880] =	vst v54  }
0x30: {  	v59 =	vld [tilespmem:$0xF0];
	v58 =	vshll.u32 v49, $0x1;
	[tilespmem:$0x890] =	vst v56  }
0x31: {  	v61 =	vld [tilespmem:$0x100];
	v60 =	vshll.u32 v51, $0x1;
	[tilespmem:$0x8A0] =	vst v58  }
0x32: {  	v63 =	vld [tilespmem:$0x110];
	v62 =	vshll.u32 v53, $0x1;
	[tilespmem:$0x8B0] =	vst v60  }
0x33: {  	v9 =	vld [tilespmem:$0x120];
	v8 =	vshll.u32 v55, $0x1;
	[tilespmem:$0x8C0] =	vst v62  }
0x34: {  	v11 =	vld [tilespmem:$0x130];
	v10 =	vshll.u32 v57, $0x1;
	[tilespmem:$0x8D0] =	vst v8  }
0x35: {  	v13 =	vld [tilespmem:$0x140];
	v12 =	vshll.u32 v59, $0x1;
	[tilespmem:$0x8E0] =	vst v10  }
0x36: {  	v15 =	vld [tilespmem:$0x150];
	v14 =	vshll.u32 v61, $0x1;
	[tilespmem:$0x8F0] =	vst v12  }
0x37: {  	v17 =	vld [tilespmem:$0x160];
	v16 =	vshll.u32 v63, $0x1;
	[tilespmem:$0x900] =	vst v14  }
0x38: {  	v19 =	vld [tilespmem:$0x170];
	v18 =	vshll.u32 v9, $0x1;
	[tilespmem:$0x910] =	vst v16  }
0x39: {  	v21 =	vld [tilespmem:$0x180];
	v20 =	vshll.u32 v11, $0x1;
	[tilespmem:$0x920] =	vst v18  }
0x3a: {  	v23 =	vld [tilespmem:$0x190];
	v22 =	vshll.u32 v13, $0x1;
	[tilespmem:$0x930] =	vst v20  }
0x3b: {  	v25 =	vld [tilespmem:$0x1A0];
	v24 =	vshll.u32 v15, $0x1;
	[tilespmem:$0x940] =	vst v22  }
0x3c: {  	v27 =	vld [tilespmem:$0x1B0];
	v26 =	vshll.u32 v17, $0x1;
	[tilespmem:$0x950] =	vst v24  }
0x3d: {  	v29 =	vld [tilespmem:$0x1C0];
	v28 =	vshll.u32 v19, $0x1;
	[tilespmem:$0x960] =	vst v26  }
0x3e: {  	v31 =	vld [tilespmem:$0x1D0];
	v30 =	vshll.u32 v21, $0x1;
	[tilespmem:$0x970] =	vst v28  }
0x3f: {  	v33 =	vld [tilespmem:$0x1E0];
	v32 =	vshll.u32 v23, $0x1;
	[tilespmem:$0x980] =	vst v30  }
0x40: {  	v35 =	vld [tilespmem:$0x1F0];
	v34 =	vshll.u32 v25, $0x1;
	[tilespmem:$0x990] =	vst v32  }
0x41: {  	v37 =	vld [tilespmem:$0x200];
	v36 =	vshll.u32 v27, $0x1;
	[tilespmem:$0x9A0] =	vst v34  }
0x42: {  	v39 =	vld [tilespmem:$0x210];
	v38 =	vshll.u32 v29, $0x1;
	[tilespmem:$0x9B0] =	vst v36  }
0x43: {  	v41 =	vld [tilespmem:$0x220];
	[tilespmem:$0x9C0] =	vst v38;
	v40 =	vshll.u32 v31, $0x1  }
0x44: {  	v43 =	vld [tilespmem:$0x230];
	v42 =	vshll.u32 v33, $0x1;
	[tilespmem:$0x9D0] =	vst v40  }
0x45: {  	v45 =	vld [tilespmem:$0x240];
	v44 =	vshll.u32 v35, $0x1;
	[tilespmem:$0x9E0] =	vst v42  }
0x46: {  	v47 =	vld [tilespmem:$0x250];
	v46 =	vshll.u32 v37, $0x1;
	[tilespmem:$0x9F0] =	vst v44  }
0x47: {  	v49 =	vld [tilespmem:$0x260];
	v48 =	vshll.u32 v39, $0x1;
	[tilespmem:$0xA00] =	vst v46  }
0x48: {  	v51 =	vld [tilespmem:$0x270];
	[tilespmem:$0xA10] =	vst v48;
	v50 =	vshll.u32 v41, $0x1  }
0x49: {  	v53 =	vld [tilespmem:$0x280];
	v52 =	vshll.u32 v43, $0x1;
	[tilespmem:$0xA20] =	vst v50  }
0x4a: {  	v55 =	vld [tilespmem:$0x290];
	v54 =	vshll.u32 v45, $0x1;
	[tilespmem:$0xA30] =	vst v52  }
0x4b: {  	v57 =	vld [tilespmem:$0x2A0];
	v56 =	vshll.u32 v47, $0x1;
	[tilespmem:$0xA40] =	vst v54  }
0x4c: {  	v59 =	vld [tilespmem:$0x2B0];
	v58 =	vshll.u32 v49, $0x1;
	[tilespmem:$0xA50] =	vst v56  }
0x4d: {  	v61 =	vld [tilespmem:$0x2C0];
	v60 =	vshll.u32 v51, $0x1;
	[tilespmem:$0xA60] =	vst v58  }
0x4e: {  	v63 =	vld [tilespmem:$0x2D0];
	v62 =	vshll.u32 v53, $0x1;
	[tilespmem:$0xA70] =	vst v60  }
0x4f: {  	v9 =	vld [tilespmem:$0x2E0];
	v8 =	vshll.u32 v55, $0x1;
	[tilespmem:$0xA80] =	vst v62  }
0x50: {  	v11 =	vld [tilespmem:$0x2F0];
	v10 =	vshll.u32 v57, $0x1;
	[tilespmem:$0xA90] =	vst v8  }
0x51: {  	v13 =	vld [tilespmem:$0x300];
	v12 =	vshll.u32 v59, $0x1;
	[tilespmem:$0xAA0] =	vst v10  }
0x52: {  	v15 =	vld [tilespmem:$0x310];
	v14 =	vshll.u32 v61, $0x1;
	[tilespmem:$0xAB0] =	vst v12  }
0x53: {  	v17 =	vld [tilespmem:$0x320];
	v16 =	vshll.u32 v63, $0x1;
	[tilespmem:$0xAC0] =	vst v14  }
0x54: {  	v19 =	vld [tilespmem:$0x330];
	v18 =	vshll.u32 v9, $0x1;
	[tilespmem:$0xAD0] =	vst v16  }
0x55: {  	v21 =	vld [tilespmem:$0x340];
	v20 =	vshll.u32 v11, $0x1;
	[tilespmem:$0xAE0] =	vst v18  }
0x56: {  	v23 =	vld [tilespmem:$0x350];
	v22 =	vshll.u32 v13, $0x1;
	[tilespmem:$0xAF0] =	vst v20  }
0x57: {  	v25 =	vld [tilespmem:$0x360];
	v24 =	vshll.u32 v15, $0x1;
	[tilespmem:$0xB00] =	vst v22  }
0x58: {  	v27 =	vld [tilespmem:$0x370];
	v26 =	vshll.u32 v17, $0x1;
	[tilespmem:$0xB10] =	vst v24  }
0x59: {  	v29 =	vld [tilespmem:$0x380];
	v28 =	vshll.u32 v19, $0x1;
	[tilespmem:$0xB20] =	vst v26  }
0x5a: {  	v31 =	vld [tilespmem:$0x390];
	v30 =	vshll.u32 v21, $0x1;
	[tilespmem:$0xB30] =	vst v28  }
0x5b: {  	v33 =	vld [tilespmem:$0x3A0];
	v32 =	vshll.u32 v23, $0x1;
	[tilespmem:$0xB40] =	vst v30  }
0x5c: {  	v35 =	vld [tilespmem:$0x3B0];
	v34 =	vshll.u32 v25, $0x1;
	[tilespmem:$0xB50] =	vst v32  }
0x5d: {  	v37 =	vld [tilespmem:$0x3C0];
	v36 =	vshll.u32 v27, $0x1;
	[tilespmem:$0xB60] =	vst v34  }
0x5e: {  	v39 =	vld [tilespmem:$0x3D0];
	v38 =	vshll.u32 v29, $0x1;
	[tilespmem:$0xB70] =	vst v36  }
0x5f: {  	v41 =	vld [tilespmem:$0x3E0];
	[tilespmem:$0xB80] =	vst v38;
	v40 =	vshll.u32 v31, $0x1  }
0x60: {  	v43 =	vld [tilespmem:$0x3F0];
	v42 =	vshll.u32 v33, $0x1;
	[tilespmem:$0xB90] =	vst v40  }
0x61: {  	v45 =	vld [tilespmem:$0x400];
	v44 =	vshll.u32 v35, $0x1;
	[tilespmem:$0xBA0] =	vst v42  }
0x62: {  	v47 =	vld [tilespmem:$0x410];
	v46 =	vshll.u32 v37, $0x1;
	[tilespmem:$0xBB0] =	vst v44  }
0x63: {  	v49 =	vld [tilespmem:$0x420];
	v48 =	vshll.u32 v39, $0x1;
	[tilespmem:$0xBC0] =	vst v46  }
0x64: {  	v51 =	vld [tilespmem:$0x430];
	[tilespmem:$0xBD0] =	vst v48;
	v50 =	vshll.u32 v41, $0x1  }
0x65: {  	v53 =	vld [tilespmem:$0x440];
	v52 =	vshll.u32 v43, $0x1;
	[tilespmem:$0xBE0] =	vst v50  }
0x66: {  	v55 =	vld [tilespmem:$0x450];
	v54 =	vshll.u32 v45, $0x1;
	[tilespmem:$0xBF0] =	vst v52  }
0x67: {  	v57 =	vld [tilespmem:$0x460];
	v56 =	vshll.u32 v47, $0x1;
	[tilespmem:$0xC00] =	vst v54  }
0x68: {  	v59 =	vld [tilespmem:$0x470];
	v58 =	vshll.u32 v49, $0x1;
	[tilespmem:$0xC10] =	vst v56  }
0x69: {  	v61 =	vld [tilespmem:$0x480];
	v60 =	vshll.u32 v51, $0x1;
	[tilespmem:$0xC20] =	vst v58  }
0x6a: {  	v63 =	vld [tilespmem:$0x490];
	v62 =	vshll.u32 v53, $0x1;
	[tilespmem:$0xC30] =	vst v60  }
0x6b: {  	v9 =	vld [tilespmem:$0x4A0];
	v8 =	vshll.u32 v55, $0x1;
	[tilespmem:$0xC40] =	vst v62  }
0x6c: {  	v11 =	vld [tilespmem:$0x4B0];
	v10 =	vshll.u32 v57, $0x1;
	[tilespmem:$0xC50] =	vst v8  }
0x6d: {  	v13 =	vld [tilespmem:$0x4C0];
	v12 =	vshll.u32 v59, $0x1;
	[tilespmem:$0xC60] =	vst v10  }
0x6e: {  	v15 =	vld [tilespmem:$0x4D0];
	v14 =	vshll.u32 v61, $0x1;
	[tilespmem:$0xC70] =	vst v12  }
0x6f: {  	v17 =	vld [tilespmem:$0x4E0];
	v16 =	vshll.u32 v63, $0x1;
	[tilespmem:$0xC80] =	vst v14  }
0x70: {  	v19 =	vld [tilespmem:$0x4F0];
	v18 =	vshll.u32 v9, $0x1;
	[tilespmem:$0xC90] =	vst v16  }
0x71: {  	v21 =	vld [tilespmem:$0x500];
	v20 =	vshll.u32 v11, $0x1;
	[tilespmem:$0xCA0] =	vst v18  }
0x72: {  	v23 =	vld [tilespmem:$0x510];
	v22 =	vshll.u32 v13, $0x1;
	[tilespmem:$0xCB0] =	vst v20  }
0x73: {  	v25 =	vld [tilespmem:$0x520];
	v24 =	vshll.u32 v15, $0x1;
	[tilespmem:$0xCC0] =	vst v22  }
0x74: {  	v27 =	vld [tilespmem:$0x530];
	v26 =	vshll.u32 v17, $0x1;
	[tilespmem:$0xCD0] =	vst v24  }
0x75: {  	v29 =	vld [tilespmem:$0x540];
	v28 =	vshll.u32 v19, $0x1;
	[tilespmem:$0xCE0] =	vst v26  }
0x76: {  	v31 =	vld [tilespmem:$0x550];
	v30 =	vshll.u32 v21, $0x1;
	[tilespmem:$0xCF0] =	vst v28  }
0x77: {  	v33 =	vld [tilespmem:$0x560];
	v32 =	vshll.u32 v23, $0x1;
	[tilespmem:$0xD00] =	vst v30  }
0x78: {  	v35 =	vld [tilespmem:$0x570];
	v34 =	vshll.u32 v25, $0x1;
	[tilespmem:$0xD10] =	vst v32  }
0x79: {  	v37 =	vld [tilespmem:$0x580];
	v36 =	vshll.u32 v27, $0x1;
	[tilespmem:$0xD20] =	vst v34  }
0x7a: {  	v39 =	vld [tilespmem:$0x590];
	v38 =	vshll.u32 v29, $0x1;
	[tilespmem:$0xD30] =	vst v36  }
0x7b: {  	v41 =	vld [tilespmem:$0x5A0];
	[tilespmem:$0xD40] =	vst v38;
	v40 =	vshll.u32 v31, $0x1  }
0x7c: {  	v43 =	vld [tilespmem:$0x5B0];
	v42 =	vshll.u32 v33, $0x1;
	[tilespmem:$0xD50] =	vst v40  }
0x7d: {  	v45 =	vld [tilespmem:$0x5C0];
	v44 =	vshll.u32 v35, $0x1;
	[tilespmem:$0xD60] =	vst v42  }
0x7e: {  	v47 =	vld [tilespmem:$0x5D0];
	v46 =	vshll.u32 v37, $0x1;
	[tilespmem:$0xD70] =	vst v44  }
0x7f: {  	v49 =	vld [tilespmem:$0x5E0];
	v48 =	vshll.u32 v39, $0x1;
	[tilespmem:$0xD80] =	vst v46  }
0x80: {  	v51 =	vld [tilespmem:$0x5F0];
	[tilespmem:$0xD90] =	vst v48;
	v50 =	vshll.u32 v41, $0x1  }
0x81: {  	v53 =	vld [tilespmem:$0x600];
	v52 =	vshll.u32 v43, $0x1;
	[tilespmem:$0xDA0] =	vst v50  }
0x82: {  	v55 =	vld [tilespmem:$0x610];
	v54 =	vshll.u32 v45, $0x1;
	[tilespmem:$0xDB0] =	vst v52  }
0x83: {  	v57 =	vld [tilespmem:$0x620];
	v56 =	vshll.u32 v47, $0x1;
	[tilespmem:$0xDC0] =	vst v54  }
0x84: {  	v59 =	vld [tilespmem:$0x630];
	v58 =	vshll.u32 v49, $0x1;
	[tilespmem:$0xDD0] =	vst v56  }
0x85: {  	v61 =	vld [tilespmem:$0x640];
	v60 =	vshll.u32 v51, $0x1;
	[tilespmem:$0xDE0] =	vst v58  }
0x86: {  	v63 =	vld [tilespmem:$0x650];
	v62 =	vshll.u32 v53, $0x1;
	[tilespmem:$0xDF0] =	vst v60  }
0x87: {  	v8 =	vld [tilespmem:$0x660];
	v7 =	vshll.u32 v55, $0x1;
	[tilespmem:$0xE00] =	vst v62  }
0x88: {  	v10 =	vld [tilespmem:$0x670];
	v9 =	vshll.u32 v57, $0x1;
	[tilespmem:$0xE10] =	vst v7  }
0x89: {  	v12 =	vld [tilespmem:$0x680];
	v11 =	vshll.u32 v59, $0x1;
	[tilespmem:$0xE20] =	vst v9  }
0x8a: {  	v14 =	vld [tilespmem:$0x690];
	v13 =	vshll.u32 v61, $0x1;
	[tilespmem:$0xE30] =	vst v11  }
0x8b: {  	v16 =	vld [tilespmem:$0x6A0];
	v15 =	vshll.u32 v63, $0x1;
	[tilespmem:$0xE40] =	vst v13  }
0x8c: {  	v18 =	vld [tilespmem:$0x6B0];
	[tilespmem:$0xE50] =	vst v15;
	v17 =	vshll.u32 v8, $0x1  }
0x8d: {  	v20 =	vld [tilespmem:$0x6C0];
	v19 =	vshll.u32 v10, $0x1;
	[tilespmem:$0xE60] =	vst v17  }
0x8e: {  	v22 =	vld [tilespmem:$0x6D0];
	v21 =	vshll.u32 v12, $0x1;
	[tilespmem:$0xE70] =	vst v19  }
0x8f: {  	v24 =	vld [tilespmem:$0x6E0];
	v23 =	vshll.u32 v14, $0x1;
	[tilespmem:$0xE80] =	vst v21  }
0x90: {  	v26 =	vld [tilespmem:$0x6F0];
	v25 =	vshll.u32 v16, $0x1;
	[tilespmem:$0xE90] =	vst v23  }
0x91: {  	v28 =	vld [tilespmem:$0x700];
	v27 =	vshll.u32 v18, $0x1;
	[tilespmem:$0xEA0] =	vst v25  }
0x92: {  	v30 =	vld [tilespmem:$0x710];
	v29 =	vshll.u32 v20, $0x1;
	[tilespmem:$0xEB0] =	vst v27  }
0x93: {  	v32 =	vld [tilespmem:$0x720];
	v31 =	vshll.u32 v22, $0x1;
	[tilespmem:$0xEC0] =	vst v29  }
0x94: {  	v34 =	vld [tilespmem:$0x730];
	v33 =	vshll.u32 v24, $0x1;
	[tilespmem:$0xED0] =	vst v31  }
0x95: {  	v36 =	vld [tilespmem:$0x740];
	v35 =	vshll.u32 v26, $0x1;
	[tilespmem:$0xEE0] =	vst v33  }
0x96: {  	v38 =	vld [tilespmem:$0x750];
	v37 =	vshll.u32 v28, $0x1;
	[tilespmem:$0xEF0] =	vst v35  }
0x97: {  	v40 =	vld [tilespmem:$0x760];
	v39 =	vshll.u32 v30, $0x1;
	[tilespmem:$0xF00] =	vst v37  }
0x98: {  	v42 =	vld [tilespmem:$0x770];
	v41 =	vshll.u32 v32, $0x1;
	[tilespmem:$0xF10] =	vst v39  }
0x99: {  	v44 =	vld [tilespmem:$0x780];
	v43 =	vshll.u32 v34, $0x1;
	[tilespmem:$0xF20] =	vst v41  }
0x9a: {  	v46 =	vld [tilespmem:$0x790];
	v45 =	vshll.u32 v36, $0x1;
	[tilespmem:$0xF30] =	vst v43  }
0x9b: {  	v48 =	vld [tilespmem:$0x7A0];
	v47 =	vshll.u32 v38, $0x1;
	[tilespmem:$0xF40] =	vst v45  }
0x9c: {  	v50 =	vld [tilespmem:$0x7B0];
	[tilespmem:$0xF50] =	vst v47;
	v49 =	vshll.u32 v40, $0x1  }
0x9d: {  	v52 =	vld [tilespmem:$0x7C0];
	v51 =	vshll.u32 v42, $0x1;
	[tilespmem:$0xF60] =	vst v49  }
0x9e: {  	v54 =	vld [tilespmem:$0x7D0];
	v53 =	vshll.u32 v44, $0x1;
	[tilespmem:$0xF70] =	vst v51  }
0x9f: {  	v56 =	vld [tilespmem:$0x7E0];
	v55 =	vshll.u32 v46, $0x1;
	[tilespmem:$0xF80] =	vst v53  }
0xa0: {  	v58 =	vld [tilespmem:$0x7F0];
	v57 =	vshll.u32 v48, $0x1;
	[tilespmem:$0xF90] =	vst v55  }
0xa1: {  	[tilespmem:$0xFA0] =	vst v57;
	v59 =	vshll.u32 v50, $0x1  }
0xa2: {  	v60 =	vshll.u32 v52, $0x1;
	[tilespmem:$0xFB0] =	vst v59  }
0xa3: {  	v61 =	vshll.u32 v54, $0x1;
	[tilespmem:$0xFC0] =	vst v60  }
0xa4: {  	v62 =	vshll.u32 v56, $0x1;
	[tilespmem:$0xFD0] =	vst v61  }
0xa5: {  	v63 =	vshll.u32 v58, $0x1;
	[tilespmem:$0xFE0] =	vst v62  }
0xa6: {  	s0 =	rddreg [dreg:$0x13];
	[tilespmem:$0xFF0] =	vst v63  }
0xa7: {  	[tilespmem:s8], [sflag:$0x1] =	stream.indirect.gather [hbm4b:s4+s7], $0x40, s0, s7, $0xb8;
	[tilespmem:$0xD000] =	vst v63  }
0xa8: {  	_ = 	snop  }
0xa9: {  	[tilespmem:s10], [sflag:$0x1] =	stream.indirect.gather [hbm4b:s4+s7], $0x40, s9, s7, $0xb8;
	[tilespmem:$0xD000] =	vst v63  }
0xaa: {  	_ = 	snop  }
0xab: {  	[tilespmem:s12], [sflag:$0x1] =	stream.indirect.gather [hbm4b:s4+s7], $0x40, s11, s7, $0xb8;
	[tilespmem:$0xD000] =	vst v63  }
0xac: {  	_ = 	snop  }
0xad: {  	[tilespmem:s14], [sflag:$0x1] =	stream.indirect.gather [hbm4b:s4+s7], $0x40, s13, s7, $0xb8;
	[tilespmem:$0xD000] =	vst v63  }
0xae: {  	_ = 	snop  }
0xaf: {  	[tilespmem:s16], [sflag:$0x1] =	stream.indirect.gather [hbm4b:s4+s7], $0x40, s15, s7, $0xb8;
	[tilespmem:$0xD000] =	vst v63  }
0xb0: {  	_ = 	snop  }
0xb1: {  	[tilespmem:s18], [sflag:$0x1] =	stream.indirect.gather [hbm4b:s4+s7], $0x40, s17, s7, $0xb8;
	[tilespmem:$0xD000] =	vst v63  }
0xb2: {  	_ =	swait.ge [sflag:s19], $0x2000  }
0xb3: {  	[sflag:s19] =	ssyncset.done $0x0  }
0xb4: {  	[sflag:s19] =	ssyncadd.s32 $0xFFFFE000  }
0xb5: {  	[hbm4b:s3+s20] =	stream.strided.scatter [tilespmem:s8], [sflag:$0x2], $0x2000, s7, s20, $0x38;
	[tilespmem:$0xD000] =	vst v63  }
0xb6: {  	_ =	swait.ge [sflag:s21], $0x2000  }
0xb7: {  	[sflag:s21] =	ssyncset.done $0x0  }
0xb8: {  	[sflag:s21] =	ssyncadd.s32 $0xFFFFE000  }
0xb9: {  	[tilespmem:s8], [sflag:$0x1] =	stream.indirect.gather [hbm4b:s4+s7], $0x40, s22, s7, $0xb8;
	[tilespmem:$0xD000] =	vst v63  }
0xba: {  	_ =	swait.ge [sflag:s19], $0x2000  }
0xbb: {  	[sflag:s19] =	ssyncset.done $0x0  }
0xbc: {  	s0 =	rddreg [dreg:$0x4];
	[sflag:s19] =	ssyncadd.s32 $0xFFFFE000  }
0xbd: {  	[hbm4b:s0+s20] =	stream.strided.scatter [tilespmem:s10], [sflag:$0x2], $0x2000, s7, s20, $0x38;
	[tilespmem:$0xD000] =	vst v63  }
0xbe: {  	_ =	swait.ge [sflag:s21], $0x2000  }
0xbf: {  	[sflag:s21] =	ssyncset.done $0x0  }
0xc0: {  	[sflag:s21] =	ssyncadd.s32 $0xFFFFE000  }
0xc1: {  	[tilespmem:s10], [sflag:$0x1] =	stream.indirect.gather [hbm4b:s4+s7], $0x40, s23, s7, $0xb8;
	[tilespmem:$0xD000] =	vst v63  }
0xc2: {  	_ =	swait.ge [sflag:s19], $0x2000  }
0xc3: {  	[sflag:s19] =	ssyncset.done $0x0  }
0xc4: {  	s0 =	rddreg [dreg:$0x5];
	[sflag:s19] =	ssyncadd.s32 $0xFFFFE000  }
0xc5: {  	[hbm4b:s0+s20] =	stream.strided.scatter [tilespmem:s12], [sflag:$0x2], $0x2000, s7, s20, $0x38;
	[tilespmem:$0xD000] =	vst v63  }
0xc6: {  	_ =	swait.ge [sflag:s21], $0x2000  }
0xc7: {  	[sflag:s21] =	ssyncset.done $0x0  }
0xc8: {  	[sflag:s21] =	ssyncadd.s32 $0xFFFFE000  }
0xc9: {  	[tilespmem:s12], [sflag:$0x1] =	stream.indirect.gather [hbm4b:s4+s7], $0x40, s24, s7, $0xb8;
	[tilespmem:$0xD000] =	vst v63  }
0xca: {  	_ =	swait.ge [sflag:s19], $0x2000  }
0xcb: {  	[sflag:s19] =	ssyncset.done $0x0  }
0xcc: {  	s0 =	rddreg [dreg:$0x6];
	[sflag:s19] =	ssyncadd.s32 $0xFFFFE000  }
0xcd: {  	[hbm4b:s0+s20] =	stream.strided.scatter [tilespmem:s14], [sflag:$0x2], $0x2000, s7, s20, $0x38;
	[tilespmem:$0xD000] =	vst v63  }
0xce: {  	_ =	swait.ge [sflag:s21], $0x2000  }
0xcf: {  	[sflag:s21] =	ssyncset.done $0x0  }
0xd0: {  	[sflag:s21] =	ssyncadd.s32 $0xFFFFE000  }
0xd1: {  	[tilespmem:s14], [sflag:$0x1] =	stream.indirect.gather [hbm4b:s4+s7], $0x40, s25, s7, $0xb8;
	[tilespmem:$0xD000] =	vst v63  }
0xd2: {  	_ =	swait.ge [sflag:s19], $0x2000  }
0xd3: {  	[sflag:s19] =	ssyncset.done $0x0  }
0xd4: {  	s0 =	rddreg [dreg:$0x7];
	[sflag:s19] =	ssyncadd.s32 $0xFFFFE000  }
0xd5: {  	[hbm4b:s0+s20] =	stream.strided.scatter [tilespmem:s16], [sflag:$0x2], $0x2000, s7, s20, $0x38;
	[tilespmem:$0xD000] =	vst v63  }
0xd6: {  	_ =	swait.ge [sflag:s21], $0x2000  }
0xd7: {  	[sflag:s21] =	ssyncset.done $0x0  }
0xd8: {  	[sflag:s21] =	ssyncadd.s32 $0xFFFFE000  }
0xd9: {  	[tilespmem:s16], [sflag:$0x1] =	stream.indirect.gather [hbm4b:s4+s7], $0x40, s26, s7, $0xb8;
	[tilespmem:$0xD000] =	vst v63  }
0xda: {  	_ =	swait.ge [sflag:s19], $0x2000  }
0xdb: {  	[sflag:s19] =	ssyncset.done $0x0  }
0xdc: {  	s0 =	rddreg [dreg:$0x8];
	[sflag:s19] =	ssyncadd.s32 $0xFFFFE000  }
0xdd: {  	[hbm4b:s0+s20] =	stream.strided.scatter [tilespmem:s18], [sflag:$0x2], $0x2000, s7, s20, $0x38;
	[tilespmem:$0xD000] =	vst v63  }
0xde: {  	_ =	swait.ge [sflag:s21], $0x2000  }
0xdf: {  	[sflag:s21] =	ssyncset.done $0x0  }
0xe0: {  	[sflag:s21] =	ssyncadd.s32 $0xFFFFE000  }
0xe1: {  	[tilespmem:s18], [sflag:$0x1] =	stream.indirect.gather [hbm4b:s4+s7], $0x40, s28, s7, $0xb8;
	[tilespmem:$0xD000] =	vst v63  }
0xe2: {  	_ =	swait.ge [sflag:s19], $0x2000  }
0xe3: {  	[sflag:s19] =	ssyncset.done $0x0  }
0xe4: {  	s0 =	rddreg [dreg:$0x9];
	[sflag:s19] =	ssyncadd.s32 $0xFFFFE000  }
0xe5: {  	[hbm4b:s0+s20] =	stream.strided.scatter [tilespmem:s8], [sflag:$0x2], $0x2000, s7, s20, $0x38;
	[tilespmem:$0xD000] =	vst v63  }
0xe6: {  	_ =	swait.ge [sflag:s21], $0x2000  }
0xe7: {  	[sflag:s21] =	ssyncset.done $0x0  }
0xe8: {  	[sflag:s21] =	ssyncadd.s32 $0xFFFFE000  }
0xe9: {  	[tilespmem:s8], [sflag:$0x1] =	stream.indirect.gather [hbm4b:s4+s7], $0x40, s29, s7, $0xb8;
	[tilespmem:$0xD000] =	vst v63  }
0xea: {  	_ =	swait.ge [sflag:s19], $0x2000  }
0xeb: {  	[sflag:s19] =	ssyncset.done $0x0  }
0xec: {  	s0 =	rddreg [dreg:$0xa];
	[sflag:s19] =	ssyncadd.s32 $0xFFFFE000  }
0xed: {  	[hbm4b:s0+s20] =	stream.strided.scatter [tilespmem:s10], [sflag:$0x2], $0x2000, s7, s20, $0x38;
	[tilespmem:$0xD000] =	vst v63  }
0xee: {  	_ =	swait.ge [sflag:s21], $0x2000  }
0xef: {  	[sflag:s21] =	ssyncset.done $0x0  }
0xf0: {  	[sflag:s21] =	ssyncadd.s32 $0xFFFFE000  }
0xf1: {  	[tilespmem:s10], [sflag:$0x1] =	stream.indirect.gather [hbm4b:s4+s7], $0x40, s30, s7, $0xb8;
	[tilespmem:$0xD000] =	vst v63  }
0xf2: {  	_ =	swait.ge [sflag:s19], $0x2000  }
0xf3: {  	[sflag:s19] =	ssyncset.done $0x0  }
0xf4: {  	s0 =	rddreg [dreg:$0xb];
	[sflag:s19] =	ssyncadd.s32 $0xFFFFE000  }
0xf5: {  	[hbm4b:s0+s20] =	stream.strided.scatter [tilespmem:s12], [sflag:$0x2], $0x2000, s7, s20, $0x38;
	[tilespmem:$0xD000] =	vst v63  }
0xf6: {  	_ =	swait.ge [sflag:s21], $0x2000  }
0xf7: {  	[sflag:s21] =	ssyncset.done $0x0  }
0xf8: {  	[sflag:s21] =	ssyncadd.s32 $0xFFFFE000  }
0xf9: {  	[tilespmem:s12], [sflag:$0x1] =	stream.indirect.gather [hbm4b:s4+s7], $0x40, s31, s7, $0xb8;
	[tilespmem:$0xD000] =	vst v63  }
0xfa: {  	_ =	swait.ge [sflag:s19], $0x2000  }
0xfb: {  	[sflag:s19] =	ssyncset.done $0x0  }
0xfc: {  	s0 =	rddreg [dreg:$0xc];
	[sflag:s19] =	ssyncadd.s32 $0xFFFFE000  }
0xfd: {  	[hbm4b:s0+s20] =	stream.strided.scatter [tilespmem:s14], [sflag:$0x2], $0x2000, s7, s20, $0x38;
	[tilespmem:$0xD000] =	vst v63  }
0xfe: {  	_ =	swait.ge [sflag:s21], $0x2000  }
0xff: {  	[sflag:s21] =	ssyncset.done $0x0  }
0x100: {  	[sflag:s21] =	ssyncadd.s32 $0xFFFFE000  }
0x101: {  	[tilespmem:s14], [sflag:$0x1] =	stream.indirect.gather [hbm4b:s4+s7], $0x40, s1, s7, $0xb8;
	[tilespmem:$0xD000] =	vst v63  }
0x102: {  	_ =	swait.ge [sflag:s19], $0x2000  }
0x103: {  	[sflag:s19] =	ssyncset.done $0x0  }
0x104: {  	s0 =	rddreg [dreg:$0xd];
	[sflag:s19] =	ssyncadd.s32 $0xFFFFE000  }
0x105: {  	[hbm4b:s0+s20] =	stream.strided.scatter [tilespmem:s16], [sflag:$0x2], $0x2000, s7, s20, $0x38;
	[tilespmem:$0xD000] =	vst v63  }
0x106: {  	_ =	swait.ge [sflag:s19], $0x2000  }
0x107: {  	[sflag:s19] =	ssyncset.done $0x0  }
0x108: {  	s0 =	rddreg [dreg:$0xe];
	[sflag:s19] =	ssyncadd.s32 $0xFFFFE000  }
0x109: {  	[hbm4b:s0+s20] =	stream.strided.scatter [tilespmem:s18], [sflag:$0x2], $0x2000, s7, s20, $0x38;
	[tilespmem:$0xD000] =	vst v63  }
0x10a: {  	_ =	swait.ge [sflag:s19], $0x2000  }
0x10b: {  	[sflag:s19] =	ssyncset.done $0x0  }
0x10c: {  	s0 =	rddreg [dreg:$0xf];
	[sflag:s19] =	ssyncadd.s32 $0xFFFFE000  }
0x10d: {  	[hbm4b:s0+s20] =	stream.strided.scatter [tilespmem:s8], [sflag:$0x2], $0x2000, s7, s20, $0x38;
	[tilespmem:$0xD000] =	vst v63  }
0x10e: {  	_ =	swait.ge [sflag:s19], $0x2000  }
0x10f: {  	[sflag:s19] =	ssyncset.done $0x0  }
0x110: {  	s0 =	rddreg [dreg:$0x10];
	[sflag:s19] =	ssyncadd.s32 $0xFFFFE000  }
0x111: {  	[hbm4b:s0+s20] =	stream.strided.scatter [tilespmem:s10], [sflag:$0x2], $0x2000, s7, s20, $0x38;
	[tilespmem:$0xD000] =	vst v63  }
0x112: {  	_ =	swait.ge [sflag:s19], $0x2000  }
0x113: {  	[sflag:s19] =	ssyncset.done $0x0  }
0x114: {  	s0 =	rddreg [dreg:$0x11];
	[sflag:s19] =	ssyncadd.s32 $0xFFFFE000  }
0x115: {  	[hbm4b:s0+s20] =	stream.strided.scatter [tilespmem:s12], [sflag:$0x2], $0x2000, s7, s20, $0x38;
	[tilespmem:$0xD000] =	vst v63  }
0x116: {  	_ =	swait.ge [sflag:s19], $0x2000  }
0x117: {  	[sflag:s19] =	ssyncset.done $0x0  }
0x118: {  	s0 =	rddreg [dreg:$0x12];
	[sflag:s19] =	ssyncadd.s32 $0xFFFFE000  }
0x119: {  	[hbm4b:s0+s20] =	stream.strided.scatter [tilespmem:s14], [sflag:$0x2], $0x2000, s7, s20, $0x38;
	[tilespmem:$0xD000] =	vst v63  }
0x11a: {  	_ =	swait.ge [sflag:s21], $0x2000  }
0x11b: {  	[sflag:s21] =	ssyncset.done $0x0  }
0x11c: {  	[sflag:s21] =	ssyncadd.s32 $0xFFFFE000  }
0x11d: {  	_ =	swait.ge [sflag:s21], $0x2000  }
0x11e: {  	[sflag:s21] =	ssyncset.done $0x0  }
0x11f: {  	[sflag:s21] =	ssyncadd.s32 $0xFFFFE000  }
0x120: {  	_ =	swait.ge [sflag:s21], $0x2000  }
0x121: {  	[sflag:s21] =	ssyncset.done $0x0  }
0x122: {  	[sflag:s21] =	ssyncadd.s32 $0xFFFFE000  }
0x123: {  	_ =	swait.ge [sflag:s21], $0x2000  }
0x124: {  	[sflag:s21] =	ssyncset.done $0x0  }
0x125: {  	[sflag:s21] =	ssyncadd.s32 $0xFFFFE000  }
0x126: {  	p0 =	sne.s32 s5, $0x1;
	_ =	swait.ge [sflag:s21], $0x2000  }
.Ltmp0:
0x127: {  	[sflag:s21] =	ssyncset.done $0x0;
	(pc) =	sbr.rel @p0 .LBB2_1-.Ltmp0, $4  }
0x128: {  	[sflag:s21] =	ssyncadd.s32 $0xFFFFE000  }
0x129: {  	_ =	swait.ge [sflag:s21], $0x2000  }
0x12a: {  	[sflag:s21] =	ssyncset.done $0x0  }
0x12b: {  	s5 =	sadd.s32 $0xFFFFFFFF, s5;
	[sflag:s21] =	ssyncadd.s32 $0xFFFFE000  }
0x12c: {  	_ =	sfence.sel $0x180000  }
0x12d: {  	[bflag:$0x0] =	sbarrier.arrive $0xFFFF  }
0x12e: {  	_ =	strace $0x90000047  }
0x12f: {  	s0 =	stileid.u32;
	[bflag:$0x2] =	sbarrier.arrive $0xFFFF  }
0x130: {  	p0 =	sne.s32 s0, $0x0;
	s0 =	rddreg [dreg:$0x2]  }
0x131: {  	s0 =	sadd.s32 @!p0 $0x100000, s0  }
0x132: {  	[sflag:s0] =	ssyncadd.tile.s32 @!p0 $0x1;
	_ =	shalt  }
.Lfunc_end2:
_tile_overlayer_lowered:
.L_overlay_start_2:
0x133: {  	(tag) =	ssettag $0x2  }
0x134: {  	s0 =	rddreg [dreg:$0x0];
	s2 =	stileid.u32  }
0x135: {  	s1 =	rddreg [dreg:$0x1];
	p0 =	sne.s32 s2, $0x0  }
0x136: {  	s3 =	rddreg [dreg:$0x2];
	[bflag:$0x3] =	sbarrier.arrive $0xFFFF;
	s2 =	simm.s32 @!p0 $0x1C03  }
0x137: {  	[timem:s3], [sflag:s2] =	dma.local @!p0 [hbm:s0], s1  }
0x138: {  	s0 =	simm.s32 @!p0 $0x3  }
0x139: {  	_ =	swait.ge @!p0 [sflag:s0], s1  }
0x13a: {  	s1 =	ssub.s32 @!p0 $0x0, s1;
	[sflag:s0] =	ssyncset.done @!p0 $0x0  }
0x13b: {  	[sflag:s0] =	ssyncadd.s32 @!p0 s1  }
0x13c: {  	[bflag:$0x3] =	sbarrier.arrive $0xFFFF  }
0x13d: {  	_ =	shalt  }

</sc_bundles>
